<compile_context>
chip_gen: v7x
topology: tpu7x:2x2x1
jax: 0.10.2.dev20260603
libtpu: 0.0.44.dev20260713+nightly
codegen_flags: <defaults>
</compile_context>

<pallas_src>
import functools

import jax
import jax.numpy as jnp
from jax.experimental import pallas as pl
from jax.experimental.pallas import tpu as pltpu
from jax.experimental.pallas import tpu_sc as plsc

_B = 16
_T = 256
_D = 256
_NC = 256
_BETA = 0.25
_BM = 2048
_GRID = (_B * _T) // _BM
_TH = _T // 2


def _dist_body(z_ref, w_ref, d_ref):
    zb = z_ref[...]
    w = w_ref[...]
    s_z = jnp.sum(zb * zb, axis=1, keepdims=True)
    s_w = jnp.sum(w * w, axis=1)
    c = jax.lax.dot_general(zb, w, (((1,), (1,)), ((), ())),
                            preferred_element_type=jnp.float32)
    d_ref[...] = (s_z + s_w[None, :]) - 2.0 * c


_dist = pl.pallas_call(
    _dist_body,
    grid=(_GRID,),
    in_specs=[
        pl.BlockSpec((_BM, _D), lambda i: (i, 0)),
        pl.BlockSpec((_NC, _D), lambda i: (0, 0)),
    ],
    out_specs=pl.BlockSpec((_BM, _NC), lambda i: (i, 0)),
    out_shape=jax.ShapeDtypeStruct((_B * _T, _NC), jnp.float32),
)


def _scan_body(d_hbm, ind_hbm, stats_hbm,
               d_v, ind_a, ind_b, s_v, sem0, sem1, sem2):
    c = jax.lax.axis_index("c")
    s = jax.lax.axis_index("s")
    wid = s + 0 * c

    @pl.when(wid < _B)
    def _():
        cp0 = pltpu.async_copy(
            d_hbm.at[wid, pl.ds(0, 48)], d_v.at[pl.ds(0, 48)], sem0)
        cp1 = pltpu.async_copy(
            d_hbm.at[wid, pl.ds(48, _TH - 48)], d_v.at[pl.ds(48, _TH - 48)],
            sem1)
        cp_in = pltpu.async_copy(
            d_hbm.at[wid, pl.ds(_TH, _T - _TH)], d_v.at[pl.ds(_TH, _T - _TH)],
            sem2)
        cp0.wait()
        lanes = jax.lax.iota(jnp.int32, 16)
        zeros = jnp.zeros((16,), jnp.int32)
        ones = jnp.full((16,), 1, jnp.int32)

        def step(t, ind, h0, h1, accl, acc, k):
            row_n = jnp.full((16,), t + 1, jnp.int32)
            v0 = plsc.load_gather(d_v, [row_n, ind])
            v1 = plsc.load_gather(d_v, [row_n, ind + 1])
            v2 = plsc.load_gather(d_v, [row_n, ind + 2])
            le = h0 <= h1
            ind = jnp.where(le, ind, ind + 1)
            accl = accl + jnp.where(le, h0, h1)
            acc = jnp.where(lanes == k, ind, acc)
            h0 = jnp.where(le, v0, v1)
            h1 = jnp.where(le, v1, v2)
            return ind, h0, h1, accl, acc

        accl = plsc.load_gather(d_v, [zeros, zeros])
        ind = zeros
        acc = zeros
        h0 = plsc.load_gather(d_v, [ones, zeros])
        h1 = plsc.load_gather(d_v, [ones, ones])
        for k in range(1, 16):
            ind, h0, h1, accl, acc = step(jnp.int32(k), ind, h0, h1,
                                          accl, acc, k)
        ind_a[pl.ds(0, 16)] = acc

        def outer_a(g, carry):
            ind, h0, h1, accl = carry
            base = g * 16
            acc = jnp.zeros((16,), jnp.int32)
            for k in range(16):
                ind, h0, h1, accl, acc = step(base + k, ind, h0, h1,
                                              accl, acc, k)
            ind_a[pl.ds(base, 16)] = acc
            return ind, h0, h1, accl

        def outer_b(g, carry):
            ind, h0, h1, accl = carry
            base = g * 16
            acc = jnp.zeros((16,), jnp.int32)
            for k in range(16):
                ind, h0, h1, accl, acc = step(base + k, ind, h0, h1,
                                              accl, acc, k)
            ind_b[pl.ds(base - _TH, 16)] = acc
            return ind, h0, h1, accl

        carry = (ind, h0, h1, accl)
        carry = jax.lax.fori_loop(1, 2, outer_a, carry)
        cp1.wait()
        carry = jax.lax.fori_loop(2, 7, outer_a, carry)
        cp_in.wait()
        carry = jax.lax.fori_loop(7, _TH // 16, outer_a, carry)
        pltpu.sync_copy(ind_a, ind_hbm.at[wid, pl.ds(0, _TH)])
        carry = jax.lax.fori_loop(_TH // 16, _T // 16, outer_b, carry)
        pltpu.sync_copy(ind_b, ind_hbm.at[wid, pl.ds(_TH, _T - _TH)])
        s_v[...] = carry[3]
        pltpu.sync_copy(s_v, stats_hbm.at[wid])


_scan = functools.partial(
    pl.kernel,
    out_type=[
        jax.ShapeDtypeStruct((_B, _T), jnp.int32),
        jax.ShapeDtypeStruct((_B, 16), jnp.float32),
    ],
    mesh=plsc.VectorSubcoreMesh(core_axis_name="c", subcore_axis_name="s",
                                num_cores=1),
    compiler_params=pltpu.CompilerParams(
        use_tc_tiling_on_sc=False, needs_layout_passes=False),
    scratch_types=[
        pltpu.VMEM((_T + 2, _NC), jnp.float32),
        pltpu.VMEM((_TH,), jnp.int32),
        pltpu.VMEM((_TH,), jnp.int32),
        pltpu.VMEM((16,), jnp.float32),
        pltpu.SemaphoreType.DMA,
        pltpu.SemaphoreType.DMA,
        pltpu.SemaphoreType.DMA,
    ],
)(_scan_body)


def _zq_body(ind_ref, w_ref, st_ref, zq_ref, loss_ref, v_ref):
    pid = pl.program_id(0)
    ind = ind_ref[...]
    w = w_ref[...]
    iot = jax.lax.broadcasted_iota(jnp.int32, (_BM, _NC), 1)
    oh = jnp.where(iot == ind, 1.0, 0.0).astype(jnp.float32)
    zq_ref[...] = jax.lax.dot_general(oh, w, (((1,), (0,)), ((), ())),
                                      precision=jax.lax.Precision.HIGHEST,
                                      preferred_element_type=jnp.float32)
    pmax = jnp.max(ind)

    @pl.when(pid == 0)
    def _():
        v_ref[0, 0] = pmax

    @pl.when(pid != 0)
    def _():
        v_ref[0, 0] = jnp.maximum(v_ref[0, 0], pmax)

    @pl.when(pid == _GRID - 1)
    def _():
        m = jnp.sum(st_ref[:, 0:1]) * jnp.float32(1.0 / (_B * _T * _D))
        loss_ref[0, 0] = jnp.float32(_BETA) * m + m


_zq = pl.pallas_call(
    _zq_body,
    grid=(_GRID,),
    in_specs=[
        pl.BlockSpec((_BM, 1), lambda i: (i, 0)),
        pl.BlockSpec((_NC, _D), lambda i: (0, 0)),
        pl.BlockSpec((_B, 16), lambda i: (0, 0)),
    ],
    out_specs=[
        pl.BlockSpec((_BM, _D), lambda i: (i, 0)),
        pl.BlockSpec((1, 1), lambda i: (0, 0), memory_space=pltpu.SMEM),
        pl.BlockSpec((1, 1), lambda i: (0, 0), memory_space=pltpu.SMEM),
    ],
    out_shape=[
        jax.ShapeDtypeStruct((_B * _T, _D), jnp.float32),
        jax.ShapeDtypeStruct((1, 1), jnp.float32),
        jax.ShapeDtypeStruct((1, 1), jnp.int32),
    ],
)


def kernel(z, weight):
    zf = z.reshape(_B * _T, _D)
    d = _dist(zf, weight)
    ind, stats = _scan(d.reshape(_B, _T, _NC))
    zq, loss, vmax = _zq(ind.reshape(_B * _T, 1), weight, stats)
    return (zq.reshape(z.shape), loss.reshape(()), ind, vmax.reshape(()))

# --- scband reference (transcript-rebuilt; emitter-appended) ---
"""Pipeline reference for scband-vqneighbor-52707838657025 (READ-ONLY COPY).

The authoritative reference and input builder live on the scoring server;
editing this copy changes nothing except your own understanding.
"""

import jax, jax.numpy as jnp
import numpy as np

N_E = 1024
E_DIM = 256
BETA = 0.25
B = 16
T = 256


def setup_inputs(seed: int = 0) -> dict:
    key = jax.random.key(seed)
    k1, k2 = jax.random.split(key)
    z = jax.random.normal(k1, (B, T, E_DIM), dtype=jnp.float32)
    # nn.Embedding(1 + n_e, e_dim) initialized uniform(-1/n_e, 1/n_e)
    weight = jax.random.uniform(k2, (1 + N_E, E_DIM), minval=-1.0 / N_E, maxval=1.0 / N_E, dtype=jnp.float32)
    return {"z": z, "weight": weight}


def reference(z, weight):
    # distance matrix: ||z||^2 + ||e||^2 - 2 z e^T  -> [B*T, 1+n_e]
    z_flattened = z.reshape(-1, E_DIM)
    d = (jnp.sum(z_flattened ** 2, axis=1, keepdims=True)
         + jnp.sum(weight ** 2, axis=1)
         - 2.0 * jnp.einsum('bd,dn->bn', z_flattened, weight.T))
    d = d.reshape(B, T, -1)

    ind0 = jnp.zeros((B, 1), dtype=jnp.int32)

    def step(ind_here, d_t):
        # d_t: [B, 1+n_e]
        d_here = jnp.take_along_axis(d_t, ind_here, axis=1)
        ind_next = jnp.clip(ind_here + 1, 0, N_E - 1)
        d_next = jnp.take_along_axis(d_t, ind_next, axis=1)
        ind_new = jnp.where(d_here <= d_next, ind_here, ind_next)
        return ind_new, ind_new

    ds = jnp.transpose(d[:, 1:, :], (1, 0, 2))  # [T-1, B, 1+n_e]
    _, inds = jax.lax.scan(step, ind0, ds)      # [T-1, B, 1]
    enc = jnp.concatenate([ind0[None, :, :], inds], axis=0)  # [T, B, 1]
    encoding_indices = jnp.transpose(enc[:, :, 0], (1, 0))   # [B, T]

    z_q = jnp.take(weight, encoding_indices.reshape(-1), axis=0).reshape(z.shape)

    sg = jax.lax.stop_gradient
    # legacy=False branch
    loss = BETA * jnp.mean((sg(z_q) - z) ** 2) + jnp.mean((z_q - sg(z)) ** 2)

    z_q_out = z + sg(z_q - z)  # straight-through estimator
    v = jnp.max(encoding_indices)
    return (z_q_out, loss, encoding_indices, v)

if __name__ == "__main__":
    import jax
    _d = setup_inputs()
    print(jax.jit(kernel)(*tuple(_d.values())))

</pallas_src>

<mosaic_0001>
#map = affine_map<(d0, d1) -> (0, 0, 0)>
#map1 = affine_map<(d0, d1) -> (0, 0)>
module attributes {stable_mosaic.version = 14 : i64} {
  func.func @_scan_body(%arg0: i32, %arg1: i32, %arg2: memref<16x256x256xf32, #tpu.memory_space<hbm>>, %arg3: memref<16x256xi32, #tpu.memory_space<hbm>>, %arg4: memref<16x16xf32, #tpu.memory_space<hbm>>, %arg5: memref<258x256xf32, #tpu.memory_space<vmem>>, %arg6: memref<128xi32, #tpu.memory_space<vmem>>, %arg7: memref<128xi32, #tpu.memory_space<vmem>>, %arg8: memref<16xf32, #tpu.memory_space<vmem>>, %arg9: memref<!tpu.dma_semaphore, #tpu.memory_space<semaphore_mem>>, %arg10: memref<!tpu.dma_semaphore, #tpu.memory_space<semaphore_mem>>, %arg11: memref<!tpu.dma_semaphore, #tpu.memory_space<semaphore_mem>>) attributes {dimension_semantics = [#tpu.dimension_semantics<core_parallel>, #tpu.dimension_semantics<subcore_parallel>], iteration_bounds = array<i64: 1, 16>, scalar_prefetch = 0 : i64, scratch_operands = 7 : i64, tpu.core_type = #tpu.core_type<sc_vector_subcore>, window_params = [{transform_indices = #map}, {transform_indices = #map1}, {transform_indices = #map1}]} {
    %mul3A = arith.constant 0 : i32
    %mul3A_0 = arith.muli %mul3A, %arg0 : i32
    %add3A = arith.addi %arg1, %mul3A_0 : i32
    %lt3A = arith.constant 16 : i32
    %lt3A_1 = arith.cmpi slt, %add3A, %lt3A : i32
    %convert_element_type3A = arith.extui %lt3A_1 : i1 to i32
    %cond3A = arith.constant 0 : i32
    %cond3A_2 = arith.cmpi ne, %convert_element_type3A, %cond3A : i32
    scf.if %cond3A_2 {
      %dma_start3A = arith.constant 0 : i32
      %dma_start3A_3 = arith.constant 0 : i32
      %dma_start3A_4 = tpu.memref_slice %arg5[%dma_start3A, %dma_start3A_3] : memref<258x256xf32, #tpu.memory_space<vmem>> -> memref<48x256xf32, #tpu.memory_space<vmem>>
      %dma_start3A_5 = arith.constant 0 : i32
      %dma_start3A_6 = arith.constant 0 : i32
      %dma_start3A_7 = tpu.memref_slice %arg2[%add3A, %dma_start3A_5, %dma_start3A_6] : memref<16x256x256xf32, #tpu.memory_space<hbm>> -> memref<1x48x256xf32, #tpu.memory_space<hbm>>
      %dma_start3A_8 = tpu.memref_squeeze %dma_start3A_7 : memref<1x48x256xf32, #tpu.memory_space<hbm>> -> memref<48x256xf32, #tpu.memory_space<hbm>>
      %dma_start3A_9 = arith.constant 0 : i32
      %dma_start3A_10 = arith.constant 0 : i32
      %dma_start3A_11 = tpu.memref_slice %arg5[%dma_start3A_9, %dma_start3A_10] : memref<258x256xf32, #tpu.memory_space<vmem>> -> memref<48x256xf32, #tpu.memory_space<vmem>>
      %dma_start3A_12 = arith.constant 0 : i32
      %dma_start3A_13 = arith.constant 0 : i32
      %dma_start3A_14 = tpu.memref_slice %arg2[%add3A, %dma_start3A_12, %dma_start3A_13] : memref<16x256x256xf32, #tpu.memory_space<hbm>> -> memref<1x48x256xf32, #tpu.memory_space<hbm>>
      %dma_start3A_15 = tpu.memref_squeeze %dma_start3A_14 : memref<1x48x256xf32, #tpu.memory_space<hbm>> -> memref<48x256xf32, #tpu.memory_space<hbm>>
      tpu.enqueue_dma source(%dma_start3A_15 : memref<48x256xf32, #tpu.memory_space<hbm>>) target(%dma_start3A_11 : memref<48x256xf32, #tpu.memory_space<vmem>>) target_semaphore(%arg9 : memref<!tpu.dma_semaphore, #tpu.memory_space<semaphore_mem>>)
      %dma_start3A_16 = arith.constant 48 : i32
      %dma_start3A_17 = arith.constant 0 : i32
      %dma_start3A_18 = tpu.memref_slice %arg5[%dma_start3A_16, %dma_start3A_17] : memref<258x256xf32, #tpu.memory_space<vmem>> -> memref<80x256xf32, #tpu.memory_space<vmem>>
      %dma_start3A_19 = arith.constant 48 : i32
      %dma_start3A_20 = arith.constant 0 : i32
      %dma_start3A_21 = tpu.memref_slice %arg2[%add3A, %dma_start3A_19, %dma_start3A_20] : memref<16x256x256xf32, #tpu.memory_space<hbm>> -> memref<1x80x256xf32, #tpu.memory_space<hbm>>
      %dma_start3A_22 = tpu.memref_squeeze %dma_start3A_21 : memref<1x80x256xf32, #tpu.memory_space<hbm>> -> memref<80x256xf32, #tpu.memory_space<hbm>>
      %dma_start3A_23 = arith.constant 48 : i32
      %dma_start3A_24 = arith.constant 0 : i32
      %dma_start3A_25 = tpu.memref_slice %arg5[%dma_start3A_23, %dma_start3A_24] : memref<258x256xf32, #tpu.memory_space<vmem>> -> memref<80x256xf32, #tpu.memory_space<vmem>>
      %dma_start3A_26 = arith.constant 48 : i32
      %dma_start3A_27 = arith.constant 0 : i32
      %dma_start3A_28 = tpu.memref_slice %arg2[%add3A, %dma_start3A_26, %dma_start3A_27] : memref<16x256x256xf32, #tpu.memory_space<hbm>> -> memref<1x80x256xf32, #tpu.memory_space<hbm>>
      %dma_start3A_29 = tpu.memref_squeeze %dma_start3A_28 : memref<1x80x256xf32, #tpu.memory_space<hbm>> -> memref<80x256xf32, #tpu.memory_space<hbm>>
      tpu.enqueue_dma source(%dma_start3A_29 : memref<80x256xf32, #tpu.memory_space<hbm>>) target(%dma_start3A_25 : memref<80x256xf32, #tpu.memory_space<vmem>>) target_semaphore(%arg10 : memref<!tpu.dma_semaphore, #tpu.memory_space<semaphore_mem>>)
      %dma_start3A_30 = arith.constant 128 : i32
      %dma_start3A_31 = arith.constant 0 : i32
      %dma_start3A_32 = tpu.memref_slice %arg5[%dma_start3A_30, %dma_start3A_31] : memref<258x256xf32, #tpu.memory_space<vmem>> -> memref<128x256xf32, #tpu.memory_space<vmem>>
      %dma_start3A_33 = arith.constant 128 : i32
      %dma_start3A_34 = arith.constant 0 : i32
      %dma_start3A_35 = tpu.memref_slice %arg2[%add3A, %dma_start3A_33, %dma_start3A_34] : memref<16x256x256xf32, #tpu.memory_space<hbm>> -> memref<1x128x256xf32, #tpu.memory_space<hbm>>
      %dma_start3A_36 = tpu.memref_squeeze %dma_start3A_35 : memref<1x128x256xf32, #tpu.memory_space<hbm>> -> memref<128x256xf32, #tpu.memory_space<hbm>>
      %dma_start3A_37 = arith.constant 128 : i32
      %dma_start3A_38 = arith.constant 0 : i32
      %dma_start3A_39 = tpu.memref_slice %arg5[%dma_start3A_37, %dma_start3A_38] : memref<258x256xf32, #tpu.memory_space<vmem>> -> memref<128x256xf32, #tpu.memory_space<vmem>>
      %dma_start3A_40 = arith.constant 128 : i32
      %dma_start3A_41 = arith.constant 0 : i32
      %dma_start3A_42 = tpu.memref_slice %arg2[%add3A, %dma_start3A_40, %dma_start3A_41] : memref<16x256x256xf32, #tpu.memory_space<hbm>> -> memref<1x128x256xf32, #tpu.memory_space<hbm>>
      %dma_start3A_43 = tpu.memref_squeeze %dma_start3A_42 : memref<1x128x256xf32, #tpu.memory_space<hbm>> -> memref<128x256xf32, #tpu.memory_space<hbm>>
      tpu.enqueue_dma source(%dma_start3A_43 : memref<128x256xf32, #tpu.memory_space<hbm>>) target(%dma_start3A_39 : memref<128x256xf32, #tpu.memory_space<vmem>>) target_semaphore(%arg11 : memref<!tpu.dma_semaphore, #tpu.memory_space<semaphore_mem>>)
      %dma_wait3A = arith.constant 0 : i32
      %dma_wait3A_44 = arith.constant 0 : i32
      %dma_wait3A_45 = tpu.memref_slice %arg5[%dma_wait3A, %dma_wait3A_44] : memref<258x256xf32, #tpu.memory_space<vmem>> -> memref<48x256xf32, #tpu.memory_space<vmem>>
      %dma_wait3A_46 = arith.constant 0 : i32
      %dma_wait3A_47 = arith.constant 0 : i32
      %dma_wait3A_48 = tpu.memref_slice %arg2[%add3A, %dma_wait3A_46, %dma_wait3A_47] : memref<16x256x256xf32, #tpu.memory_space<hbm>> -> memref<1x48x256xf32, #tpu.memory_space<hbm>>
      %dma_wait3A_49 = tpu.memref_squeeze %dma_wait3A_48 : memref<1x48x256xf32, #tpu.memory_space<hbm>> -> memref<48x256xf32, #tpu.memory_space<hbm>>
      %dma_wait3A_50 = arith.constant 0 : i32
      %dma_wait3A_51 = arith.constant 0 : i32
      %dma_wait3A_52 = tpu.memref_slice %arg5[%dma_wait3A_50, %dma_wait3A_51] : memref<258x256xf32, #tpu.memory_space<vmem>> -> memref<48x256xf32, #tpu.memory_space<vmem>>
      %dma_wait3A_53 = arith.constant 0 : i32
      %dma_wait3A_54 = arith.constant 0 : i32
      %dma_wait3A_55 = tpu.memref_slice %arg2[%add3A, %dma_wait3A_53, %dma_wait3A_54] : memref<16x256x256xf32, #tpu.memory_space<hbm>> -> memref<1x48x256xf32, #tpu.memory_space<hbm>>
      %dma_wait3A_56 = tpu.memref_squeeze %dma_wait3A_55 : memref<1x48x256xf32, #tpu.memory_space<hbm>> -> memref<48x256xf32, #tpu.memory_space<hbm>>
      tpu.wait_dma2 semaphore(%arg9 : memref<!tpu.dma_semaphore, #tpu.memory_space<semaphore_mem>>) src(%dma_wait3A_56 : memref<48x256xf32, #tpu.memory_space<hbm>>) dst(%dma_wait3A_52 : memref<48x256xf32, #tpu.memory_space<vmem>>)
      %iota3A = tpu.iota {dimensions = array<i32: 0>} : vector<16xi32>
      %broadcast_in_dim3A = arith.constant 0 : i32
      %broadcast_in_dim3A_57 = vector.broadcast %broadcast_in_dim3A : i32 to vector<16xi32>
      %broadcast_in_dim3A_58 = arith.constant 1 : i32
      %broadcast_in_dim3A_59 = vector.broadcast %broadcast_in_dim3A_58 : i32 to vector<16xi32>
      %gather3A = tpu.vector_load_idx %arg5[%broadcast_in_dim3A_57, %broadcast_in_dim3A_57] : memref<258x256xf32, #tpu.memory_space<vmem>>[vector<16xi32>, vector<16xi32>], vector<16xf32>,
      %gather3A_60 = tpu.vector_load_idx %arg5[%broadcast_in_dim3A_59, %broadcast_in_dim3A_57] : memref<258x256xf32, #tpu.memory_space<vmem>>[vector<16xi32>, vector<16xi32>], vector<16xf32>,
      %gather3A_61 = tpu.vector_load_idx %arg5[%broadcast_in_dim3A_59, %broadcast_in_dim3A_59] : memref<258x256xf32, #tpu.memory_space<vmem>>[vector<16xi32>, vector<16xi32>], vector<16xf32>,
      %add3A_62 = arith.constant 1 : i32
      %add3A_63 = arith.constant 1 : i32
      %add3A_64 = arith.addi %add3A_62, %add3A_63 : i32
      %broadcast_in_dim3A_65 = vector.broadcast %add3A_64 : i32 to vector<16xi32>
      %gather3A_66 = tpu.vector_load_idx %arg5[%broadcast_in_dim3A_65, %broadcast_in_dim3A_57] : memref<258x256xf32, #tpu.memory_space<vmem>>[vector<16xi32>, vector<16xi32>], vector<16xf32>,
      %add3A_67 = arith.constant 1 : i32
      %add3A_68 = vector.broadcast %add3A_67 : i32 to vector<16xi32>
      %add3A_69 = arith.addi %broadcast_in_dim3A_57, %add3A_68 : vector<16xi32>
      %gather3A_70 = tpu.vector_load_idx %arg5[%broadcast_in_dim3A_65, %add3A_69] : memref<258x256xf32, #tpu.memory_space<vmem>>[vector<16xi32>, vector<16xi32>], vector<16xf32>,
      %add3A_71 = arith.constant 2 : i32
      %add3A_72 = vector.broadcast %add3A_71 : i32 to vector<16xi32>
      %add3A_73 = arith.addi %broadcast_in_dim3A_57, %add3A_72 : vector<16xi32>
      %gather3A_74 = tpu.vector_load_idx %arg5[%broadcast_in_dim3A_65, %add3A_73] : memref<258x256xf32, #tpu.memory_space<vmem>>[vector<16xi32>, vector<16xi32>], vector<16xf32>,
      %le3A = arith.cmpf ole, %gather3A_60, %gather3A_61 : vector<16xf32>
      %add3A_75 = arith.constant 1 : i32
      %add3A_76 = vector.broadcast %add3A_75 : i32 to vector<16xi32>
      %add3A_77 = arith.addi %broadcast_in_dim3A_57, %add3A_76 : vector<16xi32>
      %select_n3A = arith.select %le3A, %broadcast_in_dim3A_57, %add3A_77 : vector<16xi1>, vector<16xi32>
      %select_n3A_78 = arith.select %le3A, %gather3A_60, %gather3A_61 : vector<16xi1>, vector<16xf32>
      %add3A_79 = arith.addf %gather3A, %select_n3A_78 : vector<16xf32>
      %eq3A = arith.constant 1 : i32
      %eq3A_80 = vector.broadcast %eq3A : i32 to vector<16xi32>
      %eq3A_81 = arith.cmpi eq, %iota3A, %eq3A_80 : vector<16xi32>
      %select_n3A_82 = arith.select %eq3A_81, %select_n3A, %broadcast_in_dim3A_57 : vector<16xi1>, vector<16xi32>
      %select_n3A_83 = arith.select %le3A, %gather3A_66, %gather3A_70 : vector<16xi1>, vector<16xf32>
      %select_n3A_84 = arith.select %le3A, %gather3A_70, %gather3A_74 : vector<16xi1>, vector<16xf32>
      %add3A_85 = arith.constant 2 : i32
      %add3A_86 = arith.constant 1 : i32
      %add3A_87 = arith.addi %add3A_85, %add3A_86 : i32
      %broadcast_in_dim3A_88 = vector.broadcast %add3A_87 : i32 to vector<16xi32>
      %gather3A_89 = tpu.vector_load_idx %arg5[%broadcast_in_dim3A_88, %select_n3A] : memref<258x256xf32, #tpu.memory_space<vmem>>[vector<16xi32>, vector<16xi32>], vector<16xf32>,
      %add3A_90 = arith.constant 1 : i32
      %add3A_91 = vector.broadcast %add3A_90 : i32 to vector<16xi32>
      %add3A_92 = arith.addi %select_n3A, %add3A_91 : vector<16xi32>
      %gather3A_93 = tpu.vector_load_idx %arg5[%broadcast_in_dim3A_88, %add3A_92] : memref<258x256xf32, #tpu.memory_space<vmem>>[vector<16xi32>, vector<16xi32>], vector<16xf32>,
      %add3A_94 = arith.constant 2 : i32
      %add3A_95 = vector.broadcast %add3A_94 : i32 to vector<16xi32>
      %add3A_96 = arith.addi %select_n3A, %add3A_95 : vector<16xi32>
      %gather3A_97 = tpu.vector_load_idx %arg5[%broadcast_in_dim3A_88, %add3A_96] : memref<258x256xf32, #tpu.memory_space<vmem>>[vector<16xi32>, vector<16xi32>], vector<16xf32>,
      %le3A_98 = arith.cmpf ole, %select_n3A_83, %select_n3A_84 : vector<16xf32>
      %add3A_99 = arith.constant 1 : i32
      %add3A_100 = vector.broadcast %add3A_99 : i32 to vector<16xi32>
      %add3A_101 = arith.addi %select_n3A, %add3A_100 : vector<16xi32>
      %select_n3A_102 = arith.select %le3A_98, %select_n3A, %add3A_101 : vector<16xi1>, vector<16xi32>
      %select_n3A_103 = arith.select %le3A_98, %select_n3A_83, %select_n3A_84 : vector<16xi1>, vector<16xf32>
      %add3A_104 = arith.addf %add3A_79, %select_n3A_103 : vector<16xf32>
      %eq3A_105 = arith.constant 2 : i32
      %eq3A_106 = vector.broadcast %eq3A_105 : i32 to vector<16xi32>
      %eq3A_107 = arith.cmpi eq, %iota3A, %eq3A_106 : vector<16xi32>
      %select_n3A_108 = arith.select %eq3A_107, %select_n3A_102, %select_n3A_82 : vector<16xi1>, vector<16xi32>
      %select_n3A_109 = arith.select %le3A_98, %gather3A_89, %gather3A_93 : vector<16xi1>, vector<16xf32>
      %select_n3A_110 = arith.select %le3A_98, %gather3A_93, %gather3A_97 : vector<16xi1>, vector<16xf32>
      %add3A_111 = arith.constant 3 : i32
      %add3A_112 = arith.constant 1 : i32
      %add3A_113 = arith.addi %add3A_111, %add3A_112 : i32
      %broadcast_in_dim3A_114 = vector.broadcast %add3A_113 : i32 to vector<16xi32>
      %gather3A_115 = tpu.vector_load_idx %arg5[%broadcast_in_dim3A_114, %select_n3A_102] : memref<258x256xf32, #tpu.memory_space<vmem>>[vector<16xi32>, vector<16xi32>], vector<16xf32>,
      %add3A_116 = arith.constant 1 : i32
      %add3A_117 = vector.broadcast %add3A_116 : i32 to vector<16xi32>
      %add3A_118 = arith.addi %select_n3A_102, %add3A_117 : vector<16xi32>
      %gather3A_119 = tpu.vector_load_idx %arg5[%broadcast_in_dim3A_114, %add3A_118] : memref<258x256xf32, #tpu.memory_space<vmem>>[vector<16xi32>, vector<16xi32>], vector<16xf32>,
      %add3A_120 = arith.constant 2 : i32
      %add3A_121 = vector.broadcast %add3A_120 : i32 to vector<16xi32>
      %add3A_122 = arith.addi %select_n3A_102, %add3A_121 : vector<16xi32>
      %gather3A_123 = tpu.vector_load_idx %arg5[%broadcast_in_dim3A_114, %add3A_122] : memref<258x256xf32, #tpu.memory_space<vmem>>[vector<16xi32>, vector<16xi32>], vector<16xf32>,
      %le3A_124 = arith.cmpf ole, %select_n3A_109, %select_n3A_110 : vector<16xf32>
      %add3A_125 = arith.constant 1 : i32
      %add3A_126 = vector.broadcast %add3A_125 : i32 to vector<16xi32>
      %add3A_127 = arith.addi %select_n3A_102, %add3A_126 : vector<16xi32>
      %select_n3A_128 = arith.select %le3A_124, %select_n3A_102, %add3A_127 : vector<16xi1>, vector<16xi32>
      %select_n3A_129 = arith.select %le3A_124, %select_n3A_109, %select_n3A_110 : vector<16xi1>, vector<16xf32>
      %add3A_130 = arith.addf %add3A_104, %select_n3A_129 : vector<16xf32>
      %eq3A_131 = arith.constant 3 : i32
      %eq3A_132 = vector.broadcast %eq3A_131 : i32 to vector<16xi32>
      %eq3A_133 = arith.cmpi eq, %iota3A, %eq3A_132 : vector<16xi32>
      %select_n3A_134 = arith.select %eq3A_133, %select_n3A_128, %select_n3A_108 : vector<16xi1>, vector<16xi32>
      %select_n3A_135 = arith.select %le3A_124, %gather3A_115, %gather3A_119 : vector<16xi1>, vector<16xf32>
      %select_n3A_136 = arith.select %le3A_124, %gather3A_119, %gather3A_123 : vector<16xi1>, vector<16xf32>
      %add3A_137 = arith.constant 4 : i32
      %add3A_138 = arith.constant 1 : i32
      %add3A_139 = arith.addi %add3A_137, %add3A_138 : i32
      %broadcast_in_dim3A_140 = vector.broadcast %add3A_139 : i32 to vector<16xi32>
      %gather3A_141 = tpu.vector_load_idx %arg5[%broadcast_in_dim3A_140, %select_n3A_128] : memref<258x256xf32, #tpu.memory_space<vmem>>[vector<16xi32>, vector<16xi32>], vector<16xf32>,
      %add3A_142 = arith.constant 1 : i32
      %add3A_143 = vector.broadcast %add3A_142 : i32 to vector<16xi32>
      %add3A_144 = arith.addi %select_n3A_128, %add3A_143 : vector<16xi32>
      %gather3A_145 = tpu.vector_load_idx %arg5[%broadcast_in_dim3A_140, %add3A_144] : memref<258x256xf32, #tpu.memory_space<vmem>>[vector<16xi32>, vector<16xi32>], vector<16xf32>,
      %add3A_146 = arith.constant 2 : i32
      %add3A_147 = vector.broadcast %add3A_146 : i32 to vector<16xi32>
      %add3A_148 = arith.addi %select_n3A_128, %add3A_147 : vector<16xi32>
      %gather3A_149 = tpu.vector_load_idx %arg5[%broadcast_in_dim3A_140, %add3A_148] : memref<258x256xf32, #tpu.memory_space<vmem>>[vector<16xi32>, vector<16xi32>], vector<16xf32>,
      %le3A_150 = arith.cmpf ole, %select_n3A_135, %select_n3A_136 : vector<16xf32>
      %add3A_151 = arith.constant 1 : i32
      %add3A_152 = vector.broadcast %add3A_151 : i32 to vector<16xi32>
      %add3A_153 = arith.addi %select_n3A_128, %add3A_152 : vector<16xi32>
      %select_n3A_154 = arith.select %le3A_150, %select_n3A_128, %add3A_153 : vector<16xi1>, vector<16xi32>
      %select_n3A_155 = arith.select %le3A_150, %select_n3A_135, %select_n3A_136 : vector<16xi1>, vector<16xf32>
      %add3A_156 = arith.addf %add3A_130, %select_n3A_155 : vector<16xf32>
      %eq3A_157 = arith.constant 4 : i32
      %eq3A_158 = vector.broadcast %eq3A_157 : i32 to vector<16xi32>
      %eq3A_159 = arith.cmpi eq, %iota3A, %eq3A_158 : vector<16xi32>
      %select_n3A_160 = arith.select %eq3A_159, %select_n3A_154, %select_n3A_134 : vector<16xi1>, vector<16xi32>
      %select_n3A_161 = arith.select %le3A_150, %gather3A_141, %gather3A_145 : vector<16xi1>, vector<16xf32>
      %select_n3A_162 = arith.select %le3A_150, %gather3A_145, %gather3A_149 : vector<16xi1>, vector<16xf32>
      %add3A_163 = arith.constant 5 : i32
      %add3A_164 = arith.constant 1 : i32
      %add3A_165 = arith.addi %add3A_163, %add3A_164 : i32
      %broadcast_in_dim3A_166 = vector.broadcast %add3A_165 : i32 to vector<16xi32>
      %gather3A_167 = tpu.vector_load_idx %arg5[%broadcast_in_dim3A_166, %select_n3A_154] : memref<258x256xf32, #tpu.memory_space<vmem>>[vector<16xi32>, vector<16xi32>], vector<16xf32>,
      %add3A_168 = arith.constant 1 : i32
      %add3A_169 = vector.broadcast %add3A_168 : i32 to vector<16xi32>
      %add3A_170 = arith.addi %select_n3A_154, %add3A_169 : vector<16xi32>
      %gather3A_171 = tpu.vector_load_idx %arg5[%broadcast_in_dim3A_166, %add3A_170] : memref<258x256xf32, #tpu.memory_space<vmem>>[vector<16xi32>, vector<16xi32>], vector<16xf32>,
      %add3A_172 = arith.constant 2 : i32
      %add3A_173 = vector.broadcast %add3A_172 : i32 to vector<16xi32>
      %add3A_174 = arith.addi %select_n3A_154, %add3A_173 : vector<16xi32>
      %gather3A_175 = tpu.vector_load_idx %arg5[%broadcast_in_dim3A_166, %add3A_174] : memref<258x256xf32, #tpu.memory_space<vmem>>[vector<16xi32>, vector<16xi32>], vector<16xf32>,
      %le3A_176 = arith.cmpf ole, %select_n3A_161, %select_n3A_162 : vector<16xf32>
      %add3A_177 = arith.constant 1 : i32
      %add3A_178 = vector.broadcast %add3A_177 : i32 to vector<16xi32>
      %add3A_179 = arith.addi %select_n3A_154, %add3A_178 : vector<16xi32>
      %select_n3A_180 = arith.select %le3A_176, %select_n3A_154, %add3A_179 : vector<16xi1>, vector<16xi32>
      %select_n3A_181 = arith.select %le3A_176, %select_n3A_161, %select_n3A_162 : vector<16xi1>, vector<16xf32>
      %add3A_182 = arith.addf %add3A_156, %select_n3A_181 : vector<16xf32>
      %eq3A_183 = arith.constant 5 : i32
      %eq3A_184 = vector.broadcast %eq3A_183 : i32 to vector<16xi32>
      %eq3A_185 = arith.cmpi eq, %iota3A, %eq3A_184 : vector<16xi32>
      %select_n3A_186 = arith.select %eq3A_185, %select_n3A_180, %select_n3A_160 : vector<16xi1>, vector<16xi32>
      %select_n3A_187 = arith.select %le3A_176, %gather3A_167, %gather3A_171 : vector<16xi1>, vector<16xf32>
      %select_n3A_188 = arith.select %le3A_176, %gather3A_171, %gather3A_175 : vector<16xi1>, vector<16xf32>
      %add3A_189 = arith.constant 6 : i32
      %add3A_190 = arith.constant 1 : i32
      %add3A_191 = arith.addi %add3A_189, %add3A_190 : i32
      %broadcast_in_dim3A_192 = vector.broadcast %add3A_191 : i32 to vector<16xi32>
      %gather3A_193 = tpu.vector_load_idx %arg5[%broadcast_in_dim3A_192, %select_n3A_180] : memref<258x256xf32, #tpu.memory_space<vmem>>[vector<16xi32>, vector<16xi32>], vector<16xf32>,
      %add3A_194 = arith.constant 1 : i32
      %add3A_195 = vector.broadcast %add3A_194 : i32 to vector<16xi32>
      %add3A_196 = arith.addi %select_n3A_180, %add3A_195 : vector<16xi32>
      %gather3A_197 = tpu.vector_load_idx %arg5[%broadcast_in_dim3A_192, %add3A_196] : memref<258x256xf32, #tpu.memory_space<vmem>>[vector<16xi32>, vector<16xi32>], vector<16xf32>,
      %add3A_198 = arith.constant 2 : i32
      %add3A_199 = vector.broadcast %add3A_198 : i32 to vector<16xi32>
      %add3A_200 = arith.addi %select_n3A_180, %add3A_199 : vector<16xi32>
      %gather3A_201 = tpu.vector_load_idx %arg5[%broadcast_in_dim3A_192, %add3A_200] : memref<258x256xf32, #tpu.memory_space<vmem>>[vector<16xi32>, vector<16xi32>], vector<16xf32>,
      %le3A_202 = arith.cmpf ole, %select_n3A_187, %select_n3A_188 : vector<16xf32>
      %add3A_203 = arith.constant 1 : i32
      %add3A_204 = vector.broadcast %add3A_203 : i32 to vector<16xi32>
      %add3A_205 = arith.addi %select_n3A_180, %add3A_204 : vector<16xi32>
      %select_n3A_206 = arith.select %le3A_202, %select_n3A_180, %add3A_205 : vector<16xi1>, vector<16xi32>
      %select_n3A_207 = arith.select %le3A_202, %select_n3A_187, %select_n3A_188 : vector<16xi1>, vector<16xf32>
      %add3A_208 = arith.addf %add3A_182, %select_n3A_207 : vector<16xf32>
      %eq3A_209 = arith.constant 6 : i32
      %eq3A_210 = vector.broadcast %eq3A_209 : i32 to vector<16xi32>
      %eq3A_211 = arith.cmpi eq, %iota3A, %eq3A_210 : vector<16xi32>
      %select_n3A_212 = arith.select %eq3A_211, %select_n3A_206, %select_n3A_186 : vector<16xi1>, vector<16xi32>
      %select_n3A_213 = arith.select %le3A_202, %gather3A_193, %gather3A_197 : vector<16xi1>, vector<16xf32>
      %select_n3A_214 = arith.select %le3A_202, %gather3A_197, %gather3A_201 : vector<16xi1>, vector<16xf32>
      %add3A_215 = arith.constant 7 : i32
      %add3A_216 = arith.constant 1 : i32
      %add3A_217 = arith.addi %add3A_215, %add3A_216 : i32
      %broadcast_in_dim3A_218 = vector.broadcast %add3A_217 : i32 to vector<16xi32>
      %gather3A_219 = tpu.vector_load_idx %arg5[%broadcast_in_dim3A_218, %select_n3A_206] : memref<258x256xf32, #tpu.memory_space<vmem>>[vector<16xi32>, vector<16xi32>], vector<16xf32>,
      %add3A_220 = arith.constant 1 : i32
      %add3A_221 = vector.broadcast %add3A_220 : i32 to vector<16xi32>
      %add3A_222 = arith.addi %select_n3A_206, %add3A_221 : vector<16xi32>
      %gather3A_223 = tpu.vector_load_idx %arg5[%broadcast_in_dim3A_218, %add3A_222] : memref<258x256xf32, #tpu.memory_space<vmem>>[vector<16xi32>, vector<16xi32>], vector<16xf32>,
      %add3A_224 = arith.constant 2 : i32
      %add3A_225 = vector.broadcast %add3A_224 : i32 to vector<16xi32>
      %add3A_226 = arith.addi %select_n3A_206, %add3A_225 : vector<16xi32>
      %gather3A_227 = tpu.vector_load_idx %arg5[%broadcast_in_dim3A_218, %add3A_226] : memref<258x256xf32, #tpu.memory_space<vmem>>[vector<16xi32>, vector<16xi32>], vector<16xf32>,
      %le3A_228 = arith.cmpf ole, %select_n3A_213, %select_n3A_214 : vector<16xf32>
      %add3A_229 = arith.constant 1 : i32
      %add3A_230 = vector.broadcast %add3A_229 : i32 to vector<16xi32>
      %add3A_231 = arith.addi %select_n3A_206, %add3A_230 : vector<16xi32>
      %select_n3A_232 = arith.select %le3A_228, %select_n3A_206, %add3A_231 : vector<16xi1>, vector<16xi32>
      %select_n3A_233 = arith.select %le3A_228, %select_n3A_213, %select_n3A_214 : vector<16xi1>, vector<16xf32>
      %add3A_234 = arith.addf %add3A_208, %select_n3A_233 : vector<16xf32>
      %eq3A_235 = arith.constant 7 : i32
      %eq3A_236 = vector.broadcast %eq3A_235 : i32 to vector<16xi32>
      %eq3A_237 = arith.cmpi eq, %iota3A, %eq3A_236 : vector<16xi32>
      %select_n3A_238 = arith.select %eq3A_237, %select_n3A_232, %select_n3A_212 : vector<16xi1>, vector<16xi32>
      %select_n3A_239 = arith.select %le3A_228, %gather3A_219, %gather3A_223 : vector<16xi1>, vector<16xf32>
      %select_n3A_240 = arith.select %le3A_228, %gather3A_223, %gather3A_227 : vector<16xi1>, vector<16xf32>
      %add3A_241 = arith.constant 8 : i32
      %add3A_242 = arith.constant 1 : i32
      %add3A_243 = arith.addi %add3A_241, %add3A_242 : i32
      %broadcast_in_dim3A_244 = vector.broadcast %add3A_243 : i32 to vector<16xi32>
      %gather3A_245 = tpu.vector_load_idx %arg5[%broadcast_in_dim3A_244, %select_n3A_232] : memref<258x256xf32, #tpu.memory_space<vmem>>[vector<16xi32>, vector<16xi32>], vector<16xf32>,
      %add3A_246 = arith.constant 1 : i32
      %add3A_247 = vector.broadcast %add3A_246 : i32 to vector<16xi32>
      %add3A_248 = arith.addi %select_n3A_232, %add3A_247 : vector<16xi32>
      %gather3A_249 = tpu.vector_load_idx %arg5[%broadcast_in_dim3A_244, %add3A_248] : memref<258x256xf32, #tpu.memory_space<vmem>>[vector<16xi32>, vector<16xi32>], vector<16xf32>,
      %add3A_250 = arith.constant 2 : i32
      %add3A_251 = vector.broadcast %add3A_250 : i32 to vector<16xi32>
      %add3A_252 = arith.addi %select_n3A_232, %add3A_251 : vector<16xi32>
      %gather3A_253 = tpu.vector_load_idx %arg5[%broadcast_in_dim3A_244, %add3A_252] : memref<258x256xf32, #tpu.memory_space<vmem>>[vector<16xi32>, vector<16xi32>], vector<16xf32>,
      %le3A_254 = arith.cmpf ole, %select_n3A_239, %select_n3A_240 : vector<16xf32>
      %add3A_255 = arith.constant 1 : i32
      %add3A_256 = vector.broadcast %add3A_255 : i32 to vector<16xi32>
      %add3A_257 = arith.addi %select_n3A_232, %add3A_256 : vector<16xi32>
      %select_n3A_258 = arith.select %le3A_254, %select_n3A_232, %add3A_257 : vector<16xi1>, vector<16xi32>
      %select_n3A_259 = arith.select %le3A_254, %select_n3A_239, %select_n3A_240 : vector<16xi1>, vector<16xf32>
      %add3A_260 = arith.addf %add3A_234, %select_n3A_259 : vector<16xf32>
      %eq3A_261 = arith.constant 8 : i32
      %eq3A_262 = vector.broadcast %eq3A_261 : i32 to vector<16xi32>
      %eq3A_263 = arith.cmpi eq, %iota3A, %eq3A_262 : vector<16xi32>
      %select_n3A_264 = arith.select %eq3A_263, %select_n3A_258, %select_n3A_238 : vector<16xi1>, vector<16xi32>
      %select_n3A_265 = arith.select %le3A_254, %gather3A_245, %gather3A_249 : vector<16xi1>, vector<16xf32>
      %select_n3A_266 = arith.select %le3A_254, %gather3A_249, %gather3A_253 : vector<16xi1>, vector<16xf32>
      %add3A_267 = arith.constant 9 : i32
      %add3A_268 = arith.constant 1 : i32
      %add3A_269 = arith.addi %add3A_267, %add3A_268 : i32
      %broadcast_in_dim3A_270 = vector.broadcast %add3A_269 : i32 to vector<16xi32>
      %gather3A_271 = tpu.vector_load_idx %arg5[%broadcast_in_dim3A_270, %select_n3A_258] : memref<258x256xf32, #tpu.memory_space<vmem>>[vector<16xi32>, vector<16xi32>], vector<16xf32>,
      %add3A_272 = arith.constant 1 : i32
      %add3A_273 = vector.broadcast %add3A_272 : i32 to vector<16xi32>
      %add3A_274 = arith.addi %select_n3A_258, %add3A_273 : vector<16xi32>
      %gather3A_275 = tpu.vector_load_idx %arg5[%broadcast_in_dim3A_270, %add3A_274] : memref<258x256xf32, #tpu.memory_space<vmem>>[vector<16xi32>, vector<16xi32>], vector<16xf32>,
      %add3A_276 = arith.constant 2 : i32
      %add3A_277 = vector.broadcast %add3A_276 : i32 to vector<16xi32>
      %add3A_278 = arith.addi %select_n3A_258, %add3A_277 : vector<16xi32>
      %gather3A_279 = tpu.vector_load_idx %arg5[%broadcast_in_dim3A_270, %add3A_278] : memref<258x256xf32, #tpu.memory_space<vmem>>[vector<16xi32>, vector<16xi32>], vector<16xf32>,
      %le3A_280 = arith.cmpf ole, %select_n3A_265, %select_n3A_266 : vector<16xf32>
      %add3A_281 = arith.constant 1 : i32
      %add3A_282 = vector.broadcast %add3A_281 : i32 to vector<16xi32>
      %add3A_283 = arith.addi %select_n3A_258, %add3A_282 : vector<16xi32>
      %select_n3A_284 = arith.select %le3A_280, %select_n3A_258, %add3A_283 : vector<16xi1>, vector<16xi32>
      %select_n3A_285 = arith.select %le3A_280, %select_n3A_265, %select_n3A_266 : vector<16xi1>, vector<16xf32>
      %add3A_286 = arith.addf %add3A_260, %select_n3A_285 : vector<16xf32>
      %eq3A_287 = arith.constant 9 : i32
      %eq3A_288 = vector.broadcast %eq3A_287 : i32 to vector<16xi32>
      %eq3A_289 = arith.cmpi eq, %iota3A, %eq3A_288 : vector<16xi32>
      %select_n3A_290 = arith.select %eq3A_289, %select_n3A_284, %select_n3A_264 : vector<16xi1>, vector<16xi32>
      %select_n3A_291 = arith.select %le3A_280, %gather3A_271, %gather3A_275 : vector<16xi1>, vector<16xf32>
      %select_n3A_292 = arith.select %le3A_280, %gather3A_275, %gather3A_279 : vector<16xi1>, vector<16xf32>
      %add3A_293 = arith.constant 10 : i32
      %add3A_294 = arith.constant 1 : i32
      %add3A_295 = arith.addi %add3A_293, %add3A_294 : i32
      %broadcast_in_dim3A_296 = vector.broadcast %add3A_295 : i32 to vector<16xi32>
      %gather3A_297 = tpu.vector_load_idx %arg5[%broadcast_in_dim3A_296, %select_n3A_284] : memref<258x256xf32, #tpu.memory_space<vmem>>[vector<16xi32>, vector<16xi32>], vector<16xf32>,
      %add3A_298 = arith.constant 1 : i32
      %add3A_299 = vector.broadcast %add3A_298 : i32 to vector<16xi32>
      %add3A_300 = arith.addi %select_n3A_284, %add3A_299 : vector<16xi32>
      %gather3A_301 = tpu.vector_load_idx %arg5[%broadcast_in_dim3A_296, %add3A_300] : memref<258x256xf32, #tpu.memory_space<vmem>>[vector<16xi32>, vector<16xi32>], vector<16xf32>,
      %add3A_302 = arith.constant 2 : i32
      %add3A_303 = vector.broadcast %add3A_302 : i32 to vector<16xi32>
      %add3A_304 = arith.addi %select_n3A_284, %add3A_303 : vector<16xi32>
      %gather3A_305 = tpu.vector_load_idx %arg5[%broadcast_in_dim3A_296, %add3A_304] : memref<258x256xf32, #tpu.memory_space<vmem>>[vector<16xi32>, vector<16xi32>], vector<16xf32>,
      %le3A_306 = arith.cmpf ole, %select_n3A_291, %select_n3A_292 : vector<16xf32>
      %add3A_307 = arith.constant 1 : i32
      %add3A_308 = vector.broadcast %add3A_307 : i32 to vector<16xi32>
      %add3A_309 = arith.addi %select_n3A_284, %add3A_308 : vector<16xi32>
      %select_n3A_310 = arith.select %le3A_306, %select_n3A_284, %add3A_309 : vector<16xi1>, vector<16xi32>
      %select_n3A_311 = arith.select %le3A_306, %select_n3A_291, %select_n3A_292 : vector<16xi1>, vector<16xf32>
      %add3A_312 = arith.addf %add3A_286, %select_n3A_311 : vector<16xf32>
      %eq3A_313 = arith.constant 10 : i32
      %eq3A_314 = vector.broadcast %eq3A_313 : i32 to vector<16xi32>
      %eq3A_315 = arith.cmpi eq, %iota3A, %eq3A_314 : vector<16xi32>
      %select_n3A_316 = arith.select %eq3A_315, %select_n3A_310, %select_n3A_290 : vector<16xi1>, vector<16xi32>
      %select_n3A_317 = arith.select %le3A_306, %gather3A_297, %gather3A_301 : vector<16xi1>, vector<16xf32>
      %select_n3A_318 = arith.select %le3A_306, %gather3A_301, %gather3A_305 : vector<16xi1>, vector<16xf32>
      %add3A_319 = arith.constant 11 : i32
      %add3A_320 = arith.constant 1 : i32
      %add3A_321 = arith.addi %add3A_319, %add3A_320 : i32
      %broadcast_in_dim3A_322 = vector.broadcast %add3A_321 : i32 to vector<16xi32>
      %gather3A_323 = tpu.vector_load_idx %arg5[%broadcast_in_dim3A_322, %select_n3A_310] : memref<258x256xf32, #tpu.memory_space<vmem>>[vector<16xi32>, vector<16xi32>], vector<16xf32>,
      %add3A_324 = arith.constant 1 : i32
      %add3A_325 = vector.broadcast %add3A_324 : i32 to vector<16xi32>
      %add3A_326 = arith.addi %select_n3A_310, %add3A_325 : vector<16xi32>
      %gather3A_327 = tpu.vector_load_idx %arg5[%broadcast_in_dim3A_322, %add3A_326] : memref<258x256xf32, #tpu.memory_space<vmem>>[vector<16xi32>, vector<16xi32>], vector<16xf32>,
      %add3A_328 = arith.constant 2 : i32
      %add3A_329 = vector.broadcast %add3A_328 : i32 to vector<16xi32>
      %add3A_330 = arith.addi %select_n3A_310, %add3A_329 : vector<16xi32>
      %gather3A_331 = tpu.vector_load_idx %arg5[%broadcast_in_dim3A_322, %add3A_330] : memref<258x256xf32, #tpu.memory_space<vmem>>[vector<16xi32>, vector<16xi32>], vector<16xf32>,
      %le3A_332 = arith.cmpf ole, %select_n3A_317, %select_n3A_318 : vector<16xf32>
      %add3A_333 = arith.constant 1 : i32
      %add3A_334 = vector.broadcast %add3A_333 : i32 to vector<16xi32>
      %add3A_335 = arith.addi %select_n3A_310, %add3A_334 : vector<16xi32>
      %select_n3A_336 = arith.select %le3A_332, %select_n3A_310, %add3A_335 : vector<16xi1>, vector<16xi32>
      %select_n3A_337 = arith.select %le3A_332, %select_n3A_317, %select_n3A_318 : vector<16xi1>, vector<16xf32>
      %add3A_338 = arith.addf %add3A_312, %select_n3A_337 : vector<16xf32>
      %eq3A_339 = arith.constant 11 : i32
      %eq3A_340 = vector.broadcast %eq3A_339 : i32 to vector<16xi32>
      %eq3A_341 = arith.cmpi eq, %iota3A, %eq3A_340 : vector<16xi32>
      %select_n3A_342 = arith.select %eq3A_341, %select_n3A_336, %select_n3A_316 : vector<16xi1>, vector<16xi32>
      %select_n3A_343 = arith.select %le3A_332, %gather3A_323, %gather3A_327 : vector<16xi1>, vector<16xf32>
      %select_n3A_344 = arith.select %le3A_332, %gather3A_327, %gather3A_331 : vector<16xi1>, vector<16xf32>
      %add3A_345 = arith.constant 12 : i32
      %add3A_346 = arith.constant 1 : i32
      %add3A_347 = arith.addi %add3A_345, %add3A_346 : i32
      %broadcast_in_dim3A_348 = vector.broadcast %add3A_347 : i32 to vector<16xi32>
      %gather3A_349 = tpu.vector_load_idx %arg5[%broadcast_in_dim3A_348, %select_n3A_336] : memref<258x256xf32, #tpu.memory_space<vmem>>[vector<16xi32>, vector<16xi32>], vector<16xf32>,
      %add3A_350 = arith.constant 1 : i32
      %add3A_351 = vector.broadcast %add3A_350 : i32 to vector<16xi32>
      %add3A_352 = arith.addi %select_n3A_336, %add3A_351 : vector<16xi32>
      %gather3A_353 = tpu.vector_load_idx %arg5[%broadcast_in_dim3A_348, %add3A_352] : memref<258x256xf32, #tpu.memory_space<vmem>>[vector<16xi32>, vector<16xi32>], vector<16xf32>,
      %add3A_354 = arith.constant 2 : i32
      %add3A_355 = vector.broadcast %add3A_354 : i32 to vector<16xi32>
      %add3A_356 = arith.addi %select_n3A_336, %add3A_355 : vector<16xi32>
      %gather3A_357 = tpu.vector_load_idx %arg5[%broadcast_in_dim3A_348, %add3A_356] : memref<258x256xf32, #tpu.memory_space<vmem>>[vector<16xi32>, vector<16xi32>], vector<16xf32>,
      %le3A_358 = arith.cmpf ole, %select_n3A_343, %select_n3A_344 : vector<16xf32>
      %add3A_359 = arith.constant 1 : i32
      %add3A_360 = vector.broadcast %add3A_359 : i32 to vector<16xi32>
      %add3A_361 = arith.addi %select_n3A_336, %add3A_360 : vector<16xi32>
      %select_n3A_362 = arith.select %le3A_358, %select_n3A_336, %add3A_361 : vector<16xi1>, vector<16xi32>
      %select_n3A_363 = arith.select %le3A_358, %select_n3A_343, %select_n3A_344 : vector<16xi1>, vector<16xf32>
      %add3A_364 = arith.addf %add3A_338, %select_n3A_363 : vector<16xf32>
      %eq3A_365 = arith.constant 12 : i32
      %eq3A_366 = vector.broadcast %eq3A_365 : i32 to vector<16xi32>
      %eq3A_367 = arith.cmpi eq, %iota3A, %eq3A_366 : vector<16xi32>
      %select_n3A_368 = arith.select %eq3A_367, %select_n3A_362, %select_n3A_342 : vector<16xi1>, vector<16xi32>
      %select_n3A_369 = arith.select %le3A_358, %gather3A_349, %gather3A_353 : vector<16xi1>, vector<16xf32>
      %select_n3A_370 = arith.select %le3A_358, %gather3A_353, %gather3A_357 : vector<16xi1>, vector<16xf32>
      %add3A_371 = arith.constant 13 : i32
      %add3A_372 = arith.constant 1 : i32
      %add3A_373 = arith.addi %add3A_371, %add3A_372 : i32
      %broadcast_in_dim3A_374 = vector.broadcast %add3A_373 : i32 to vector<16xi32>
      %gather3A_375 = tpu.vector_load_idx %arg5[%broadcast_in_dim3A_374, %select_n3A_362] : memref<258x256xf32, #tpu.memory_space<vmem>>[vector<16xi32>, vector<16xi32>], vector<16xf32>,
      %add3A_376 = arith.constant 1 : i32
      %add3A_377 = vector.broadcast %add3A_376 : i32 to vector<16xi32>
      %add3A_378 = arith.addi %select_n3A_362, %add3A_377 : vector<16xi32>
      %gather3A_379 = tpu.vector_load_idx %arg5[%broadcast_in_dim3A_374, %add3A_378] : memref<258x256xf32, #tpu.memory_space<vmem>>[vector<16xi32>, vector<16xi32>], vector<16xf32>,
      %add3A_380 = arith.constant 2 : i32
      %add3A_381 = vector.broadcast %add3A_380 : i32 to vector<16xi32>
      %add3A_382 = arith.addi %select_n3A_362, %add3A_381 : vector<16xi32>
      %gather3A_383 = tpu.vector_load_idx %arg5[%broadcast_in_dim3A_374, %add3A_382] : memref<258x256xf32, #tpu.memory_space<vmem>>[vector<16xi32>, vector<16xi32>], vector<16xf32>,
      %le3A_384 = arith.cmpf ole, %select_n3A_369, %select_n3A_370 : vector<16xf32>
      %add3A_385 = arith.constant 1 : i32
      %add3A_386 = vector.broadcast %add3A_385 : i32 to vector<16xi32>
      %add3A_387 = arith.addi %select_n3A_362, %add3A_386 : vector<16xi32>
      %select_n3A_388 = arith.select %le3A_384, %select_n3A_362, %add3A_387 : vector<16xi1>, vector<16xi32>
      %select_n3A_389 = arith.select %le3A_384, %select_n3A_369, %select_n3A_370 : vector<16xi1>, vector<16xf32>
      %add3A_390 = arith.addf %add3A_364, %select_n3A_389 : vector<16xf32>
      %eq3A_391 = arith.constant 13 : i32
      %eq3A_392 = vector.broadcast %eq3A_391 : i32 to vector<16xi32>
      %eq3A_393 = arith.cmpi eq, %iota3A, %eq3A_392 : vector<16xi32>
      %select_n3A_394 = arith.select %eq3A_393, %select_n3A_388, %select_n3A_368 : vector<16xi1>, vector<16xi32>
      %select_n3A_395 = arith.select %le3A_384, %gather3A_375, %gather3A_379 : vector<16xi1>, vector<16xf32>
      %select_n3A_396 = arith.select %le3A_384, %gather3A_379, %gather3A_383 : vector<16xi1>, vector<16xf32>
      %add3A_397 = arith.constant 14 : i32
      %add3A_398 = arith.constant 1 : i32
      %add3A_399 = arith.addi %add3A_397, %add3A_398 : i32
      %broadcast_in_dim3A_400 = vector.broadcast %add3A_399 : i32 to vector<16xi32>
      %gather3A_401 = tpu.vector_load_idx %arg5[%broadcast_in_dim3A_400, %select_n3A_388] : memref<258x256xf32, #tpu.memory_space<vmem>>[vector<16xi32>, vector<16xi32>], vector<16xf32>,
      %add3A_402 = arith.constant 1 : i32
      %add3A_403 = vector.broadcast %add3A_402 : i32 to vector<16xi32>
      %add3A_404 = arith.addi %select_n3A_388, %add3A_403 : vector<16xi32>
      %gather3A_405 = tpu.vector_load_idx %arg5[%broadcast_in_dim3A_400, %add3A_404] : memref<258x256xf32, #tpu.memory_space<vmem>>[vector<16xi32>, vector<16xi32>], vector<16xf32>,
      %add3A_406 = arith.constant 2 : i32
      %add3A_407 = vector.broadcast %add3A_406 : i32 to vector<16xi32>
      %add3A_408 = arith.addi %select_n3A_388, %add3A_407 : vector<16xi32>
      %gather3A_409 = tpu.vector_load_idx %arg5[%broadcast_in_dim3A_400, %add3A_408] : memref<258x256xf32, #tpu.memory_space<vmem>>[vector<16xi32>, vector<16xi32>], vector<16xf32>,
      %le3A_410 = arith.cmpf ole, %select_n3A_395, %select_n3A_396 : vector<16xf32>
      %add3A_411 = arith.constant 1 : i32
      %add3A_412 = vector.broadcast %add3A_411 : i32 to vector<16xi32>
      %add3A_413 = arith.addi %select_n3A_388, %add3A_412 : vector<16xi32>
      %select_n3A_414 = arith.select %le3A_410, %select_n3A_388, %add3A_413 : vector<16xi1>, vector<16xi32>
      %select_n3A_415 = arith.select %le3A_410, %select_n3A_395, %select_n3A_396 : vector<16xi1>, vector<16xf32>
      %add3A_416 = arith.addf %add3A_390, %select_n3A_415 : vector<16xf32>
      %eq3A_417 = arith.constant 14 : i32
      %eq3A_418 = vector.broadcast %eq3A_417 : i32 to vector<16xi32>
      %eq3A_419 = arith.cmpi eq, %iota3A, %eq3A_418 : vector<16xi32>
      %select_n3A_420 = arith.select %eq3A_419, %select_n3A_414, %select_n3A_394 : vector<16xi1>, vector<16xi32>
      %select_n3A_421 = arith.select %le3A_410, %gather3A_401, %gather3A_405 : vector<16xi1>, vector<16xf32>
      %select_n3A_422 = arith.select %le3A_410, %gather3A_405, %gather3A_409 : vector<16xi1>, vector<16xf32>
      %add3A_423 = arith.constant 15 : i32
      %add3A_424 = arith.constant 1 : i32
      %add3A_425 = arith.addi %add3A_423, %add3A_424 : i32
      %broadcast_in_dim3A_426 = vector.broadcast %add3A_425 : i32 to vector<16xi32>
      %gather3A_427 = tpu.vector_load_idx %arg5[%broadcast_in_dim3A_426, %select_n3A_414] : memref<258x256xf32, #tpu.memory_space<vmem>>[vector<16xi32>, vector<16xi32>], vector<16xf32>,
      %add3A_428 = arith.constant 1 : i32
      %add3A_429 = vector.broadcast %add3A_428 : i32 to vector<16xi32>
      %add3A_430 = arith.addi %select_n3A_414, %add3A_429 : vector<16xi32>
      %gather3A_431 = tpu.vector_load_idx %arg5[%broadcast_in_dim3A_426, %add3A_430] : memref<258x256xf32, #tpu.memory_space<vmem>>[vector<16xi32>, vector<16xi32>], vector<16xf32>,
      %add3A_432 = arith.constant 2 : i32
      %add3A_433 = vector.broadcast %add3A_432 : i32 to vector<16xi32>
      %add3A_434 = arith.addi %select_n3A_414, %add3A_433 : vector<16xi32>
      %gather3A_435 = tpu.vector_load_idx %arg5[%broadcast_in_dim3A_426, %add3A_434] : memref<258x256xf32, #tpu.memory_space<vmem>>[vector<16xi32>, vector<16xi32>], vector<16xf32>,
      %le3A_436 = arith.cmpf ole, %select_n3A_421, %select_n3A_422 : vector<16xf32>
      %add3A_437 = arith.constant 1 : i32
      %add3A_438 = vector.broadcast %add3A_437 : i32 to vector<16xi32>
      %add3A_439 = arith.addi %select_n3A_414, %add3A_438 : vector<16xi32>
      %select_n3A_440 = arith.select %le3A_436, %select_n3A_414, %add3A_439 : vector<16xi1>, vector<16xi32>
      %select_n3A_441 = arith.select %le3A_436, %select_n3A_421, %select_n3A_422 : vector<16xi1>, vector<16xf32>
      %add3A_442 = arith.addf %add3A_416, %select_n3A_441 : vector<16xf32>
      %eq3A_443 = arith.constant 15 : i32
      %eq3A_444 = vector.broadcast %eq3A_443 : i32 to vector<16xi32>
      %eq3A_445 = arith.cmpi eq, %iota3A, %eq3A_444 : vector<16xi32>
      %select_n3A_446 = arith.select %eq3A_445, %select_n3A_440, %select_n3A_420 : vector<16xi1>, vector<16xi32>
      %select_n3A_447 = arith.select %le3A_436, %gather3A_427, %gather3A_431 : vector<16xi1>, vector<16xf32>
      %select_n3A_448 = arith.select %le3A_436, %gather3A_431, %gather3A_435 : vector<16xi1>, vector<16xf32>
      %swap3A = arith.constant 0 : index
      %swap3A_449 = tpu.vector_load %arg6[%swap3A] {strides = array<i32>} : memref<128xi32, #tpu.memory_space<vmem>>, vector<16xi32>,
      tpu.vector_store %arg6[%swap3A], %select_n3A_446 {strides = array<i32>} : memref<128xi32, #tpu.memory_space<vmem>>, vector<16xi32>,
      %scan3A = arith.constant 1 : i32
      %mul3A_450 = arith.constant 16 : i32
      %mul3A_451 = arith.muli %scan3A, %mul3A_450 : i32
      %broadcast_in_dim3A_452 = arith.constant 0 : i32
      %broadcast_in_dim3A_453 = vector.broadcast %broadcast_in_dim3A_452 : i32 to vector<16xi32>
      %add3A_454 = arith.constant 0 : i32
      %add3A_455 = arith.addi %mul3A_451, %add3A_454 : i32
      %add3A_456 = arith.constant 1 : i32
      %add3A_457 = arith.addi %add3A_455, %add3A_456 : i32
      %broadcast_in_dim3A_458 = vector.broadcast %add3A_457 : i32 to vector<16xi32>
      %gather3A_459 = tpu.vector_load_idx %arg5[%broadcast_in_dim3A_458, %select_n3A_440] : memref<258x256xf32, #tpu.memory_space<vmem>>[vector<16xi32>, vector<16xi32>], vector<16xf32>,
      %add3A_460 = arith.constant 1 : i32
      %add3A_461 = vector.broadcast %add3A_460 : i32 to vector<16xi32>
      %add3A_462 = arith.addi %select_n3A_440, %add3A_461 : vector<16xi32>
      %gather3A_463 = tpu.vector_load_idx %arg5[%broadcast_in_dim3A_458, %add3A_462] : memref<258x256xf32, #tpu.memory_space<vmem>>[vector<16xi32>, vector<16xi32>], vector<16xf32>,
      %add3A_464 = arith.constant 2 : i32
      %add3A_465 = vector.broadcast %add3A_464 : i32 to vector<16xi32>
      %add3A_466 = arith.addi %select_n3A_440, %add3A_465 : vector<16xi32>
      %gather3A_467 = tpu.vector_load_idx %arg5[%broadcast_in_dim3A_458, %add3A_466] : memref<258x256xf32, #tpu.memory_space<vmem>>[vector<16xi32>, vector<16xi32>], vector<16xf32>,
      %le3A_468 = arith.cmpf ole, %select_n3A_447, %select_n3A_448 : vector<16xf32>
      %add3A_469 = arith.constant 1 : i32
      %add3A_470 = vector.broadcast %add3A_469 : i32 to vector<16xi32>
      %add3A_471 = arith.addi %select_n3A_440, %add3A_470 : vector<16xi32>
      %select_n3A_472 = arith.select %le3A_468, %select_n3A_440, %add3A_471 : vector<16xi1>, vector<16xi32>
      %select_n3A_473 = arith.select %le3A_468, %select_n3A_447, %select_n3A_448 : vector<16xi1>, vector<16xf32>
      %add3A_474 = arith.addf %add3A_442, %select_n3A_473 : vector<16xf32>
      %eq3A_475 = arith.constant 0 : i32
      %eq3A_476 = vector.broadcast %eq3A_475 : i32 to vector<16xi32>
      %eq3A_477 = arith.cmpi eq, %iota3A, %eq3A_476 : vector<16xi32>
      %select_n3A_478 = arith.select %eq3A_477, %select_n3A_472, %broadcast_in_dim3A_453 : vector<16xi1>, vector<16xi32>
      %select_n3A_479 = arith.select %le3A_468, %gather3A_459, %gather3A_463 : vector<16xi1>, vector<16xf32>
      %select_n3A_480 = arith.select %le3A_468, %gather3A_463, %gather3A_467 : vector<16xi1>, vector<16xf32>
      %add3A_481 = arith.constant 1 : i32
      %add3A_482 = arith.addi %mul3A_451, %add3A_481 : i32
      %add3A_483 = arith.constant 1 : i32
      %add3A_484 = arith.addi %add3A_482, %add3A_483 : i32
      %broadcast_in_dim3A_485 = vector.broadcast %add3A_484 : i32 to vector<16xi32>
      %gather3A_486 = tpu.vector_load_idx %arg5[%broadcast_in_dim3A_485, %select_n3A_472] : memref<258x256xf32, #tpu.memory_space<vmem>>[vector<16xi32>, vector<16xi32>], vector<16xf32>,
      %add3A_487 = arith.constant 1 : i32
      %add3A_488 = vector.broadcast %add3A_487 : i32 to vector<16xi32>
      %add3A_489 = arith.addi %select_n3A_472, %add3A_488 : vector<16xi32>
      %gather3A_490 = tpu.vector_load_idx %arg5[%broadcast_in_dim3A_485, %add3A_489] : memref<258x256xf32, #tpu.memory_space<vmem>>[vector<16xi32>, vector<16xi32>], vector<16xf32>,
      %add3A_491 = arith.constant 2 : i32
      %add3A_492 = vector.broadcast %add3A_491 : i32 to vector<16xi32>
      %add3A_493 = arith.addi %select_n3A_472, %add3A_492 : vector<16xi32>
      %gather3A_494 = tpu.vector_load_idx %arg5[%broadcast_in_dim3A_485, %add3A_493] : memref<258x256xf32, #tpu.memory_space<vmem>>[vector<16xi32>, vector<16xi32>], vector<16xf32>,
      %le3A_495 = arith.cmpf ole, %select_n3A_479, %select_n3A_480 : vector<16xf32>
      %add3A_496 = arith.constant 1 : i32
      %add3A_497 = vector.broadcast %add3A_496 : i32 to vector<16xi32>
      %add3A_498 = arith.addi %select_n3A_472, %add3A_497 : vector<16xi32>
      %select_n3A_499 = arith.select %le3A_495, %select_n3A_472, %add3A_498 : vector<16xi1>, vector<16xi32>
      %select_n3A_500 = arith.select %le3A_495, %select_n3A_479, %select_n3A_480 : vector<16xi1>, vector<16xf32>
      %add3A_501 = arith.addf %add3A_474, %select_n3A_500 : vector<16xf32>
      %eq3A_502 = arith.constant 1 : i32
      %eq3A_503 = vector.broadcast %eq3A_502 : i32 to vector<16xi32>
      %eq3A_504 = arith.cmpi eq, %iota3A, %eq3A_503 : vector<16xi32>
      %select_n3A_505 = arith.select %eq3A_504, %select_n3A_499, %select_n3A_478 : vector<16xi1>, vector<16xi32>
      %select_n3A_506 = arith.select %le3A_495, %gather3A_486, %gather3A_490 : vector<16xi1>, vector<16xf32>
      %select_n3A_507 = arith.select %le3A_495, %gather3A_490, %gather3A_494 : vector<16xi1>, vector<16xf32>
      %add3A_508 = arith.constant 2 : i32
      %add3A_509 = arith.addi %mul3A_451, %add3A_508 : i32
      %add3A_510 = arith.constant 1 : i32
      %add3A_511 = arith.addi %add3A_509, %add3A_510 : i32
      %broadcast_in_dim3A_512 = vector.broadcast %add3A_511 : i32 to vector<16xi32>
      %gather3A_513 = tpu.vector_load_idx %arg5[%broadcast_in_dim3A_512, %select_n3A_499] : memref<258x256xf32, #tpu.memory_space<vmem>>[vector<16xi32>, vector<16xi32>], vector<16xf32>,
      %add3A_514 = arith.constant 1 : i32
      %add3A_515 = vector.broadcast %add3A_514 : i32 to vector<16xi32>
      %add3A_516 = arith.addi %select_n3A_499, %add3A_515 : vector<16xi32>
      %gather3A_517 = tpu.vector_load_idx %arg5[%broadcast_in_dim3A_512, %add3A_516] : memref<258x256xf32, #tpu.memory_space<vmem>>[vector<16xi32>, vector<16xi32>], vector<16xf32>,
      %add3A_518 = arith.constant 2 : i32
      %add3A_519 = vector.broadcast %add3A_518 : i32 to vector<16xi32>
      %add3A_520 = arith.addi %select_n3A_499, %add3A_519 : vector<16xi32>
      %gather3A_521 = tpu.vector_load_idx %arg5[%broadcast_in_dim3A_512, %add3A_520] : memref<258x256xf32, #tpu.memory_space<vmem>>[vector<16xi32>, vector<16xi32>], vector<16xf32>,
      %le3A_522 = arith.cmpf ole, %select_n3A_506, %select_n3A_507 : vector<16xf32>
      %add3A_523 = arith.constant 1 : i32
      %add3A_524 = vector.broadcast %add3A_523 : i32 to vector<16xi32>
      %add3A_525 = arith.addi %select_n3A_499, %add3A_524 : vector<16xi32>
      %select_n3A_526 = arith.select %le3A_522, %select_n3A_499, %add3A_525 : vector<16xi1>, vector<16xi32>
      %select_n3A_527 = arith.select %le3A_522, %select_n3A_506, %select_n3A_507 : vector<16xi1>, vector<16xf32>
      %add3A_528 = arith.addf %add3A_501, %select_n3A_527 : vector<16xf32>
      %eq3A_529 = arith.constant 2 : i32
      %eq3A_530 = vector.broadcast %eq3A_529 : i32 to vector<16xi32>
      %eq3A_531 = arith.cmpi eq, %iota3A, %eq3A_530 : vector<16xi32>
      %select_n3A_532 = arith.select %eq3A_531, %select_n3A_526, %select_n3A_505 : vector<16xi1>, vector<16xi32>
      %select_n3A_533 = arith.select %le3A_522, %gather3A_513, %gather3A_517 : vector<16xi1>, vector<16xf32>
      %select_n3A_534 = arith.select %le3A_522, %gather3A_517, %gather3A_521 : vector<16xi1>, vector<16xf32>
      %add3A_535 = arith.constant 3 : i32
      %add3A_536 = arith.addi %mul3A_451, %add3A_535 : i32
      %add3A_537 = arith.constant 1 : i32
      %add3A_538 = arith.addi %add3A_536, %add3A_537 : i32
      %broadcast_in_dim3A_539 = vector.broadcast %add3A_538 : i32 to vector<16xi32>
      %gather3A_540 = tpu.vector_load_idx %arg5[%broadcast_in_dim3A_539, %select_n3A_526] : memref<258x256xf32, #tpu.memory_space<vmem>>[vector<16xi32>, vector<16xi32>], vector<16xf32>,
      %add3A_541 = arith.constant 1 : i32
      %add3A_542 = vector.broadcast %add3A_541 : i32 to vector<16xi32>
      %add3A_543 = arith.addi %select_n3A_526, %add3A_542 : vector<16xi32>
      %gather3A_544 = tpu.vector_load_idx %arg5[%broadcast_in_dim3A_539, %add3A_543] : memref<258x256xf32, #tpu.memory_space<vmem>>[vector<16xi32>, vector<16xi32>], vector<16xf32>,
      %add3A_545 = arith.constant 2 : i32
      %add3A_546 = vector.broadcast %add3A_545 : i32 to vector<16xi32>
      %add3A_547 = arith.addi %select_n3A_526, %add3A_546 : vector<16xi32>
      %gather3A_548 = tpu.vector_load_idx %arg5[%broadcast_in_dim3A_539, %add3A_547] : memref<258x256xf32, #tpu.memory_space<vmem>>[vector<16xi32>, vector<16xi32>], vector<16xf32>,
      %le3A_549 = arith.cmpf ole, %select_n3A_533, %select_n3A_534 : vector<16xf32>
      %add3A_550 = arith.constant 1 : i32
      %add3A_551 = vector.broadcast %add3A_550 : i32 to vector<16xi32>
      %add3A_552 = arith.addi %select_n3A_526, %add3A_551 : vector<16xi32>
      %select_n3A_553 = arith.select %le3A_549, %select_n3A_526, %add3A_552 : vector<16xi1>, vector<16xi32>
      %select_n3A_554 = arith.select %le3A_549, %select_n3A_533, %select_n3A_534 : vector<16xi1>, vector<16xf32>
      %add3A_555 = arith.addf %add3A_528, %select_n3A_554 : vector<16xf32>
      %eq3A_556 = arith.constant 3 : i32
      %eq3A_557 = vector.broadcast %eq3A_556 : i32 to vector<16xi32>
      %eq3A_558 = arith.cmpi eq, %iota3A, %eq3A_557 : vector<16xi32>
      %select_n3A_559 = arith.select %eq3A_558, %select_n3A_553, %select_n3A_532 : vector<16xi1>, vector<16xi32>
      %select_n3A_560 = arith.select %le3A_549, %gather3A_540, %gather3A_544 : vector<16xi1>, vector<16xf32>
      %select_n3A_561 = arith.select %le3A_549, %gather3A_544, %gather3A_548 : vector<16xi1>, vector<16xf32>
      %add3A_562 = arith.constant 4 : i32
      %add3A_563 = arith.addi %mul3A_451, %add3A_562 : i32
      %add3A_564 = arith.constant 1 : i32
      %add3A_565 = arith.addi %add3A_563, %add3A_564 : i32
      %broadcast_in_dim3A_566 = vector.broadcast %add3A_565 : i32 to vector<16xi32>
      %gather3A_567 = tpu.vector_load_idx %arg5[%broadcast_in_dim3A_566, %select_n3A_553] : memref<258x256xf32, #tpu.memory_space<vmem>>[vector<16xi32>, vector<16xi32>], vector<16xf32>,
      %add3A_568 = arith.constant 1 : i32
      %add3A_569 = vector.broadcast %add3A_568 : i32 to vector<16xi32>
      %add3A_570 = arith.addi %select_n3A_553, %add3A_569 : vector<16xi32>
      %gather3A_571 = tpu.vector_load_idx %arg5[%broadcast_in_dim3A_566, %add3A_570] : memref<258x256xf32, #tpu.memory_space<vmem>>[vector<16xi32>, vector<16xi32>], vector<16xf32>,
      %add3A_572 = arith.constant 2 : i32
      %add3A_573 = vector.broadcast %add3A_572 : i32 to vector<16xi32>
      %add3A_574 = arith.addi %select_n3A_553, %add3A_573 : vector<16xi32>
      %gather3A_575 = tpu.vector_load_idx %arg5[%broadcast_in_dim3A_566, %add3A_574] : memref<258x256xf32, #tpu.memory_space<vmem>>[vector<16xi32>, vector<16xi32>], vector<16xf32>,
      %le3A_576 = arith.cmpf ole, %select_n3A_560, %select_n3A_561 : vector<16xf32>
      %add3A_577 = arith.constant 1 : i32
      %add3A_578 = vector.broadcast %add3A_577 : i32 to vector<16xi32>
      %add3A_579 = arith.addi %select_n3A_553, %add3A_578 : vector<16xi32>
      %select_n3A_580 = arith.select %le3A_576, %select_n3A_553, %add3A_579 : vector<16xi1>, vector<16xi32>
      %select_n3A_581 = arith.select %le3A_576, %select_n3A_560, %select_n3A_561 : vector<16xi1>, vector<16xf32>
      %add3A_582 = arith.addf %add3A_555, %select_n3A_581 : vector<16xf32>
      %eq3A_583 = arith.constant 4 : i32
      %eq3A_584 = vector.broadcast %eq3A_583 : i32 to vector<16xi32>
      %eq3A_585 = arith.cmpi eq, %iota3A, %eq3A_584 : vector<16xi32>
      %select_n3A_586 = arith.select %eq3A_585, %select_n3A_580, %select_n3A_559 : vector<16xi1>, vector<16xi32>
      %select_n3A_587 = arith.select %le3A_576, %gather3A_567, %gather3A_571 : vector<16xi1>, vector<16xf32>
      %select_n3A_588 = arith.select %le3A_576, %gather3A_571, %gather3A_575 : vector<16xi1>, vector<16xf32>
      %add3A_589 = arith.constant 5 : i32
      %add3A_590 = arith.addi %mul3A_451, %add3A_589 : i32
      %add3A_591 = arith.constant 1 : i32
      %add3A_592 = arith.addi %add3A_590, %add3A_591 : i32
      %broadcast_in_dim3A_593 = vector.broadcast %add3A_592 : i32 to vector<16xi32>
      %gather3A_594 = tpu.vector_load_idx %arg5[%broadcast_in_dim3A_593, %select_n3A_580] : memref<258x256xf32, #tpu.memory_space<vmem>>[vector<16xi32>, vector<16xi32>], vector<16xf32>,
      %add3A_595 = arith.constant 1 : i32
      %add3A_596 = vector.broadcast %add3A_595 : i32 to vector<16xi32>
      %add3A_597 = arith.addi %select_n3A_580, %add3A_596 : vector<16xi32>
      %gather3A_598 = tpu.vector_load_idx %arg5[%broadcast_in_dim3A_593, %add3A_597] : memref<258x256xf32, #tpu.memory_space<vmem>>[vector<16xi32>, vector<16xi32>], vector<16xf32>,
      %add3A_599 = arith.constant 2 : i32
      %add3A_600 = vector.broadcast %add3A_599 : i32 to vector<16xi32>
      %add3A_601 = arith.addi %select_n3A_580, %add3A_600 : vector<16xi32>
      %gather3A_602 = tpu.vector_load_idx %arg5[%broadcast_in_dim3A_593, %add3A_601] : memref<258x256xf32, #tpu.memory_space<vmem>>[vector<16xi32>, vector<16xi32>], vector<16xf32>,
      %le3A_603 = arith.cmpf ole, %select_n3A_587, %select_n3A_588 : vector<16xf32>
      %add3A_604 = arith.constant 1 : i32
      %add3A_605 = vector.broadcast %add3A_604 : i32 to vector<16xi32>
      %add3A_606 = arith.addi %select_n3A_580, %add3A_605 : vector<16xi32>
      %select_n3A_607 = arith.select %le3A_603, %select_n3A_580, %add3A_606 : vector<16xi1>, vector<16xi32>
      %select_n3A_608 = arith.select %le3A_603, %select_n3A_587, %select_n3A_588 : vector<16xi1>, vector<16xf32>
      %add3A_609 = arith.addf %add3A_582, %select_n3A_608 : vector<16xf32>
      %eq3A_610 = arith.constant 5 : i32
      %eq3A_611 = vector.broadcast %eq3A_610 : i32 to vector<16xi32>
      %eq3A_612 = arith.cmpi eq, %iota3A, %eq3A_611 : vector<16xi32>
      %select_n3A_613 = arith.select %eq3A_612, %select_n3A_607, %select_n3A_586 : vector<16xi1>, vector<16xi32>
      %select_n3A_614 = arith.select %le3A_603, %gather3A_594, %gather3A_598 : vector<16xi1>, vector<16xf32>
      %select_n3A_615 = arith.select %le3A_603, %gather3A_598, %gather3A_602 : vector<16xi1>, vector<16xf32>
      %add3A_616 = arith.constant 6 : i32
      %add3A_617 = arith.addi %mul3A_451, %add3A_616 : i32
      %add3A_618 = arith.constant 1 : i32
      %add3A_619 = arith.addi %add3A_617, %add3A_618 : i32
      %broadcast_in_dim3A_620 = vector.broadcast %add3A_619 : i32 to vector<16xi32>
      %gather3A_621 = tpu.vector_load_idx %arg5[%broadcast_in_dim3A_620, %select_n3A_607] : memref<258x256xf32, #tpu.memory_space<vmem>>[vector<16xi32>, vector<16xi32>], vector<16xf32>,
      %add3A_622 = arith.constant 1 : i32
      %add3A_623 = vector.broadcast %add3A_622 : i32 to vector<16xi32>
      %add3A_624 = arith.addi %select_n3A_607, %add3A_623 : vector<16xi32>
      %gather3A_625 = tpu.vector_load_idx %arg5[%broadcast_in_dim3A_620, %add3A_624] : memref<258x256xf32, #tpu.memory_space<vmem>>[vector<16xi32>, vector<16xi32>], vector<16xf32>,
      %add3A_626 = arith.constant 2 : i32
      %add3A_627 = vector.broadcast %add3A_626 : i32 to vector<16xi32>
      %add3A_628 = arith.addi %select_n3A_607, %add3A_627 : vector<16xi32>
      %gather3A_629 = tpu.vector_load_idx %arg5[%broadcast_in_dim3A_620, %add3A_628] : memref<258x256xf32, #tpu.memory_space<vmem>>[vector<16xi32>, vector<16xi32>], vector<16xf32>,
      %le3A_630 = arith.cmpf ole, %select_n3A_614, %select_n3A_615 : vector<16xf32>
      %add3A_631 = arith.constant 1 : i32
      %add3A_632 = vector.broadcast %add3A_631 : i32 to vector<16xi32>
      %add3A_633 = arith.addi %select_n3A_607, %add3A_632 : vector<16xi32>
      %select_n3A_634 = arith.select %le3A_630, %select_n3A_607, %add3A_633 : vector<16xi1>, vector<16xi32>
      %select_n3A_635 = arith.select %le3A_630, %select_n3A_614, %select_n3A_615 : vector<16xi1>, vector<16xf32>
      %add3A_636 = arith.addf %add3A_609, %select_n3A_635 : vector<16xf32>
      %eq3A_637 = arith.constant 6 : i32
      %eq3A_638 = vector.broadcast %eq3A_637 : i32 to vector<16xi32>
      %eq3A_639 = arith.cmpi eq, %iota3A, %eq3A_638 : vector<16xi32>
      %select_n3A_640 = arith.select %eq3A_639, %select_n3A_634, %select_n3A_613 : vector<16xi1>, vector<16xi32>
      %select_n3A_641 = arith.select %le3A_630, %gather3A_621, %gather3A_625 : vector<16xi1>, vector<16xf32>
      %select_n3A_642 = arith.select %le3A_630, %gather3A_625, %gather3A_629 : vector<16xi1>, vector<16xf32>
      %add3A_643 = arith.constant 7 : i32
      %add3A_644 = arith.addi %mul3A_451, %add3A_643 : i32
      %add3A_645 = arith.constant 1 : i32
      %add3A_646 = arith.addi %add3A_644, %add3A_645 : i32
      %broadcast_in_dim3A_647 = vector.broadcast %add3A_646 : i32 to vector<16xi32>
      %gather3A_648 = tpu.vector_load_idx %arg5[%broadcast_in_dim3A_647, %select_n3A_634] : memref<258x256xf32, #tpu.memory_space<vmem>>[vector<16xi32>, vector<16xi32>], vector<16xf32>,
      %add3A_649 = arith.constant 1 : i32
      %add3A_650 = vector.broadcast %add3A_649 : i32 to vector<16xi32>
      %add3A_651 = arith.addi %select_n3A_634, %add3A_650 : vector<16xi32>
      %gather3A_652 = tpu.vector_load_idx %arg5[%broadcast_in_dim3A_647, %add3A_651] : memref<258x256xf32, #tpu.memory_space<vmem>>[vector<16xi32>, vector<16xi32>], vector<16xf32>,
      %add3A_653 = arith.constant 2 : i32
      %add3A_654 = vector.broadcast %add3A_653 : i32 to vector<16xi32>
      %add3A_655 = arith.addi %select_n3A_634, %add3A_654 : vector<16xi32>
      %gather3A_656 = tpu.vector_load_idx %arg5[%broadcast_in_dim3A_647, %add3A_655] : memref<258x256xf32, #tpu.memory_space<vmem>>[vector<16xi32>, vector<16xi32>], vector<16xf32>,
      %le3A_657 = arith.cmpf ole, %select_n3A_641, %select_n3A_642 : vector<16xf32>
      %add3A_658 = arith.constant 1 : i32
      %add3A_659 = vector.broadcast %add3A_658 : i32 to vector<16xi32>
      %add3A_660 = arith.addi %select_n3A_634, %add3A_659 : vector<16xi32>
      %select_n3A_661 = arith.select %le3A_657, %select_n3A_634, %add3A_660 : vector<16xi1>, vector<16xi32>
      %select_n3A_662 = arith.select %le3A_657, %select_n3A_641, %select_n3A_642 : vector<16xi1>, vector<16xf32>
      %add3A_663 = arith.addf %add3A_636, %select_n3A_662 : vector<16xf32>
      %eq3A_664 = arith.constant 7 : i32
      %eq3A_665 = vector.broadcast %eq3A_664 : i32 to vector<16xi32>
      %eq3A_666 = arith.cmpi eq, %iota3A, %eq3A_665 : vector<16xi32>
      %select_n3A_667 = arith.select %eq3A_666, %select_n3A_661, %select_n3A_640 : vector<16xi1>, vector<16xi32>
      %select_n3A_668 = arith.select %le3A_657, %gather3A_648, %gather3A_652 : vector<16xi1>, vector<16xf32>
      %select_n3A_669 = arith.select %le3A_657, %gather3A_652, %gather3A_656 : vector<16xi1>, vector<16xf32>
      %add3A_670 = arith.constant 8 : i32
      %add3A_671 = arith.addi %mul3A_451, %add3A_670 : i32
      %add3A_672 = arith.constant 1 : i32
      %add3A_673 = arith.addi %add3A_671, %add3A_672 : i32
      %broadcast_in_dim3A_674 = vector.broadcast %add3A_673 : i32 to vector<16xi32>
      %gather3A_675 = tpu.vector_load_idx %arg5[%broadcast_in_dim3A_674, %select_n3A_661] : memref<258x256xf32, #tpu.memory_space<vmem>>[vector<16xi32>, vector<16xi32>], vector<16xf32>,
      %add3A_676 = arith.constant 1 : i32
      %add3A_677 = vector.broadcast %add3A_676 : i32 to vector<16xi32>
      %add3A_678 = arith.addi %select_n3A_661, %add3A_677 : vector<16xi32>
      %gather3A_679 = tpu.vector_load_idx %arg5[%broadcast_in_dim3A_674, %add3A_678] : memref<258x256xf32, #tpu.memory_space<vmem>>[vector<16xi32>, vector<16xi32>], vector<16xf32>,
      %add3A_680 = arith.constant 2 : i32
      %add3A_681 = vector.broadcast %add3A_680 : i32 to vector<16xi32>
      %add3A_682 = arith.addi %select_n3A_661, %add3A_681 : vector<16xi32>
      %gather3A_683 = tpu.vector_load_idx %arg5[%broadcast_in_dim3A_674, %add3A_682] : memref<258x256xf32, #tpu.memory_space<vmem>>[vector<16xi32>, vector<16xi32>], vector<16xf32>,
      %le3A_684 = arith.cmpf ole, %select_n3A_668, %select_n3A_669 : vector<16xf32>
      %add3A_685 = arith.constant 1 : i32
      %add3A_686 = vector.broadcast %add3A_685 : i32 to vector<16xi32>
      %add3A_687 = arith.addi %select_n3A_661, %add3A_686 : vector<16xi32>
      %select_n3A_688 = arith.select %le3A_684, %select_n3A_661, %add3A_687 : vector<16xi1>, vector<16xi32>
      %select_n3A_689 = arith.select %le3A_684, %select_n3A_668, %select_n3A_669 : vector<16xi1>, vector<16xf32>
      %add3A_690 = arith.addf %add3A_663, %select_n3A_689 : vector<16xf32>
      %eq3A_691 = arith.constant 8 : i32
      %eq3A_692 = vector.broadcast %eq3A_691 : i32 to vector<16xi32>
      %eq3A_693 = arith.cmpi eq, %iota3A, %eq3A_692 : vector<16xi32>
      %select_n3A_694 = arith.select %eq3A_693, %select_n3A_688, %select_n3A_667 : vector<16xi1>, vector<16xi32>
      %select_n3A_695 = arith.select %le3A_684, %gather3A_675, %gather3A_679 : vector<16xi1>, vector<16xf32>
      %select_n3A_696 = arith.select %le3A_684, %gather3A_679, %gather3A_683 : vector<16xi1>, vector<16xf32>
      %add3A_697 = arith.constant 9 : i32
      %add3A_698 = arith.addi %mul3A_451, %add3A_697 : i32
      %add3A_699 = arith.constant 1 : i32
      %add3A_700 = arith.addi %add3A_698, %add3A_699 : i32
      %broadcast_in_dim3A_701 = vector.broadcast %add3A_700 : i32 to vector<16xi32>
      %gather3A_702 = tpu.vector_load_idx %arg5[%broadcast_in_dim3A_701, %select_n3A_688] : memref<258x256xf32, #tpu.memory_space<vmem>>[vector<16xi32>, vector<16xi32>], vector<16xf32>,
      %add3A_703 = arith.constant 1 : i32
      %add3A_704 = vector.broadcast %add3A_703 : i32 to vector<16xi32>
      %add3A_705 = arith.addi %select_n3A_688, %add3A_704 : vector<16xi32>
      %gather3A_706 = tpu.vector_load_idx %arg5[%broadcast_in_dim3A_701, %add3A_705] : memref<258x256xf32, #tpu.memory_space<vmem>>[vector<16xi32>, vector<16xi32>], vector<16xf32>,
      %add3A_707 = arith.constant 2 : i32
      %add3A_708 = vector.broadcast %add3A_707 : i32 to vector<16xi32>
      %add3A_709 = arith.addi %select_n3A_688, %add3A_708 : vector<16xi32>
      %gather3A_710 = tpu.vector_load_idx %arg5[%broadcast_in_dim3A_701, %add3A_709] : memref<258x256xf32, #tpu.memory_space<vmem>>[vector<16xi32>, vector<16xi32>], vector<16xf32>,
      %le3A_711 = arith.cmpf ole, %select_n3A_695, %select_n3A_696 : vector<16xf32>
      %add3A_712 = arith.constant 1 : i32
      %add3A_713 = vector.broadcast %add3A_712 : i32 to vector<16xi32>
      %add3A_714 = arith.addi %select_n3A_688, %add3A_713 : vector<16xi32>
      %select_n3A_715 = arith.select %le3A_711, %select_n3A_688, %add3A_714 : vector<16xi1>, vector<16xi32>
      %select_n3A_716 = arith.select %le3A_711, %select_n3A_695, %select_n3A_696 : vector<16xi1>, vector<16xf32>
      %add3A_717 = arith.addf %add3A_690, %select_n3A_716 : vector<16xf32>
      %eq3A_718 = arith.constant 9 : i32
      %eq3A_719 = vector.broadcast %eq3A_718 : i32 to vector<16xi32>
      %eq3A_720 = arith.cmpi eq, %iota3A, %eq3A_719 : vector<16xi32>
      %select_n3A_721 = arith.select %eq3A_720, %select_n3A_715, %select_n3A_694 : vector<16xi1>, vector<16xi32>
      %select_n3A_722 = arith.select %le3A_711, %gather3A_702, %gather3A_706 : vector<16xi1>, vector<16xf32>
      %select_n3A_723 = arith.select %le3A_711, %gather3A_706, %gather3A_710 : vector<16xi1>, vector<16xf32>
      %add3A_724 = arith.constant 10 : i32
      %add3A_725 = arith.addi %mul3A_451, %add3A_724 : i32
      %add3A_726 = arith.constant 1 : i32
      %add3A_727 = arith.addi %add3A_725, %add3A_726 : i32
      %broadcast_in_dim3A_728 = vector.broadcast %add3A_727 : i32 to vector<16xi32>
      %gather3A_729 = tpu.vector_load_idx %arg5[%broadcast_in_dim3A_728, %select_n3A_715] : memref<258x256xf32, #tpu.memory_space<vmem>>[vector<16xi32>, vector<16xi32>], vector<16xf32>,
      %add3A_730 = arith.constant 1 : i32
      %add3A_731 = vector.broadcast %add3A_730 : i32 to vector<16xi32>
      %add3A_732 = arith.addi %select_n3A_715, %add3A_731 : vector<16xi32>
      %gather3A_733 = tpu.vector_load_idx %arg5[%broadcast_in_dim3A_728, %add3A_732] : memref<258x256xf32, #tpu.memory_space<vmem>>[vector<16xi32>, vector<16xi32>], vector<16xf32>,
      %add3A_734 = arith.constant 2 : i32
      %add3A_735 = vector.broadcast %add3A_734 : i32 to vector<16xi32>
      %add3A_736 = arith.addi %select_n3A_715, %add3A_735 : vector<16xi32>
      %gather3A_737 = tpu.vector_load_idx %arg5[%broadcast_in_dim3A_728, %add3A_736] : memref<258x256xf32, #tpu.memory_space<vmem>>[vector<16xi32>, vector<16xi32>], vector<16xf32>,
      %le3A_738 = arith.cmpf ole, %select_n3A_722, %select_n3A_723 : vector<16xf32>
      %add3A_739 = arith.constant 1 : i32
      %add3A_740 = vector.broadcast %add3A_739 : i32 to vector<16xi32>
      %add3A_741 = arith.addi %select_n3A_715, %add3A_740 : vector<16xi32>
      %select_n3A_742 = arith.select %le3A_738, %select_n3A_715, %add3A_741 : vector<16xi1>, vector<16xi32>
      %select_n3A_743 = arith.select %le3A_738, %select_n3A_722, %select_n3A_723 : vector<16xi1>, vector<16xf32>
      %add3A_744 = arith.addf %add3A_717, %select_n3A_743 : vector<16xf32>
      %eq3A_745 = arith.constant 10 : i32
      %eq3A_746 = vector.broadcast %eq3A_745 : i32 to vector<16xi32>
      %eq3A_747 = arith.cmpi eq, %iota3A, %eq3A_746 : vector<16xi32>
      %select_n3A_748 = arith.select %eq3A_747, %select_n3A_742, %select_n3A_721 : vector<16xi1>, vector<16xi32>
      %select_n3A_749 = arith.select %le3A_738, %gather3A_729, %gather3A_733 : vector<16xi1>, vector<16xf32>
      %select_n3A_750 = arith.select %le3A_738, %gather3A_733, %gather3A_737 : vector<16xi1>, vector<16xf32>
      %add3A_751 = arith.constant 11 : i32
      %add3A_752 = arith.addi %mul3A_451, %add3A_751 : i32
      %add3A_753 = arith.constant 1 : i32
      %add3A_754 = arith.addi %add3A_752, %add3A_753 : i32
      %broadcast_in_dim3A_755 = vector.broadcast %add3A_754 : i32 to vector<16xi32>
      %gather3A_756 = tpu.vector_load_idx %arg5[%broadcast_in_dim3A_755, %select_n3A_742] : memref<258x256xf32, #tpu.memory_space<vmem>>[vector<16xi32>, vector<16xi32>], vector<16xf32>,
      %add3A_757 = arith.constant 1 : i32
      %add3A_758 = vector.broadcast %add3A_757 : i32 to vector<16xi32>
      %add3A_759 = arith.addi %select_n3A_742, %add3A_758 : vector<16xi32>
      %gather3A_760 = tpu.vector_load_idx %arg5[%broadcast_in_dim3A_755, %add3A_759] : memref<258x256xf32, #tpu.memory_space<vmem>>[vector<16xi32>, vector<16xi32>], vector<16xf32>,
      %add3A_761 = arith.constant 2 : i32
      %add3A_762 = vector.broadcast %add3A_761 : i32 to vector<16xi32>
      %add3A_763 = arith.addi %select_n3A_742, %add3A_762 : vector<16xi32>
      %gather3A_764 = tpu.vector_load_idx %arg5[%broadcast_in_dim3A_755, %add3A_763] : memref<258x256xf32, #tpu.memory_space<vmem>>[vector<16xi32>, vector<16xi32>], vector<16xf32>,
      %le3A_765 = arith.cmpf ole, %select_n3A_749, %select_n3A_750 : vector<16xf32>
      %add3A_766 = arith.constant 1 : i32
      %add3A_767 = vector.broadcast %add3A_766 : i32 to vector<16xi32>
      %add3A_768 = arith.addi %select_n3A_742, %add3A_767 : vector<16xi32>
      %select_n3A_769 = arith.select %le3A_765, %select_n3A_742, %add3A_768 : vector<16xi1>, vector<16xi32>
      %select_n3A_770 = arith.select %le3A_765, %select_n3A_749, %select_n3A_750 : vector<16xi1>, vector<16xf32>
      %add3A_771 = arith.addf %add3A_744, %select_n3A_770 : vector<16xf32>
      %eq3A_772 = arith.constant 11 : i32
      %eq3A_773 = vector.broadcast %eq3A_772 : i32 to vector<16xi32>
      %eq3A_774 = arith.cmpi eq, %iota3A, %eq3A_773 : vector<16xi32>
      %select_n3A_775 = arith.select %eq3A_774, %select_n3A_769, %select_n3A_748 : vector<16xi1>, vector<16xi32>
      %select_n3A_776 = arith.select %le3A_765, %gather3A_756, %gather3A_760 : vector<16xi1>, vector<16xf32>
      %select_n3A_777 = arith.select %le3A_765, %gather3A_760, %gather3A_764 : vector<16xi1>, vector<16xf32>
      %add3A_778 = arith.constant 12 : i32
      %add3A_779 = arith.addi %mul3A_451, %add3A_778 : i32
      %add3A_780 = arith.constant 1 : i32
      %add3A_781 = arith.addi %add3A_779, %add3A_780 : i32
      %broadcast_in_dim3A_782 = vector.broadcast %add3A_781 : i32 to vector<16xi32>
      %gather3A_783 = tpu.vector_load_idx %arg5[%broadcast_in_dim3A_782, %select_n3A_769] : memref<258x256xf32, #tpu.memory_space<vmem>>[vector<16xi32>, vector<16xi32>], vector<16xf32>,
      %add3A_784 = arith.constant 1 : i32
      %add3A_785 = vector.broadcast %add3A_784 : i32 to vector<16xi32>
      %add3A_786 = arith.addi %select_n3A_769, %add3A_785 : vector<16xi32>
      %gather3A_787 = tpu.vector_load_idx %arg5[%broadcast_in_dim3A_782, %add3A_786] : memref<258x256xf32, #tpu.memory_space<vmem>>[vector<16xi32>, vector<16xi32>], vector<16xf32>,
      %add3A_788 = arith.constant 2 : i32
      %add3A_789 = vector.broadcast %add3A_788 : i32 to vector<16xi32>
      %add3A_790 = arith.addi %select_n3A_769, %add3A_789 : vector<16xi32>
      %gather3A_791 = tpu.vector_load_idx %arg5[%broadcast_in_dim3A_782, %add3A_790] : memref<258x256xf32, #tpu.memory_space<vmem>>[vector<16xi32>, vector<16xi32>], vector<16xf32>,
      %le3A_792 = arith.cmpf ole, %select_n3A_776, %select_n3A_777 : vector<16xf32>
      %add3A_793 = arith.constant 1 : i32
      %add3A_794 = vector.broadcast %add3A_793 : i32 to vector<16xi32>
      %add3A_795 = arith.addi %select_n3A_769, %add3A_794 : vector<16xi32>
      %select_n3A_796 = arith.select %le3A_792, %select_n3A_769, %add3A_795 : vector<16xi1>, vector<16xi32>
      %select_n3A_797 = arith.select %le3A_792, %select_n3A_776, %select_n3A_777 : vector<16xi1>, vector<16xf32>
      %add3A_798 = arith.addf %add3A_771, %select_n3A_797 : vector<16xf32>
      %eq3A_799 = arith.constant 12 : i32
      %eq3A_800 = vector.broadcast %eq3A_799 : i32 to vector<16xi32>
      %eq3A_801 = arith.cmpi eq, %iota3A, %eq3A_800 : vector<16xi32>
      %select_n3A_802 = arith.select %eq3A_801, %select_n3A_796, %select_n3A_775 : vector<16xi1>, vector<16xi32>
      %select_n3A_803 = arith.select %le3A_792, %gather3A_783, %gather3A_787 : vector<16xi1>, vector<16xf32>
      %select_n3A_804 = arith.select %le3A_792, %gather3A_787, %gather3A_791 : vector<16xi1>, vector<16xf32>
      %add3A_805 = arith.constant 13 : i32
      %add3A_806 = arith.addi %mul3A_451, %add3A_805 : i32
      %add3A_807 = arith.constant 1 : i32
      %add3A_808 = arith.addi %add3A_806, %add3A_807 : i32
      %broadcast_in_dim3A_809 = vector.broadcast %add3A_808 : i32 to vector<16xi32>
      %gather3A_810 = tpu.vector_load_idx %arg5[%broadcast_in_dim3A_809, %select_n3A_796] : memref<258x256xf32, #tpu.memory_space<vmem>>[vector<16xi32>, vector<16xi32>], vector<16xf32>,
      %add3A_811 = arith.constant 1 : i32
      %add3A_812 = vector.broadcast %add3A_811 : i32 to vector<16xi32>
      %add3A_813 = arith.addi %select_n3A_796, %add3A_812 : vector<16xi32>
      %gather3A_814 = tpu.vector_load_idx %arg5[%broadcast_in_dim3A_809, %add3A_813] : memref<258x256xf32, #tpu.memory_space<vmem>>[vector<16xi32>, vector<16xi32>], vector<16xf32>,
      %add3A_815 = arith.constant 2 : i32
      %add3A_816 = vector.broadcast %add3A_815 : i32 to vector<16xi32>
      %add3A_817 = arith.addi %select_n3A_796, %add3A_816 : vector<16xi32>
      %gather3A_818 = tpu.vector_load_idx %arg5[%broadcast_in_dim3A_809, %add3A_817] : memref<258x256xf32, #tpu.memory_space<vmem>>[vector<16xi32>, vector<16xi32>], vector<16xf32>,
      %le3A_819 = arith.cmpf ole, %select_n3A_803, %select_n3A_804 : vector<16xf32>
      %add3A_820 = arith.constant 1 : i32
      %add3A_821 = vector.broadcast %add3A_820 : i32 to vector<16xi32>
      %add3A_822 = arith.addi %select_n3A_796, %add3A_821 : vector<16xi32>
      %select_n3A_823 = arith.select %le3A_819, %select_n3A_796, %add3A_822 : vector<16xi1>, vector<16xi32>
      %select_n3A_824 = arith.select %le3A_819, %select_n3A_803, %select_n3A_804 : vector<16xi1>, vector<16xf32>
      %add3A_825 = arith.addf %add3A_798, %select_n3A_824 : vector<16xf32>
      %eq3A_826 = arith.constant 13 : i32
      %eq3A_827 = vector.broadcast %eq3A_826 : i32 to vector<16xi32>
      %eq3A_828 = arith.cmpi eq, %iota3A, %eq3A_827 : vector<16xi32>
      %select_n3A_829 = arith.select %eq3A_828, %select_n3A_823, %select_n3A_802 : vector<16xi1>, vector<16xi32>
      %select_n3A_830 = arith.select %le3A_819, %gather3A_810, %gather3A_814 : vector<16xi1>, vector<16xf32>
      %select_n3A_831 = arith.select %le3A_819, %gather3A_814, %gather3A_818 : vector<16xi1>, vector<16xf32>
      %add3A_832 = arith.constant 14 : i32
      %add3A_833 = arith.addi %mul3A_451, %add3A_832 : i32
      %add3A_834 = arith.constant 1 : i32
      %add3A_835 = arith.addi %add3A_833, %add3A_834 : i32
      %broadcast_in_dim3A_836 = vector.broadcast %add3A_835 : i32 to vector<16xi32>
      %gather3A_837 = tpu.vector_load_idx %arg5[%broadcast_in_dim3A_836, %select_n3A_823] : memref<258x256xf32, #tpu.memory_space<vmem>>[vector<16xi32>, vector<16xi32>], vector<16xf32>,
      %add3A_838 = arith.constant 1 : i32
      %add3A_839 = vector.broadcast %add3A_838 : i32 to vector<16xi32>
      %add3A_840 = arith.addi %select_n3A_823, %add3A_839 : vector<16xi32>
      %gather3A_841 = tpu.vector_load_idx %arg5[%broadcast_in_dim3A_836, %add3A_840] : memref<258x256xf32, #tpu.memory_space<vmem>>[vector<16xi32>, vector<16xi32>], vector<16xf32>,
      %add3A_842 = arith.constant 2 : i32
      %add3A_843 = vector.broadcast %add3A_842 : i32 to vector<16xi32>
      %add3A_844 = arith.addi %select_n3A_823, %add3A_843 : vector<16xi32>
      %gather3A_845 = tpu.vector_load_idx %arg5[%broadcast_in_dim3A_836, %add3A_844] : memref<258x256xf32, #tpu.memory_space<vmem>>[vector<16xi32>, vector<16xi32>], vector<16xf32>,
      %le3A_846 = arith.cmpf ole, %select_n3A_830, %select_n3A_831 : vector<16xf32>
      %add3A_847 = arith.constant 1 : i32
      %add3A_848 = vector.broadcast %add3A_847 : i32 to vector<16xi32>
      %add3A_849 = arith.addi %select_n3A_823, %add3A_848 : vector<16xi32>
      %select_n3A_850 = arith.select %le3A_846, %select_n3A_823, %add3A_849 : vector<16xi1>, vector<16xi32>
      %select_n3A_851 = arith.select %le3A_846, %select_n3A_830, %select_n3A_831 : vector<16xi1>, vector<16xf32>
      %add3A_852 = arith.addf %add3A_825, %select_n3A_851 : vector<16xf32>
      %eq3A_853 = arith.constant 14 : i32
      %eq3A_854 = vector.broadcast %eq3A_853 : i32 to vector<16xi32>
      %eq3A_855 = arith.cmpi eq, %iota3A, %eq3A_854 : vector<16xi32>
      %select_n3A_856 = arith.select %eq3A_855, %select_n3A_850, %select_n3A_829 : vector<16xi1>, vector<16xi32>
      %select_n3A_857 = arith.select %le3A_846, %gather3A_837, %gather3A_841 : vector<16xi1>, vector<16xf32>
      %select_n3A_858 = arith.select %le3A_846, %gather3A_841, %gather3A_845 : vector<16xi1>, vector<16xf32>
      %add3A_859 = arith.constant 15 : i32
      %add3A_860 = arith.addi %mul3A_451, %add3A_859 : i32
      %add3A_861 = arith.constant 1 : i32
      %add3A_862 = arith.addi %add3A_860, %add3A_861 : i32
      %broadcast_in_dim3A_863 = vector.broadcast %add3A_862 : i32 to vector<16xi32>
      %gather3A_864 = tpu.vector_load_idx %arg5[%broadcast_in_dim3A_863, %select_n3A_850] : memref<258x256xf32, #tpu.memory_space<vmem>>[vector<16xi32>, vector<16xi32>], vector<16xf32>,
      %add3A_865 = arith.constant 1 : i32
      %add3A_866 = vector.broadcast %add3A_865 : i32 to vector<16xi32>
      %add3A_867 = arith.addi %select_n3A_850, %add3A_866 : vector<16xi32>
      %gather3A_868 = tpu.vector_load_idx %arg5[%broadcast_in_dim3A_863, %add3A_867] : memref<258x256xf32, #tpu.memory_space<vmem>>[vector<16xi32>, vector<16xi32>], vector<16xf32>,
      %add3A_869 = arith.constant 2 : i32
      %add3A_870 = vector.broadcast %add3A_869 : i32 to vector<16xi32>
      %add3A_871 = arith.addi %select_n3A_850, %add3A_870 : vector<16xi32>
      %gather3A_872 = tpu.vector_load_idx %arg5[%broadcast_in_dim3A_863, %add3A_871] : memref<258x256xf32, #tpu.memory_space<vmem>>[vector<16xi32>, vector<16xi32>], vector<16xf32>,
      %le3A_873 = arith.cmpf ole, %select_n3A_857, %select_n3A_858 : vector<16xf32>
      %add3A_874 = arith.constant 1 : i32
      %add3A_875 = vector.broadcast %add3A_874 : i32 to vector<16xi32>
      %add3A_876 = arith.addi %select_n3A_850, %add3A_875 : vector<16xi32>
      %select_n3A_877 = arith.select %le3A_873, %select_n3A_850, %add3A_876 : vector<16xi1>, vector<16xi32>
      %select_n3A_878 = arith.select %le3A_873, %select_n3A_857, %select_n3A_858 : vector<16xi1>, vector<16xf32>
      %add3A_879 = arith.addf %add3A_852, %select_n3A_878 : vector<16xf32>
      %eq3A_880 = arith.constant 15 : i32
      %eq3A_881 = vector.broadcast %eq3A_880 : i32 to vector<16xi32>
      %eq3A_882 = arith.cmpi eq, %iota3A, %eq3A_881 : vector<16xi32>
      %select_n3A_883 = arith.select %eq3A_882, %select_n3A_877, %select_n3A_856 : vector<16xi1>, vector<16xi32>
      %select_n3A_884 = arith.select %le3A_873, %gather3A_864, %gather3A_868 : vector<16xi1>, vector<16xf32>
      %select_n3A_885 = arith.select %le3A_873, %gather3A_868, %gather3A_872 : vector<16xi1>, vector<16xf32>
      %swap3A_886 = arith.index_cast %mul3A_451 : i32 to index
      %swap3A_887 = tpu.vector_load %arg6[%swap3A_886] {strides = array<i32>} : memref<128xi32, #tpu.memory_space<vmem>>, vector<16xi32>,
      tpu.vector_store %arg6[%swap3A_886], %select_n3A_883 {strides = array<i32>} : memref<128xi32, #tpu.memory_space<vmem>>, vector<16xi32>,
      %scan3A_888 = arith.constant 1 : i32
      %dma_wait3A_889 = arith.constant 48 : i32
      %dma_wait3A_890 = arith.constant 0 : i32
      %dma_wait3A_891 = tpu.memref_slice %arg5[%dma_wait3A_889, %dma_wait3A_890] : memref<258x256xf32, #tpu.memory_space<vmem>> -> memref<80x256xf32, #tpu.memory_space<vmem>>
      %dma_wait3A_892 = arith.constant 48 : i32
      %dma_wait3A_893 = arith.constant 0 : i32
      %dma_wait3A_894 = tpu.memref_slice %arg2[%add3A, %dma_wait3A_892, %dma_wait3A_893] : memref<16x256x256xf32, #tpu.memory_space<hbm>> -> memref<1x80x256xf32, #tpu.memory_space<hbm>>
      %dma_wait3A_895 = tpu.memref_squeeze %dma_wait3A_894 : memref<1x80x256xf32, #tpu.memory_space<hbm>> -> memref<80x256xf32, #tpu.memory_space<hbm>>
      %dma_wait3A_896 = arith.constant 48 : i32
      %dma_wait3A_897 = arith.constant 0 : i32
      %dma_wait3A_898 = tpu.memref_slice %arg5[%dma_wait3A_896, %dma_wait3A_897] : memref<258x256xf32, #tpu.memory_space<vmem>> -> memref<80x256xf32, #tpu.memory_space<vmem>>
      %dma_wait3A_899 = arith.constant 48 : i32
      %dma_wait3A_900 = arith.constant 0 : i32
      %dma_wait3A_901 = tpu.memref_slice %arg2[%add3A, %dma_wait3A_899, %dma_wait3A_900] : memref<16x256x256xf32, #tpu.memory_space<hbm>> -> memref<1x80x256xf32, #tpu.memory_space<hbm>>
      %dma_wait3A_902 = tpu.memref_squeeze %dma_wait3A_901 : memref<1x80x256xf32, #tpu.memory_space<hbm>> -> memref<80x256xf32, #tpu.memory_space<hbm>>
      tpu.wait_dma2 semaphore(%arg10 : memref<!tpu.dma_semaphore, #tpu.memory_space<semaphore_mem>>) src(%dma_wait3A_902 : memref<80x256xf32, #tpu.memory_space<hbm>>) dst(%dma_wait3A_898 : memref<80x256xf32, #tpu.memory_space<vmem>>)
      %scan3A_903 = arith.constant 2 : i32
      %scan3A_904 = arith.constant 5 : i32
      %scan3A_905 = arith.addi %scan3A_903, %scan3A_904 : i32
      %scan3A_906 = arith.constant 1 : i32
      %scan3A_907:4 = scf.for %scan3A_1371 = %scan3A_903 to %scan3A_905 step %scan3A_906 iter_args(%scan3A_1372 = %select_n3A_877, %scan3A_1373 = %select_n3A_884, %scan3A_1374 = %select_n3A_885, %scan3A_1375 = %add3A_879) -> (vector<16xi32>, vector<16xf32>, vector<16xf32>, vector<16xf32>)  : i32 {
        %mul3A_1376 = arith.constant 16 : i32
        %mul3A_1377 = arith.muli %scan3A_1371, %mul3A_1376 : i32
        %broadcast_in_dim3A_1378 = arith.constant 0 : i32
        %broadcast_in_dim3A_1379 = vector.broadcast %broadcast_in_dim3A_1378 : i32 to vector<16xi32>
        %add3A_1380 = arith.constant 0 : i32
        %add3A_1381 = arith.addi %mul3A_1377, %add3A_1380 : i32
        %add3A_1382 = arith.constant 1 : i32
        %add3A_1383 = arith.addi %add3A_1381, %add3A_1382 : i32
        %broadcast_in_dim3A_1384 = vector.broadcast %add3A_1383 : i32 to vector<16xi32>
        %gather3A_1385 = tpu.vector_load_idx %arg5[%broadcast_in_dim3A_1384, %scan3A_1372] : memref<258x256xf32, #tpu.memory_space<vmem>>[vector<16xi32>, vector<16xi32>], vector<16xf32>,
        %add3A_1386 = arith.constant 1 : i32
        %add3A_1387 = vector.broadcast %add3A_1386 : i32 to vector<16xi32>
        %add3A_1388 = arith.addi %scan3A_1372, %add3A_1387 : vector<16xi32>
        %gather3A_1389 = tpu.vector_load_idx %arg5[%broadcast_in_dim3A_1384, %add3A_1388] : memref<258x256xf32, #tpu.memory_space<vmem>>[vector<16xi32>, vector<16xi32>], vector<16xf32>,
        %add3A_1390 = arith.constant 2 : i32
        %add3A_1391 = vector.broadcast %add3A_1390 : i32 to vector<16xi32>
        %add3A_1392 = arith.addi %scan3A_1372, %add3A_1391 : vector<16xi32>
        %gather3A_1393 = tpu.vector_load_idx %arg5[%broadcast_in_dim3A_1384, %add3A_1392] : memref<258x256xf32, #tpu.memory_space<vmem>>[vector<16xi32>, vector<16xi32>], vector<16xf32>,
        %le3A_1394 = arith.cmpf ole, %scan3A_1373, %scan3A_1374 : vector<16xf32>
        %add3A_1395 = arith.constant 1 : i32
        %add3A_1396 = vector.broadcast %add3A_1395 : i32 to vector<16xi32>
        %add3A_1397 = arith.addi %scan3A_1372, %add3A_1396 : vector<16xi32>
        %select_n3A_1398 = arith.select %le3A_1394, %scan3A_1372, %add3A_1397 : vector<16xi1>, vector<16xi32>
        %select_n3A_1399 = arith.select %le3A_1394, %scan3A_1373, %scan3A_1374 : vector<16xi1>, vector<16xf32>
        %add3A_1400 = arith.addf %scan3A_1375, %select_n3A_1399 : vector<16xf32>
        %eq3A_1401 = arith.constant 0 : i32
        %eq3A_1402 = vector.broadcast %eq3A_1401 : i32 to vector<16xi32>
        %eq3A_1403 = arith.cmpi eq, %iota3A, %eq3A_1402 : vector<16xi32>
        %select_n3A_1404 = arith.select %eq3A_1403, %select_n3A_1398, %broadcast_in_dim3A_1379 : vector<16xi1>, vector<16xi32>
        %select_n3A_1405 = arith.select %le3A_1394, %gather3A_1385, %gather3A_1389 : vector<16xi1>, vector<16xf32>
        %select_n3A_1406 = arith.select %le3A_1394, %gather3A_1389, %gather3A_1393 : vector<16xi1>, vector<16xf32>
        %add3A_1407 = arith.constant 1 : i32
        %add3A_1408 = arith.addi %mul3A_1377, %add3A_1407 : i32
        %add3A_1409 = arith.constant 1 : i32
        %add3A_1410 = arith.addi %add3A_1408, %add3A_1409 : i32
        %broadcast_in_dim3A_1411 = vector.broadcast %add3A_1410 : i32 to vector<16xi32>
        %gather3A_1412 = tpu.vector_load_idx %arg5[%broadcast_in_dim3A_1411, %select_n3A_1398] : memref<258x256xf32, #tpu.memory_space<vmem>>[vector<16xi32>, vector<16xi32>], vector<16xf32>,
        %add3A_1413 = arith.constant 1 : i32
        %add3A_1414 = vector.broadcast %add3A_1413 : i32 to vector<16xi32>
        %add3A_1415 = arith.addi %select_n3A_1398, %add3A_1414 : vector<16xi32>
        %gather3A_1416 = tpu.vector_load_idx %arg5[%broadcast_in_dim3A_1411, %add3A_1415] : memref<258x256xf32, #tpu.memory_space<vmem>>[vector<16xi32>, vector<16xi32>], vector<16xf32>,
        %add3A_1417 = arith.constant 2 : i32
        %add3A_1418 = vector.broadcast %add3A_1417 : i32 to vector<16xi32>
        %add3A_1419 = arith.addi %select_n3A_1398, %add3A_1418 : vector<16xi32>
        %gather3A_1420 = tpu.vector_load_idx %arg5[%broadcast_in_dim3A_1411, %add3A_1419] : memref<258x256xf32, #tpu.memory_space<vmem>>[vector<16xi32>, vector<16xi32>], vector<16xf32>,
        %le3A_1421 = arith.cmpf ole, %select_n3A_1405, %select_n3A_1406 : vector<16xf32>
        %add3A_1422 = arith.constant 1 : i32
        %add3A_1423 = vector.broadcast %add3A_1422 : i32 to vector<16xi32>
        %add3A_1424 = arith.addi %select_n3A_1398, %add3A_1423 : vector<16xi32>
        %select_n3A_1425 = arith.select %le3A_1421, %select_n3A_1398, %add3A_1424 : vector<16xi1>, vector<16xi32>
        %select_n3A_1426 = arith.select %le3A_1421, %select_n3A_1405, %select_n3A_1406 : vector<16xi1>, vector<16xf32>
        %add3A_1427 = arith.addf %add3A_1400, %select_n3A_1426 : vector<16xf32>
        %eq3A_1428 = arith.constant 1 : i32
        %eq3A_1429 = vector.broadcast %eq3A_1428 : i32 to vector<16xi32>
        %eq3A_1430 = arith.cmpi eq, %iota3A, %eq3A_1429 : vector<16xi32>
        %select_n3A_1431 = arith.select %eq3A_1430, %select_n3A_1425, %select_n3A_1404 : vector<16xi1>, vector<16xi32>
        %select_n3A_1432 = arith.select %le3A_1421, %gather3A_1412, %gather3A_1416 : vector<16xi1>, vector<16xf32>
        %select_n3A_1433 = arith.select %le3A_1421, %gather3A_1416, %gather3A_1420 : vector<16xi1>, vector<16xf32>
        %add3A_1434 = arith.constant 2 : i32
        %add3A_1435 = arith.addi %mul3A_1377, %add3A_1434 : i32
        %add3A_1436 = arith.constant 1 : i32
        %add3A_1437 = arith.addi %add3A_1435, %add3A_1436 : i32
        %broadcast_in_dim3A_1438 = vector.broadcast %add3A_1437 : i32 to vector<16xi32>
        %gather3A_1439 = tpu.vector_load_idx %arg5[%broadcast_in_dim3A_1438, %select_n3A_1425] : memref<258x256xf32, #tpu.memory_space<vmem>>[vector<16xi32>, vector<16xi32>], vector<16xf32>,
        %add3A_1440 = arith.constant 1 : i32
        %add3A_1441 = vector.broadcast %add3A_1440 : i32 to vector<16xi32>
        %add3A_1442 = arith.addi %select_n3A_1425, %add3A_1441 : vector<16xi32>
        %gather3A_1443 = tpu.vector_load_idx %arg5[%broadcast_in_dim3A_1438, %add3A_1442] : memref<258x256xf32, #tpu.memory_space<vmem>>[vector<16xi32>, vector<16xi32>], vector<16xf32>,
        %add3A_1444 = arith.constant 2 : i32
        %add3A_1445 = vector.broadcast %add3A_1444 : i32 to vector<16xi32>
        %add3A_1446 = arith.addi %select_n3A_1425, %add3A_1445 : vector<16xi32>
        %gather3A_1447 = tpu.vector_load_idx %arg5[%broadcast_in_dim3A_1438, %add3A_1446] : memref<258x256xf32, #tpu.memory_space<vmem>>[vector<16xi32>, vector<16xi32>], vector<16xf32>,
        %le3A_1448 = arith.cmpf ole, %select_n3A_1432, %select_n3A_1433 : vector<16xf32>
        %add3A_1449 = arith.constant 1 : i32
        %add3A_1450 = vector.broadcast %add3A_1449 : i32 to vector<16xi32>
        %add3A_1451 = arith.addi %select_n3A_1425, %add3A_1450 : vector<16xi32>
        %select_n3A_1452 = arith.select %le3A_1448, %select_n3A_1425, %add3A_1451 : vector<16xi1>, vector<16xi32>
        %select_n3A_1453 = arith.select %le3A_1448, %select_n3A_1432, %select_n3A_1433 : vector<16xi1>, vector<16xf32>
        %add3A_1454 = arith.addf %add3A_1427, %select_n3A_1453 : vector<16xf32>
        %eq3A_1455 = arith.constant 2 : i32
        %eq3A_1456 = vector.broadcast %eq3A_1455 : i32 to vector<16xi32>
        %eq3A_1457 = arith.cmpi eq, %iota3A, %eq3A_1456 : vector<16xi32>
        %select_n3A_1458 = arith.select %eq3A_1457, %select_n3A_1452, %select_n3A_1431 : vector<16xi1>, vector<16xi32>
        %select_n3A_1459 = arith.select %le3A_1448, %gather3A_1439, %gather3A_1443 : vector<16xi1>, vector<16xf32>
        %select_n3A_1460 = arith.select %le3A_1448, %gather3A_1443, %gather3A_1447 : vector<16xi1>, vector<16xf32>
        %add3A_1461 = arith.constant 3 : i32
        %add3A_1462 = arith.addi %mul3A_1377, %add3A_1461 : i32
        %add3A_1463 = arith.constant 1 : i32
        %add3A_1464 = arith.addi %add3A_1462, %add3A_1463 : i32
        %broadcast_in_dim3A_1465 = vector.broadcast %add3A_1464 : i32 to vector<16xi32>
        %gather3A_1466 = tpu.vector_load_idx %arg5[%broadcast_in_dim3A_1465, %select_n3A_1452] : memref<258x256xf32, #tpu.memory_space<vmem>>[vector<16xi32>, vector<16xi32>], vector<16xf32>,
        %add3A_1467 = arith.constant 1 : i32
        %add3A_1468 = vector.broadcast %add3A_1467 : i32 to vector<16xi32>
        %add3A_1469 = arith.addi %select_n3A_1452, %add3A_1468 : vector<16xi32>
        %gather3A_1470 = tpu.vector_load_idx %arg5[%broadcast_in_dim3A_1465, %add3A_1469] : memref<258x256xf32, #tpu.memory_space<vmem>>[vector<16xi32>, vector<16xi32>], vector<16xf32>,
        %add3A_1471 = arith.constant 2 : i32
        %add3A_1472 = vector.broadcast %add3A_1471 : i32 to vector<16xi32>
        %add3A_1473 = arith.addi %select_n3A_1452, %add3A_1472 : vector<16xi32>
        %gather3A_1474 = tpu.vector_load_idx %arg5[%broadcast_in_dim3A_1465, %add3A_1473] : memref<258x256xf32, #tpu.memory_space<vmem>>[vector<16xi32>, vector<16xi32>], vector<16xf32>,
        %le3A_1475 = arith.cmpf ole, %select_n3A_1459, %select_n3A_1460 : vector<16xf32>
        %add3A_1476 = arith.constant 1 : i32
        %add3A_1477 = vector.broadcast %add3A_1476 : i32 to vector<16xi32>
        %add3A_1478 = arith.addi %select_n3A_1452, %add3A_1477 : vector<16xi32>
        %select_n3A_1479 = arith.select %le3A_1475, %select_n3A_1452, %add3A_1478 : vector<16xi1>, vector<16xi32>
        %select_n3A_1480 = arith.select %le3A_1475, %select_n3A_1459, %select_n3A_1460 : vector<16xi1>, vector<16xf32>
        %add3A_1481 = arith.addf %add3A_1454, %select_n3A_1480 : vector<16xf32>
        %eq3A_1482 = arith.constant 3 : i32
        %eq3A_1483 = vector.broadcast %eq3A_1482 : i32 to vector<16xi32>
        %eq3A_1484 = arith.cmpi eq, %iota3A, %eq3A_1483 : vector<16xi32>
        %select_n3A_1485 = arith.select %eq3A_1484, %select_n3A_1479, %select_n3A_1458 : vector<16xi1>, vector<16xi32>
        %select_n3A_1486 = arith.select %le3A_1475, %gather3A_1466, %gather3A_1470 : vector<16xi1>, vector<16xf32>
        %select_n3A_1487 = arith.select %le3A_1475, %gather3A_1470, %gather3A_1474 : vector<16xi1>, vector<16xf32>
        %add3A_1488 = arith.constant 4 : i32
        %add3A_1489 = arith.addi %mul3A_1377, %add3A_1488 : i32
        %add3A_1490 = arith.constant 1 : i32
        %add3A_1491 = arith.addi %add3A_1489, %add3A_1490 : i32
        %broadcast_in_dim3A_1492 = vector.broadcast %add3A_1491 : i32 to vector<16xi32>
        %gather3A_1493 = tpu.vector_load_idx %arg5[%broadcast_in_dim3A_1492, %select_n3A_1479] : memref<258x256xf32, #tpu.memory_space<vmem>>[vector<16xi32>, vector<16xi32>], vector<16xf32>,
        %add3A_1494 = arith.constant 1 : i32
        %add3A_1495 = vector.broadcast %add3A_1494 : i32 to vector<16xi32>
        %add3A_1496 = arith.addi %select_n3A_1479, %add3A_1495 : vector<16xi32>
        %gather3A_1497 = tpu.vector_load_idx %arg5[%broadcast_in_dim3A_1492, %add3A_1496] : memref<258x256xf32, #tpu.memory_space<vmem>>[vector<16xi32>, vector<16xi32>], vector<16xf32>,
        %add3A_1498 = arith.constant 2 : i32
        %add3A_1499 = vector.broadcast %add3A_1498 : i32 to vector<16xi32>
        %add3A_1500 = arith.addi %select_n3A_1479, %add3A_1499 : vector<16xi32>
        %gather3A_1501 = tpu.vector_load_idx %arg5[%broadcast_in_dim3A_1492, %add3A_1500] : memref<258x256xf32, #tpu.memory_space<vmem>>[vector<16xi32>, vector<16xi32>], vector<16xf32>,
        %le3A_1502 = arith.cmpf ole, %select_n3A_1486, %select_n3A_1487 : vector<16xf32>
        %add3A_1503 = arith.constant 1 : i32
        %add3A_1504 = vector.broadcast %add3A_1503 : i32 to vector<16xi32>
        %add3A_1505 = arith.addi %select_n3A_1479, %add3A_1504 : vector<16xi32>
        %select_n3A_1506 = arith.select %le3A_1502, %select_n3A_1479, %add3A_1505 : vector<16xi1>, vector<16xi32>
        %select_n3A_1507 = arith.select %le3A_1502, %select_n3A_1486, %select_n3A_1487 : vector<16xi1>, vector<16xf32>
        %add3A_1508 = arith.addf %add3A_1481, %select_n3A_1507 : vector<16xf32>
        %eq3A_1509 = arith.constant 4 : i32
        %eq3A_1510 = vector.broadcast %eq3A_1509 : i32 to vector<16xi32>
        %eq3A_1511 = arith.cmpi eq, %iota3A, %eq3A_1510 : vector<16xi32>
        %select_n3A_1512 = arith.select %eq3A_1511, %select_n3A_1506, %select_n3A_1485 : vector<16xi1>, vector<16xi32>
        %select_n3A_1513 = arith.select %le3A_1502, %gather3A_1493, %gather3A_1497 : vector<16xi1>, vector<16xf32>
        %select_n3A_1514 = arith.select %le3A_1502, %gather3A_1497, %gather3A_1501 : vector<16xi1>, vector<16xf32>
        %add3A_1515 = arith.constant 5 : i32
        %add3A_1516 = arith.addi %mul3A_1377, %add3A_1515 : i32
        %add3A_1517 = arith.constant 1 : i32
        %add3A_1518 = arith.addi %add3A_1516, %add3A_1517 : i32
        %broadcast_in_dim3A_1519 = vector.broadcast %add3A_1518 : i32 to vector<16xi32>
        %gather3A_1520 = tpu.vector_load_idx %arg5[%broadcast_in_dim3A_1519, %select_n3A_1506] : memref<258x256xf32, #tpu.memory_space<vmem>>[vector<16xi32>, vector<16xi32>], vector<16xf32>,
        %add3A_1521 = arith.constant 1 : i32
        %add3A_1522 = vector.broadcast %add3A_1521 : i32 to vector<16xi32>
        %add3A_1523 = arith.addi %select_n3A_1506, %add3A_1522 : vector<16xi32>
        %gather3A_1524 = tpu.vector_load_idx %arg5[%broadcast_in_dim3A_1519, %add3A_1523] : memref<258x256xf32, #tpu.memory_space<vmem>>[vector<16xi32>, vector<16xi32>], vector<16xf32>,
        %add3A_1525 = arith.constant 2 : i32
        %add3A_1526 = vector.broadcast %add3A_1525 : i32 to vector<16xi32>
        %add3A_1527 = arith.addi %select_n3A_1506, %add3A_1526 : vector<16xi32>
        %gather3A_1528 = tpu.vector_load_idx %arg5[%broadcast_in_dim3A_1519, %add3A_1527] : memref<258x256xf32, #tpu.memory_space<vmem>>[vector<16xi32>, vector<16xi32>], vector<16xf32>,
        %le3A_1529 = arith.cmpf ole, %select_n3A_1513, %select_n3A_1514 : vector<16xf32>
        %add3A_1530 = arith.constant 1 : i32
        %add3A_1531 = vector.broadcast %add3A_1530 : i32 to vector<16xi32>
        %add3A_1532 = arith.addi %select_n3A_1506, %add3A_1531 : vector<16xi32>
        %select_n3A_1533 = arith.select %le3A_1529, %select_n3A_1506, %add3A_1532 : vector<16xi1>, vector<16xi32>
        %select_n3A_1534 = arith.select %le3A_1529, %select_n3A_1513, %select_n3A_1514 : vector<16xi1>, vector<16xf32>
        %add3A_1535 = arith.addf %add3A_1508, %select_n3A_1534 : vector<16xf32>
        %eq3A_1536 = arith.constant 5 : i32
        %eq3A_1537 = vector.broadcast %eq3A_1536 : i32 to vector<16xi32>
        %eq3A_1538 = arith.cmpi eq, %iota3A, %eq3A_1537 : vector<16xi32>
        %select_n3A_1539 = arith.select %eq3A_1538, %select_n3A_1533, %select_n3A_1512 : vector<16xi1>, vector<16xi32>
        %select_n3A_1540 = arith.select %le3A_1529, %gather3A_1520, %gather3A_1524 : vector<16xi1>, vector<16xf32>
        %select_n3A_1541 = arith.select %le3A_1529, %gather3A_1524, %gather3A_1528 : vector<16xi1>, vector<16xf32>
        %add3A_1542 = arith.constant 6 : i32
        %add3A_1543 = arith.addi %mul3A_1377, %add3A_1542 : i32
        %add3A_1544 = arith.constant 1 : i32
        %add3A_1545 = arith.addi %add3A_1543, %add3A_1544 : i32
        %broadcast_in_dim3A_1546 = vector.broadcast %add3A_1545 : i32 to vector<16xi32>
        %gather3A_1547 = tpu.vector_load_idx %arg5[%broadcast_in_dim3A_1546, %select_n3A_1533] : memref<258x256xf32, #tpu.memory_space<vmem>>[vector<16xi32>, vector<16xi32>], vector<16xf32>,
        %add3A_1548 = arith.constant 1 : i32
        %add3A_1549 = vector.broadcast %add3A_1548 : i32 to vector<16xi32>
        %add3A_1550 = arith.addi %select_n3A_1533, %add3A_1549 : vector<16xi32>
        %gather3A_1551 = tpu.vector_load_idx %arg5[%broadcast_in_dim3A_1546, %add3A_1550] : memref<258x256xf32, #tpu.memory_space<vmem>>[vector<16xi32>, vector<16xi32>], vector<16xf32>,
        %add3A_1552 = arith.constant 2 : i32
        %add3A_1553 = vector.broadcast %add3A_1552 : i32 to vector<16xi32>
        %add3A_1554 = arith.addi %select_n3A_1533, %add3A_1553 : vector<16xi32>
        %gather3A_1555 = tpu.vector_load_idx %arg5[%broadcast_in_dim3A_1546, %add3A_1554] : memref<258x256xf32, #tpu.memory_space<vmem>>[vector<16xi32>, vector<16xi32>], vector<16xf32>,
        %le3A_1556 = arith.cmpf ole, %select_n3A_1540, %select_n3A_1541 : vector<16xf32>
        %add3A_1557 = arith.constant 1 : i32
        %add3A_1558 = vector.broadcast %add3A_1557 : i32 to vector<16xi32>
        %add3A_1559 = arith.addi %select_n3A_1533, %add3A_1558 : vector<16xi32>
        %select_n3A_1560 = arith.select %le3A_1556, %select_n3A_1533, %add3A_1559 : vector<16xi1>, vector<16xi32>
        %select_n3A_1561 = arith.select %le3A_1556, %select_n3A_1540, %select_n3A_1541 : vector<16xi1>, vector<16xf32>
        %add3A_1562 = arith.addf %add3A_1535, %select_n3A_1561 : vector<16xf32>
        %eq3A_1563 = arith.constant 6 : i32
        %eq3A_1564 = vector.broadcast %eq3A_1563 : i32 to vector<16xi32>
        %eq3A_1565 = arith.cmpi eq, %iota3A, %eq3A_1564 : vector<16xi32>
        %select_n3A_1566 = arith.select %eq3A_1565, %select_n3A_1560, %select_n3A_1539 : vector<16xi1>, vector<16xi32>
        %select_n3A_1567 = arith.select %le3A_1556, %gather3A_1547, %gather3A_1551 : vector<16xi1>, vector<16xf32>
        %select_n3A_1568 = arith.select %le3A_1556, %gather3A_1551, %gather3A_1555 : vector<16xi1>, vector<16xf32>
        %add3A_1569 = arith.constant 7 : i32
        %add3A_1570 = arith.addi %mul3A_1377, %add3A_1569 : i32
        %add3A_1571 = arith.constant 1 : i32
        %add3A_1572 = arith.addi %add3A_1570, %add3A_1571 : i32
        %broadcast_in_dim3A_1573 = vector.broadcast %add3A_1572 : i32 to vector<16xi32>
        %gather3A_1574 = tpu.vector_load_idx %arg5[%broadcast_in_dim3A_1573, %select_n3A_1560] : memref<258x256xf32, #tpu.memory_space<vmem>>[vector<16xi32>, vector<16xi32>], vector<16xf32>,
        %add3A_1575 = arith.constant 1 : i32
        %add3A_1576 = vector.broadcast %add3A_1575 : i32 to vector<16xi32>
        %add3A_1577 = arith.addi %select_n3A_1560, %add3A_1576 : vector<16xi32>
        %gather3A_1578 = tpu.vector_load_idx %arg5[%broadcast_in_dim3A_1573, %add3A_1577] : memref<258x256xf32, #tpu.memory_space<vmem>>[vector<16xi32>, vector<16xi32>], vector<16xf32>,
        %add3A_1579 = arith.constant 2 : i32
        %add3A_1580 = vector.broadcast %add3A_1579 : i32 to vector<16xi32>
        %add3A_1581 = arith.addi %select_n3A_1560, %add3A_1580 : vector<16xi32>
        %gather3A_1582 = tpu.vector_load_idx %arg5[%broadcast_in_dim3A_1573, %add3A_1581] : memref<258x256xf32, #tpu.memory_space<vmem>>[vector<16xi32>, vector<16xi32>], vector<16xf32>,
        %le3A_1583 = arith.cmpf ole, %select_n3A_1567, %select_n3A_1568 : vector<16xf32>
        %add3A_1584 = arith.constant 1 : i32
        %add3A_1585 = vector.broadcast %add3A_1584 : i32 to vector<16xi32>
        %add3A_1586 = arith.addi %select_n3A_1560, %add3A_1585 : vector<16xi32>
        %select_n3A_1587 = arith.select %le3A_1583, %select_n3A_1560, %add3A_1586 : vector<16xi1>, vector<16xi32>
        %select_n3A_1588 = arith.select %le3A_1583, %select_n3A_1567, %select_n3A_1568 : vector<16xi1>, vector<16xf32>
        %add3A_1589 = arith.addf %add3A_1562, %select_n3A_1588 : vector<16xf32>
        %eq3A_1590 = arith.constant 7 : i32
        %eq3A_1591 = vector.broadcast %eq3A_1590 : i32 to vector<16xi32>
        %eq3A_1592 = arith.cmpi eq, %iota3A, %eq3A_1591 : vector<16xi32>
        %select_n3A_1593 = arith.select %eq3A_1592, %select_n3A_1587, %select_n3A_1566 : vector<16xi1>, vector<16xi32>
        %select_n3A_1594 = arith.select %le3A_1583, %gather3A_1574, %gather3A_1578 : vector<16xi1>, vector<16xf32>
        %select_n3A_1595 = arith.select %le3A_1583, %gather3A_1578, %gather3A_1582 : vector<16xi1>, vector<16xf32>
        %add3A_1596 = arith.constant 8 : i32
        %add3A_1597 = arith.addi %mul3A_1377, %add3A_1596 : i32
        %add3A_1598 = arith.constant 1 : i32
        %add3A_1599 = arith.addi %add3A_1597, %add3A_1598 : i32
        %broadcast_in_dim3A_1600 = vector.broadcast %add3A_1599 : i32 to vector<16xi32>
        %gather3A_1601 = tpu.vector_load_idx %arg5[%broadcast_in_dim3A_1600, %select_n3A_1587] : memref<258x256xf32, #tpu.memory_space<vmem>>[vector<16xi32>, vector<16xi32>], vector<16xf32>,
        %add3A_1602 = arith.constant 1 : i32
        %add3A_1603 = vector.broadcast %add3A_1602 : i32 to vector<16xi32>
        %add3A_1604 = arith.addi %select_n3A_1587, %add3A_1603 : vector<16xi32>
        %gather3A_1605 = tpu.vector_load_idx %arg5[%broadcast_in_dim3A_1600, %add3A_1604] : memref<258x256xf32, #tpu.memory_space<vmem>>[vector<16xi32>, vector<16xi32>], vector<16xf32>,
        %add3A_1606 = arith.constant 2 : i32
        %add3A_1607 = vector.broadcast %add3A_1606 : i32 to vector<16xi32>
        %add3A_1608 = arith.addi %select_n3A_1587, %add3A_1607 : vector<16xi32>
        %gather3A_1609 = tpu.vector_load_idx %arg5[%broadcast_in_dim3A_1600, %add3A_1608] : memref<258x256xf32, #tpu.memory_space<vmem>>[vector<16xi32>, vector<16xi32>], vector<16xf32>,
        %le3A_1610 = arith.cmpf ole, %select_n3A_1594, %select_n3A_1595 : vector<16xf32>
        %add3A_1611 = arith.constant 1 : i32
        %add3A_1612 = vector.broadcast %add3A_1611 : i32 to vector<16xi32>
        %add3A_1613 = arith.addi %select_n3A_1587, %add3A_1612 : vector<16xi32>
        %select_n3A_1614 = arith.select %le3A_1610, %select_n3A_1587, %add3A_1613 : vector<16xi1>, vector<16xi32>
        %select_n3A_1615 = arith.select %le3A_1610, %select_n3A_1594, %select_n3A_1595 : vector<16xi1>, vector<16xf32>
        %add3A_1616 = arith.addf %add3A_1589, %select_n3A_1615 : vector<16xf32>
        %eq3A_1617 = arith.constant 8 : i32
        %eq3A_1618 = vector.broadcast %eq3A_1617 : i32 to vector<16xi32>
        %eq3A_1619 = arith.cmpi eq, %iota3A, %eq3A_1618 : vector<16xi32>
        %select_n3A_1620 = arith.select %eq3A_1619, %select_n3A_1614, %select_n3A_1593 : vector<16xi1>, vector<16xi32>
        %select_n3A_1621 = arith.select %le3A_1610, %gather3A_1601, %gather3A_1605 : vector<16xi1>, vector<16xf32>
        %select_n3A_1622 = arith.select %le3A_1610, %gather3A_1605, %gather3A_1609 : vector<16xi1>, vector<16xf32>
        %add3A_1623 = arith.constant 9 : i32
        %add3A_1624 = arith.addi %mul3A_1377, %add3A_1623 : i32
        %add3A_1625 = arith.constant 1 : i32
        %add3A_1626 = arith.addi %add3A_1624, %add3A_1625 : i32
        %broadcast_in_dim3A_1627 = vector.broadcast %add3A_1626 : i32 to vector<16xi32>
        %gather3A_1628 = tpu.vector_load_idx %arg5[%broadcast_in_dim3A_1627, %select_n3A_1614] : memref<258x256xf32, #tpu.memory_space<vmem>>[vector<16xi32>, vector<16xi32>], vector<16xf32>,
        %add3A_1629 = arith.constant 1 : i32
        %add3A_1630 = vector.broadcast %add3A_1629 : i32 to vector<16xi32>
        %add3A_1631 = arith.addi %select_n3A_1614, %add3A_1630 : vector<16xi32>
        %gather3A_1632 = tpu.vector_load_idx %arg5[%broadcast_in_dim3A_1627, %add3A_1631] : memref<258x256xf32, #tpu.memory_space<vmem>>[vector<16xi32>, vector<16xi32>], vector<16xf32>,
        %add3A_1633 = arith.constant 2 : i32
        %add3A_1634 = vector.broadcast %add3A_1633 : i32 to vector<16xi32>
        %add3A_1635 = arith.addi %select_n3A_1614, %add3A_1634 : vector<16xi32>
        %gather3A_1636 = tpu.vector_load_idx %arg5[%broadcast_in_dim3A_1627, %add3A_1635] : memref<258x256xf32, #tpu.memory_space<vmem>>[vector<16xi32>, vector<16xi32>], vector<16xf32>,
        %le3A_1637 = arith.cmpf ole, %select_n3A_1621, %select_n3A_1622 : vector<16xf32>
        %add3A_1638 = arith.constant 1 : i32
        %add3A_1639 = vector.broadcast %add3A_1638 : i32 to vector<16xi32>
        %add3A_1640 = arith.addi %select_n3A_1614, %add3A_1639 : vector<16xi32>
        %select_n3A_1641 = arith.select %le3A_1637, %select_n3A_1614, %add3A_1640 : vector<16xi1>, vector<16xi32>
        %select_n3A_1642 = arith.select %le3A_1637, %select_n3A_1621, %select_n3A_1622 : vector<16xi1>, vector<16xf32>
        %add3A_1643 = arith.addf %add3A_1616, %select_n3A_1642 : vector<16xf32>
        %eq3A_1644 = arith.constant 9 : i32
        %eq3A_1645 = vector.broadcast %eq3A_1644 : i32 to vector<16xi32>
        %eq3A_1646 = arith.cmpi eq, %iota3A, %eq3A_1645 : vector<16xi32>
        %select_n3A_1647 = arith.select %eq3A_1646, %select_n3A_1641, %select_n3A_1620 : vector<16xi1>, vector<16xi32>
        %select_n3A_1648 = arith.select %le3A_1637, %gather3A_1628, %gather3A_1632 : vector<16xi1>, vector<16xf32>
        %select_n3A_1649 = arith.select %le3A_1637, %gather3A_1632, %gather3A_1636 : vector<16xi1>, vector<16xf32>
        %add3A_1650 = arith.constant 10 : i32
        %add3A_1651 = arith.addi %mul3A_1377, %add3A_1650 : i32
        %add3A_1652 = arith.constant 1 : i32
        %add3A_1653 = arith.addi %add3A_1651, %add3A_1652 : i32
        %broadcast_in_dim3A_1654 = vector.broadcast %add3A_1653 : i32 to vector<16xi32>
        %gather3A_1655 = tpu.vector_load_idx %arg5[%broadcast_in_dim3A_1654, %select_n3A_1641] : memref<258x256xf32, #tpu.memory_space<vmem>>[vector<16xi32>, vector<16xi32>], vector<16xf32>,
        %add3A_1656 = arith.constant 1 : i32
        %add3A_1657 = vector.broadcast %add3A_1656 : i32 to vector<16xi32>
        %add3A_1658 = arith.addi %select_n3A_1641, %add3A_1657 : vector<16xi32>
        %gather3A_1659 = tpu.vector_load_idx %arg5[%broadcast_in_dim3A_1654, %add3A_1658] : memref<258x256xf32, #tpu.memory_space<vmem>>[vector<16xi32>, vector<16xi32>], vector<16xf32>,
        %add3A_1660 = arith.constant 2 : i32
        %add3A_1661 = vector.broadcast %add3A_1660 : i32 to vector<16xi32>
        %add3A_1662 = arith.addi %select_n3A_1641, %add3A_1661 : vector<16xi32>
        %gather3A_1663 = tpu.vector_load_idx %arg5[%broadcast_in_dim3A_1654, %add3A_1662] : memref<258x256xf32, #tpu.memory_space<vmem>>[vector<16xi32>, vector<16xi32>], vector<16xf32>,
        %le3A_1664 = arith.cmpf ole, %select_n3A_1648, %select_n3A_1649 : vector<16xf32>
        %add3A_1665 = arith.constant 1 : i32
        %add3A_1666 = vector.broadcast %add3A_1665 : i32 to vector<16xi32>
        %add3A_1667 = arith.addi %select_n3A_1641, %add3A_1666 : vector<16xi32>
        %select_n3A_1668 = arith.select %le3A_1664, %select_n3A_1641, %add3A_1667 : vector<16xi1>, vector<16xi32>
        %select_n3A_1669 = arith.select %le3A_1664, %select_n3A_1648, %select_n3A_1649 : vector<16xi1>, vector<16xf32>
        %add3A_1670 = arith.addf %add3A_1643, %select_n3A_1669 : vector<16xf32>
        %eq3A_1671 = arith.constant 10 : i32
        %eq3A_1672 = vector.broadcast %eq3A_1671 : i32 to vector<16xi32>
        %eq3A_1673 = arith.cmpi eq, %iota3A, %eq3A_1672 : vector<16xi32>
        %select_n3A_1674 = arith.select %eq3A_1673, %select_n3A_1668, %select_n3A_1647 : vector<16xi1>, vector<16xi32>
        %select_n3A_1675 = arith.select %le3A_1664, %gather3A_1655, %gather3A_1659 : vector<16xi1>, vector<16xf32>
        %select_n3A_1676 = arith.select %le3A_1664, %gather3A_1659, %gather3A_1663 : vector<16xi1>, vector<16xf32>
        %add3A_1677 = arith.constant 11 : i32
        %add3A_1678 = arith.addi %mul3A_1377, %add3A_1677 : i32
        %add3A_1679 = arith.constant 1 : i32
        %add3A_1680 = arith.addi %add3A_1678, %add3A_1679 : i32
        %broadcast_in_dim3A_1681 = vector.broadcast %add3A_1680 : i32 to vector<16xi32>
        %gather3A_1682 = tpu.vector_load_idx %arg5[%broadcast_in_dim3A_1681, %select_n3A_1668] : memref<258x256xf32, #tpu.memory_space<vmem>>[vector<16xi32>, vector<16xi32>], vector<16xf32>,
        %add3A_1683 = arith.constant 1 : i32
        %add3A_1684 = vector.broadcast %add3A_1683 : i32 to vector<16xi32>
        %add3A_1685 = arith.addi %select_n3A_1668, %add3A_1684 : vector<16xi32>
        %gather3A_1686 = tpu.vector_load_idx %arg5[%broadcast_in_dim3A_1681, %add3A_1685] : memref<258x256xf32, #tpu.memory_space<vmem>>[vector<16xi32>, vector<16xi32>], vector<16xf32>,
        %add3A_1687 = arith.constant 2 : i32
        %add3A_1688 = vector.broadcast %add3A_1687 : i32 to vector<16xi32>
        %add3A_1689 = arith.addi %select_n3A_1668, %add3A_1688 : vector<16xi32>
        %gather3A_1690 = tpu.vector_load_idx %arg5[%broadcast_in_dim3A_1681, %add3A_1689] : memref<258x256xf32, #tpu.memory_space<vmem>>[vector<16xi32>, vector<16xi32>], vector<16xf32>,
        %le3A_1691 = arith.cmpf ole, %select_n3A_1675, %select_n3A_1676 : vector<16xf32>
        %add3A_1692 = arith.constant 1 : i32
        %add3A_1693 = vector.broadcast %add3A_1692 : i32 to vector<16xi32>
        %add3A_1694 = arith.addi %select_n3A_1668, %add3A_1693 : vector<16xi32>
        %select_n3A_1695 = arith.select %le3A_1691, %select_n3A_1668, %add3A_1694 : vector<16xi1>, vector<16xi32>
        %select_n3A_1696 = arith.select %le3A_1691, %select_n3A_1675, %select_n3A_1676 : vector<16xi1>, vector<16xf32>
        %add3A_1697 = arith.addf %add3A_1670, %select_n3A_1696 : vector<16xf32>
        %eq3A_1698 = arith.constant 11 : i32
        %eq3A_1699 = vector.broadcast %eq3A_1698 : i32 to vector<16xi32>
        %eq3A_1700 = arith.cmpi eq, %iota3A, %eq3A_1699 : vector<16xi32>
        %select_n3A_1701 = arith.select %eq3A_1700, %select_n3A_1695, %select_n3A_1674 : vector<16xi1>, vector<16xi32>
        %select_n3A_1702 = arith.select %le3A_1691, %gather3A_1682, %gather3A_1686 : vector<16xi1>, vector<16xf32>
        %select_n3A_1703 = arith.select %le3A_1691, %gather3A_1686, %gather3A_1690 : vector<16xi1>, vector<16xf32>
        %add3A_1704 = arith.constant 12 : i32
        %add3A_1705 = arith.addi %mul3A_1377, %add3A_1704 : i32
        %add3A_1706 = arith.constant 1 : i32
        %add3A_1707 = arith.addi %add3A_1705, %add3A_1706 : i32
        %broadcast_in_dim3A_1708 = vector.broadcast %add3A_1707 : i32 to vector<16xi32>
        %gather3A_1709 = tpu.vector_load_idx %arg5[%broadcast_in_dim3A_1708, %select_n3A_1695] : memref<258x256xf32, #tpu.memory_space<vmem>>[vector<16xi32>, vector<16xi32>], vector<16xf32>,
        %add3A_1710 = arith.constant 1 : i32
        %add3A_1711 = vector.broadcast %add3A_1710 : i32 to vector<16xi32>
        %add3A_1712 = arith.addi %select_n3A_1695, %add3A_1711 : vector<16xi32>
        %gather3A_1713 = tpu.vector_load_idx %arg5[%broadcast_in_dim3A_1708, %add3A_1712] : memref<258x256xf32, #tpu.memory_space<vmem>>[vector<16xi32>, vector<16xi32>], vector<16xf32>,
        %add3A_1714 = arith.constant 2 : i32
        %add3A_1715 = vector.broadcast %add3A_1714 : i32 to vector<16xi32>
        %add3A_1716 = arith.addi %select_n3A_1695, %add3A_1715 : vector<16xi32>
        %gather3A_1717 = tpu.vector_load_idx %arg5[%broadcast_in_dim3A_1708, %add3A_1716] : memref<258x256xf32, #tpu.memory_space<vmem>>[vector<16xi32>, vector<16xi32>], vector<16xf32>,
        %le3A_1718 = arith.cmpf ole, %select_n3A_1702, %select_n3A_1703 : vector<16xf32>
        %add3A_1719 = arith.constant 1 : i32
        %add3A_1720 = vector.broadcast %add3A_1719 : i32 to vector<16xi32>
        %add3A_1721 = arith.addi %select_n3A_1695, %add3A_1720 : vector<16xi32>
        %select_n3A_1722 = arith.select %le3A_1718, %select_n3A_1695, %add3A_1721 : vector<16xi1>, vector<16xi32>
        %select_n3A_1723 = arith.select %le3A_1718, %select_n3A_1702, %select_n3A_1703 : vector<16xi1>, vector<16xf32>
        %add3A_1724 = arith.addf %add3A_1697, %select_n3A_1723 : vector<16xf32>
        %eq3A_1725 = arith.constant 12 : i32
        %eq3A_1726 = vector.broadcast %eq3A_1725 : i32 to vector<16xi32>
        %eq3A_1727 = arith.cmpi eq, %iota3A, %eq3A_1726 : vector<16xi32>
        %select_n3A_1728 = arith.select %eq3A_1727, %select_n3A_1722, %select_n3A_1701 : vector<16xi1>, vector<16xi32>
        %select_n3A_1729 = arith.select %le3A_1718, %gather3A_1709, %gather3A_1713 : vector<16xi1>, vector<16xf32>
        %select_n3A_1730 = arith.select %le3A_1718, %gather3A_1713, %gather3A_1717 : vector<16xi1>, vector<16xf32>
        %add3A_1731 = arith.constant 13 : i32
        %add3A_1732 = arith.addi %mul3A_1377, %add3A_1731 : i32
        %add3A_1733 = arith.constant 1 : i32
        %add3A_1734 = arith.addi %add3A_1732, %add3A_1733 : i32
        %broadcast_in_dim3A_1735 = vector.broadcast %add3A_1734 : i32 to vector<16xi32>
        %gather3A_1736 = tpu.vector_load_idx %arg5[%broadcast_in_dim3A_1735, %select_n3A_1722] : memref<258x256xf32, #tpu.memory_space<vmem>>[vector<16xi32>, vector<16xi32>], vector<16xf32>,
        %add3A_1737 = arith.constant 1 : i32
        %add3A_1738 = vector.broadcast %add3A_1737 : i32 to vector<16xi32>
        %add3A_1739 = arith.addi %select_n3A_1722, %add3A_1738 : vector<16xi32>
        %gather3A_1740 = tpu.vector_load_idx %arg5[%broadcast_in_dim3A_1735, %add3A_1739] : memref<258x256xf32, #tpu.memory_space<vmem>>[vector<16xi32>, vector<16xi32>], vector<16xf32>,
        %add3A_1741 = arith.constant 2 : i32
        %add3A_1742 = vector.broadcast %add3A_1741 : i32 to vector<16xi32>
        %add3A_1743 = arith.addi %select_n3A_1722, %add3A_1742 : vector<16xi32>
        %gather3A_1744 = tpu.vector_load_idx %arg5[%broadcast_in_dim3A_1735, %add3A_1743] : memref<258x256xf32, #tpu.memory_space<vmem>>[vector<16xi32>, vector<16xi32>], vector<16xf32>,
        %le3A_1745 = arith.cmpf ole, %select_n3A_1729, %select_n3A_1730 : vector<16xf32>
        %add3A_1746 = arith.constant 1 : i32
        %add3A_1747 = vector.broadcast %add3A_1746 : i32 to vector<16xi32>
        %add3A_1748 = arith.addi %select_n3A_1722, %add3A_1747 : vector<16xi32>
        %select_n3A_1749 = arith.select %le3A_1745, %select_n3A_1722, %add3A_1748 : vector<16xi1>, vector<16xi32>
        %select_n3A_1750 = arith.select %le3A_1745, %select_n3A_1729, %select_n3A_1730 : vector<16xi1>, vector<16xf32>
        %add3A_1751 = arith.addf %add3A_1724, %select_n3A_1750 : vector<16xf32>
        %eq3A_1752 = arith.constant 13 : i32
        %eq3A_1753 = vector.broadcast %eq3A_1752 : i32 to vector<16xi32>
        %eq3A_1754 = arith.cmpi eq, %iota3A, %eq3A_1753 : vector<16xi32>
        %select_n3A_1755 = arith.select %eq3A_1754, %select_n3A_1749, %select_n3A_1728 : vector<16xi1>, vector<16xi32>
        %select_n3A_1756 = arith.select %le3A_1745, %gather3A_1736, %gather3A_1740 : vector<16xi1>, vector<16xf32>
        %select_n3A_1757 = arith.select %le3A_1745, %gather3A_1740, %gather3A_1744 : vector<16xi1>, vector<16xf32>
        %add3A_1758 = arith.constant 14 : i32
        %add3A_1759 = arith.addi %mul3A_1377, %add3A_1758 : i32
        %add3A_1760 = arith.constant 1 : i32
        %add3A_1761 = arith.addi %add3A_1759, %add3A_1760 : i32
        %broadcast_in_dim3A_1762 = vector.broadcast %add3A_1761 : i32 to vector<16xi32>
        %gather3A_1763 = tpu.vector_load_idx %arg5[%broadcast_in_dim3A_1762, %select_n3A_1749] : memref<258x256xf32, #tpu.memory_space<vmem>>[vector<16xi32>, vector<16xi32>], vector<16xf32>,
        %add3A_1764 = arith.constant 1 : i32
        %add3A_1765 = vector.broadcast %add3A_1764 : i32 to vector<16xi32>
        %add3A_1766 = arith.addi %select_n3A_1749, %add3A_1765 : vector<16xi32>
        %gather3A_1767 = tpu.vector_load_idx %arg5[%broadcast_in_dim3A_1762, %add3A_1766] : memref<258x256xf32, #tpu.memory_space<vmem>>[vector<16xi32>, vector<16xi32>], vector<16xf32>,
        %add3A_1768 = arith.constant 2 : i32
        %add3A_1769 = vector.broadcast %add3A_1768 : i32 to vector<16xi32>
        %add3A_1770 = arith.addi %select_n3A_1749, %add3A_1769 : vector<16xi32>
        %gather3A_1771 = tpu.vector_load_idx %arg5[%broadcast_in_dim3A_1762, %add3A_1770] : memref<258x256xf32, #tpu.memory_space<vmem>>[vector<16xi32>, vector<16xi32>], vector<16xf32>,
        %le3A_1772 = arith.cmpf ole, %select_n3A_1756, %select_n3A_1757 : vector<16xf32>
        %add3A_1773 = arith.constant 1 : i32
        %add3A_1774 = vector.broadcast %add3A_1773 : i32 to vector<16xi32>
        %add3A_1775 = arith.addi %select_n3A_1749, %add3A_1774 : vector<16xi32>
        %select_n3A_1776 = arith.select %le3A_1772, %select_n3A_1749, %add3A_1775 : vector<16xi1>, vector<16xi32>
        %select_n3A_1777 = arith.select %le3A_1772, %select_n3A_1756, %select_n3A_1757 : vector<16xi1>, vector<16xf32>
        %add3A_1778 = arith.addf %add3A_1751, %select_n3A_1777 : vector<16xf32>
        %eq3A_1779 = arith.constant 14 : i32
        %eq3A_1780 = vector.broadcast %eq3A_1779 : i32 to vector<16xi32>
        %eq3A_1781 = arith.cmpi eq, %iota3A, %eq3A_1780 : vector<16xi32>
        %select_n3A_1782 = arith.select %eq3A_1781, %select_n3A_1776, %select_n3A_1755 : vector<16xi1>, vector<16xi32>
        %select_n3A_1783 = arith.select %le3A_1772, %gather3A_1763, %gather3A_1767 : vector<16xi1>, vector<16xf32>
        %select_n3A_1784 = arith.select %le3A_1772, %gather3A_1767, %gather3A_1771 : vector<16xi1>, vector<16xf32>
        %add3A_1785 = arith.constant 15 : i32
        %add3A_1786 = arith.addi %mul3A_1377, %add3A_1785 : i32
        %add3A_1787 = arith.constant 1 : i32
        %add3A_1788 = arith.addi %add3A_1786, %add3A_1787 : i32
        %broadcast_in_dim3A_1789 = vector.broadcast %add3A_1788 : i32 to vector<16xi32>
        %gather3A_1790 = tpu.vector_load_idx %arg5[%broadcast_in_dim3A_1789, %select_n3A_1776] : memref<258x256xf32, #tpu.memory_space<vmem>>[vector<16xi32>, vector<16xi32>], vector<16xf32>,
        %add3A_1791 = arith.constant 1 : i32
        %add3A_1792 = vector.broadcast %add3A_1791 : i32 to vector<16xi32>
        %add3A_1793 = arith.addi %select_n3A_1776, %add3A_1792 : vector<16xi32>
        %gather3A_1794 = tpu.vector_load_idx %arg5[%broadcast_in_dim3A_1789, %add3A_1793] : memref<258x256xf32, #tpu.memory_space<vmem>>[vector<16xi32>, vector<16xi32>], vector<16xf32>,
        %add3A_1795 = arith.constant 2 : i32
        %add3A_1796 = vector.broadcast %add3A_1795 : i32 to vector<16xi32>
        %add3A_1797 = arith.addi %select_n3A_1776, %add3A_1796 : vector<16xi32>
        %gather3A_1798 = tpu.vector_load_idx %arg5[%broadcast_in_dim3A_1789, %add3A_1797] : memref<258x256xf32, #tpu.memory_space<vmem>>[vector<16xi32>, vector<16xi32>], vector<16xf32>,
        %le3A_1799 = arith.cmpf ole, %select_n3A_1783, %select_n3A_1784 : vector<16xf32>
        %add3A_1800 = arith.constant 1 : i32
        %add3A_1801 = vector.broadcast %add3A_1800 : i32 to vector<16xi32>
        %add3A_1802 = arith.addi %select_n3A_1776, %add3A_1801 : vector<16xi32>
        %select_n3A_1803 = arith.select %le3A_1799, %select_n3A_1776, %add3A_1802 : vector<16xi1>, vector<16xi32>
        %select_n3A_1804 = arith.select %le3A_1799, %select_n3A_1783, %select_n3A_1784 : vector<16xi1>, vector<16xf32>
        %add3A_1805 = arith.addf %add3A_1778, %select_n3A_1804 : vector<16xf32>
        %eq3A_1806 = arith.constant 15 : i32
        %eq3A_1807 = vector.broadcast %eq3A_1806 : i32 to vector<16xi32>
        %eq3A_1808 = arith.cmpi eq, %iota3A, %eq3A_1807 : vector<16xi32>
        %select_n3A_1809 = arith.select %eq3A_1808, %select_n3A_1803, %select_n3A_1782 : vector<16xi1>, vector<16xi32>
        %select_n3A_1810 = arith.select %le3A_1799, %gather3A_1790, %gather3A_1794 : vector<16xi1>, vector<16xf32>
        %select_n3A_1811 = arith.select %le3A_1799, %gather3A_1794, %gather3A_1798 : vector<16xi1>, vector<16xf32>
        %swap3A_1812 = arith.index_cast %mul3A_1377 : i32 to index
        %swap3A_1813 = tpu.vector_load %arg6[%swap3A_1812] {strides = array<i32>} : memref<128xi32, #tpu.memory_space<vmem>>, vector<16xi32>,
        tpu.vector_store %arg6[%swap3A_1812], %select_n3A_1809 {strides = array<i32>} : memref<128xi32, #tpu.memory_space<vmem>>, vector<16xi32>,
        scf.yield %select_n3A_1803, %select_n3A_1810, %select_n3A_1811, %add3A_1805 : vector<16xi32>, vector<16xf32>, vector<16xf32>, vector<16xf32>
      }
      %scan3A_908 = arith.constant 5 : i32
      %dma_wait3A_909 = arith.constant 128 : i32
      %dma_wait3A_910 = arith.constant 0 : i32
      %dma_wait3A_911 = tpu.memref_slice %arg5[%dma_wait3A_909, %dma_wait3A_910] : memref<258x256xf32, #tpu.memory_space<vmem>> -> memref<128x256xf32, #tpu.memory_space<vmem>>
      %dma_wait3A_912 = arith.constant 128 : i32
      %dma_wait3A_913 = arith.constant 0 : i32
      %dma_wait3A_914 = tpu.memref_slice %arg2[%add3A, %dma_wait3A_912, %dma_wait3A_913] : memref<16x256x256xf32, #tpu.memory_space<hbm>> -> memref<1x128x256xf32, #tpu.memory_space<hbm>>
      %dma_wait3A_915 = tpu.memref_squeeze %dma_wait3A_914 : memref<1x128x256xf32, #tpu.memory_space<hbm>> -> memref<128x256xf32, #tpu.memory_space<hbm>>
      %dma_wait3A_916 = arith.constant 128 : i32
      %dma_wait3A_917 = arith.constant 0 : i32
      %dma_wait3A_918 = tpu.memref_slice %arg5[%dma_wait3A_916, %dma_wait3A_917] : memref<258x256xf32, #tpu.memory_space<vmem>> -> memref<128x256xf32, #tpu.memory_space<vmem>>
      %dma_wait3A_919 = arith.constant 128 : i32
      %dma_wait3A_920 = arith.constant 0 : i32
      %dma_wait3A_921 = tpu.memref_slice %arg2[%add3A, %dma_wait3A_919, %dma_wait3A_920] : memref<16x256x256xf32, #tpu.memory_space<hbm>> -> memref<1x128x256xf32, #tpu.memory_space<hbm>>
      %dma_wait3A_922 = tpu.memref_squeeze %dma_wait3A_921 : memref<1x128x256xf32, #tpu.memory_space<hbm>> -> memref<128x256xf32, #tpu.memory_space<hbm>>
      tpu.wait_dma2 semaphore(%arg11 : memref<!tpu.dma_semaphore, #tpu.memory_space<semaphore_mem>>) src(%dma_wait3A_922 : memref<128x256xf32, #tpu.memory_space<hbm>>) dst(%dma_wait3A_918 : memref<128x256xf32, #tpu.memory_space<vmem>>)
      %scan3A_923 = arith.constant 7 : i32
      %mul3A_924 = arith.constant 16 : i32
      %mul3A_925 = arith.muli %scan3A_923, %mul3A_924 : i32
      %broadcast_in_dim3A_926 = arith.constant 0 : i32
      %broadcast_in_dim3A_927 = vector.broadcast %broadcast_in_dim3A_926 : i32 to vector<16xi32>
      %add3A_928 = arith.constant 0 : i32
      %add3A_929 = arith.addi %mul3A_925, %add3A_928 : i32
      %add3A_930 = arith.constant 1 : i32
      %add3A_931 = arith.addi %add3A_929, %add3A_930 : i32
      %broadcast_in_dim3A_932 = vector.broadcast %add3A_931 : i32 to vector<16xi32>
      %gather3A_933 = tpu.vector_load_idx %arg5[%broadcast_in_dim3A_932, %scan3A_907#0] : memref<258x256xf32, #tpu.memory_space<vmem>>[vector<16xi32>, vector<16xi32>], vector<16xf32>,
      %add3A_934 = arith.constant 1 : i32
      %add3A_935 = vector.broadcast %add3A_934 : i32 to vector<16xi32>
      %add3A_936 = arith.addi %scan3A_907#0, %add3A_935 : vector<16xi32>
      %gather3A_937 = tpu.vector_load_idx %arg5[%broadcast_in_dim3A_932, %add3A_936] : memref<258x256xf32, #tpu.memory_space<vmem>>[vector<16xi32>, vector<16xi32>], vector<16xf32>,
      %add3A_938 = arith.constant 2 : i32
      %add3A_939 = vector.broadcast %add3A_938 : i32 to vector<16xi32>
      %add3A_940 = arith.addi %scan3A_907#0, %add3A_939 : vector<16xi32>
      %gather3A_941 = tpu.vector_load_idx %arg5[%broadcast_in_dim3A_932, %add3A_940] : memref<258x256xf32, #tpu.memory_space<vmem>>[vector<16xi32>, vector<16xi32>], vector<16xf32>,
      %le3A_942 = arith.cmpf ole, %scan3A_907#1, %scan3A_907#2 : vector<16xf32>
      %add3A_943 = arith.constant 1 : i32
      %add3A_944 = vector.broadcast %add3A_943 : i32 to vector<16xi32>
      %add3A_945 = arith.addi %scan3A_907#0, %add3A_944 : vector<16xi32>
      %select_n3A_946 = arith.select %le3A_942, %scan3A_907#0, %add3A_945 : vector<16xi1>, vector<16xi32>
      %select_n3A_947 = arith.select %le3A_942, %scan3A_907#1, %scan3A_907#2 : vector<16xi1>, vector<16xf32>
      %add3A_948 = arith.addf %scan3A_907#3, %select_n3A_947 : vector<16xf32>
      %eq3A_949 = arith.constant 0 : i32
      %eq3A_950 = vector.broadcast %eq3A_949 : i32 to vector<16xi32>
      %eq3A_951 = arith.cmpi eq, %iota3A, %eq3A_950 : vector<16xi32>
      %select_n3A_952 = arith.select %eq3A_951, %select_n3A_946, %broadcast_in_dim3A_927 : vector<16xi1>, vector<16xi32>
      %select_n3A_953 = arith.select %le3A_942, %gather3A_933, %gather3A_937 : vector<16xi1>, vector<16xf32>
      %select_n3A_954 = arith.select %le3A_942, %gather3A_937, %gather3A_941 : vector<16xi1>, vector<16xf32>
      %add3A_955 = arith.constant 1 : i32
      %add3A_956 = arith.addi %mul3A_925, %add3A_955 : i32
      %add3A_957 = arith.constant 1 : i32
      %add3A_958 = arith.addi %add3A_956, %add3A_957 : i32
      %broadcast_in_dim3A_959 = vector.broadcast %add3A_958 : i32 to vector<16xi32>
      %gather3A_960 = tpu.vector_load_idx %arg5[%broadcast_in_dim3A_959, %select_n3A_946] : memref<258x256xf32, #tpu.memory_space<vmem>>[vector<16xi32>, vector<16xi32>], vector<16xf32>,
      %add3A_961 = arith.constant 1 : i32
      %add3A_962 = vector.broadcast %add3A_961 : i32 to vector<16xi32>
      %add3A_963 = arith.addi %select_n3A_946, %add3A_962 : vector<16xi32>
      %gather3A_964 = tpu.vector_load_idx %arg5[%broadcast_in_dim3A_959, %add3A_963] : memref<258x256xf32, #tpu.memory_space<vmem>>[vector<16xi32>, vector<16xi32>], vector<16xf32>,
      %add3A_965 = arith.constant 2 : i32
      %add3A_966 = vector.broadcast %add3A_965 : i32 to vector<16xi32>
      %add3A_967 = arith.addi %select_n3A_946, %add3A_966 : vector<16xi32>
      %gather3A_968 = tpu.vector_load_idx %arg5[%broadcast_in_dim3A_959, %add3A_967] : memref<258x256xf32, #tpu.memory_space<vmem>>[vector<16xi32>, vector<16xi32>], vector<16xf32>,
      %le3A_969 = arith.cmpf ole, %select_n3A_953, %select_n3A_954 : vector<16xf32>
      %add3A_970 = arith.constant 1 : i32
      %add3A_971 = vector.broadcast %add3A_970 : i32 to vector<16xi32>
      %add3A_972 = arith.addi %select_n3A_946, %add3A_971 : vector<16xi32>
      %select_n3A_973 = arith.select %le3A_969, %select_n3A_946, %add3A_972 : vector<16xi1>, vector<16xi32>
      %select_n3A_974 = arith.select %le3A_969, %select_n3A_953, %select_n3A_954 : vector<16xi1>, vector<16xf32>
      %add3A_975 = arith.addf %add3A_948, %select_n3A_974 : vector<16xf32>
      %eq3A_976 = arith.constant 1 : i32
      %eq3A_977 = vector.broadcast %eq3A_976 : i32 to vector<16xi32>
      %eq3A_978 = arith.cmpi eq, %iota3A, %eq3A_977 : vector<16xi32>
      %select_n3A_979 = arith.select %eq3A_978, %select_n3A_973, %select_n3A_952 : vector<16xi1>, vector<16xi32>
      %select_n3A_980 = arith.select %le3A_969, %gather3A_960, %gather3A_964 : vector<16xi1>, vector<16xf32>
      %select_n3A_981 = arith.select %le3A_969, %gather3A_964, %gather3A_968 : vector<16xi1>, vector<16xf32>
      %add3A_982 = arith.constant 2 : i32
      %add3A_983 = arith.addi %mul3A_925, %add3A_982 : i32
      %add3A_984 = arith.constant 1 : i32
      %add3A_985 = arith.addi %add3A_983, %add3A_984 : i32
      %broadcast_in_dim3A_986 = vector.broadcast %add3A_985 : i32 to vector<16xi32>
      %gather3A_987 = tpu.vector_load_idx %arg5[%broadcast_in_dim3A_986, %select_n3A_973] : memref<258x256xf32, #tpu.memory_space<vmem>>[vector<16xi32>, vector<16xi32>], vector<16xf32>,
      %add3A_988 = arith.constant 1 : i32
      %add3A_989 = vector.broadcast %add3A_988 : i32 to vector<16xi32>
      %add3A_990 = arith.addi %select_n3A_973, %add3A_989 : vector<16xi32>
      %gather3A_991 = tpu.vector_load_idx %arg5[%broadcast_in_dim3A_986, %add3A_990] : memref<258x256xf32, #tpu.memory_space<vmem>>[vector<16xi32>, vector<16xi32>], vector<16xf32>,
      %add3A_992 = arith.constant 2 : i32
      %add3A_993 = vector.broadcast %add3A_992 : i32 to vector<16xi32>
      %add3A_994 = arith.addi %select_n3A_973, %add3A_993 : vector<16xi32>
      %gather3A_995 = tpu.vector_load_idx %arg5[%broadcast_in_dim3A_986, %add3A_994] : memref<258x256xf32, #tpu.memory_space<vmem>>[vector<16xi32>, vector<16xi32>], vector<16xf32>,
      %le3A_996 = arith.cmpf ole, %select_n3A_980, %select_n3A_981 : vector<16xf32>
      %add3A_997 = arith.constant 1 : i32
      %add3A_998 = vector.broadcast %add3A_997 : i32 to vector<16xi32>
      %add3A_999 = arith.addi %select_n3A_973, %add3A_998 : vector<16xi32>
      %select_n3A_1000 = arith.select %le3A_996, %select_n3A_973, %add3A_999 : vector<16xi1>, vector<16xi32>
      %select_n3A_1001 = arith.select %le3A_996, %select_n3A_980, %select_n3A_981 : vector<16xi1>, vector<16xf32>
      %add3A_1002 = arith.addf %add3A_975, %select_n3A_1001 : vector<16xf32>
      %eq3A_1003 = arith.constant 2 : i32
      %eq3A_1004 = vector.broadcast %eq3A_1003 : i32 to vector<16xi32>
      %eq3A_1005 = arith.cmpi eq, %iota3A, %eq3A_1004 : vector<16xi32>
      %select_n3A_1006 = arith.select %eq3A_1005, %select_n3A_1000, %select_n3A_979 : vector<16xi1>, vector<16xi32>
      %select_n3A_1007 = arith.select %le3A_996, %gather3A_987, %gather3A_991 : vector<16xi1>, vector<16xf32>
      %select_n3A_1008 = arith.select %le3A_996, %gather3A_991, %gather3A_995 : vector<16xi1>, vector<16xf32>
      %add3A_1009 = arith.constant 3 : i32
      %add3A_1010 = arith.addi %mul3A_925, %add3A_1009 : i32
      %add3A_1011 = arith.constant 1 : i32
      %add3A_1012 = arith.addi %add3A_1010, %add3A_1011 : i32
      %broadcast_in_dim3A_1013 = vector.broadcast %add3A_1012 : i32 to vector<16xi32>
      %gather3A_1014 = tpu.vector_load_idx %arg5[%broadcast_in_dim3A_1013, %select_n3A_1000] : memref<258x256xf32, #tpu.memory_space<vmem>>[vector<16xi32>, vector<16xi32>], vector<16xf32>,
      %add3A_1015 = arith.constant 1 : i32
      %add3A_1016 = vector.broadcast %add3A_1015 : i32 to vector<16xi32>
      %add3A_1017 = arith.addi %select_n3A_1000, %add3A_1016 : vector<16xi32>
      %gather3A_1018 = tpu.vector_load_idx %arg5[%broadcast_in_dim3A_1013, %add3A_1017] : memref<258x256xf32, #tpu.memory_space<vmem>>[vector<16xi32>, vector<16xi32>], vector<16xf32>,
      %add3A_1019 = arith.constant 2 : i32
      %add3A_1020 = vector.broadcast %add3A_1019 : i32 to vector<16xi32>
      %add3A_1021 = arith.addi %select_n3A_1000, %add3A_1020 : vector<16xi32>
      %gather3A_1022 = tpu.vector_load_idx %arg5[%broadcast_in_dim3A_1013, %add3A_1021] : memref<258x256xf32, #tpu.memory_space<vmem>>[vector<16xi32>, vector<16xi32>], vector<16xf32>,
      %le3A_1023 = arith.cmpf ole, %select_n3A_1007, %select_n3A_1008 : vector<16xf32>
      %add3A_1024 = arith.constant 1 : i32
      %add3A_1025 = vector.broadcast %add3A_1024 : i32 to vector<16xi32>
      %add3A_1026 = arith.addi %select_n3A_1000, %add3A_1025 : vector<16xi32>
      %select_n3A_1027 = arith.select %le3A_1023, %select_n3A_1000, %add3A_1026 : vector<16xi1>, vector<16xi32>
      %select_n3A_1028 = arith.select %le3A_1023, %select_n3A_1007, %select_n3A_1008 : vector<16xi1>, vector<16xf32>
      %add3A_1029 = arith.addf %add3A_1002, %select_n3A_1028 : vector<16xf32>
      %eq3A_1030 = arith.constant 3 : i32
      %eq3A_1031 = vector.broadcast %eq3A_1030 : i32 to vector<16xi32>
      %eq3A_1032 = arith.cmpi eq, %iota3A, %eq3A_1031 : vector<16xi32>
      %select_n3A_1033 = arith.select %eq3A_1032, %select_n3A_1027, %select_n3A_1006 : vector<16xi1>, vector<16xi32>
      %select_n3A_1034 = arith.select %le3A_1023, %gather3A_1014, %gather3A_1018 : vector<16xi1>, vector<16xf32>
      %select_n3A_1035 = arith.select %le3A_1023, %gather3A_1018, %gather3A_1022 : vector<16xi1>, vector<16xf32>
      %add3A_1036 = arith.constant 4 : i32
      %add3A_1037 = arith.addi %mul3A_925, %add3A_1036 : i32
      %add3A_1038 = arith.constant 1 : i32
      %add3A_1039 = arith.addi %add3A_1037, %add3A_1038 : i32
      %broadcast_in_dim3A_1040 = vector.broadcast %add3A_1039 : i32 to vector<16xi32>
      %gather3A_1041 = tpu.vector_load_idx %arg5[%broadcast_in_dim3A_1040, %select_n3A_1027] : memref<258x256xf32, #tpu.memory_space<vmem>>[vector<16xi32>, vector<16xi32>], vector<16xf32>,
      %add3A_1042 = arith.constant 1 : i32
      %add3A_1043 = vector.broadcast %add3A_1042 : i32 to vector<16xi32>
      %add3A_1044 = arith.addi %select_n3A_1027, %add3A_1043 : vector<16xi32>
      %gather3A_1045 = tpu.vector_load_idx %arg5[%broadcast_in_dim3A_1040, %add3A_1044] : memref<258x256xf32, #tpu.memory_space<vmem>>[vector<16xi32>, vector<16xi32>], vector<16xf32>,
      %add3A_1046 = arith.constant 2 : i32
      %add3A_1047 = vector.broadcast %add3A_1046 : i32 to vector<16xi32>
      %add3A_1048 = arith.addi %select_n3A_1027, %add3A_1047 : vector<16xi32>
      %gather3A_1049 = tpu.vector_load_idx %arg5[%broadcast_in_dim3A_1040, %add3A_1048] : memref<258x256xf32, #tpu.memory_space<vmem>>[vector<16xi32>, vector<16xi32>], vector<16xf32>,
      %le3A_1050 = arith.cmpf ole, %select_n3A_1034, %select_n3A_1035 : vector<16xf32>
      %add3A_1051 = arith.constant 1 : i32
      %add3A_1052 = vector.broadcast %add3A_1051 : i32 to vector<16xi32>
      %add3A_1053 = arith.addi %select_n3A_1027, %add3A_1052 : vector<16xi32>
      %select_n3A_1054 = arith.select %le3A_1050, %select_n3A_1027, %add3A_1053 : vector<16xi1>, vector<16xi32>
      %select_n3A_1055 = arith.select %le3A_1050, %select_n3A_1034, %select_n3A_1035 : vector<16xi1>, vector<16xf32>
      %add3A_1056 = arith.addf %add3A_1029, %select_n3A_1055 : vector<16xf32>
      %eq3A_1057 = arith.constant 4 : i32
      %eq3A_1058 = vector.broadcast %eq3A_1057 : i32 to vector<16xi32>
      %eq3A_1059 = arith.cmpi eq, %iota3A, %eq3A_1058 : vector<16xi32>
      %select_n3A_1060 = arith.select %eq3A_1059, %select_n3A_1054, %select_n3A_1033 : vector<16xi1>, vector<16xi32>
      %select_n3A_1061 = arith.select %le3A_1050, %gather3A_1041, %gather3A_1045 : vector<16xi1>, vector<16xf32>
      %select_n3A_1062 = arith.select %le3A_1050, %gather3A_1045, %gather3A_1049 : vector<16xi1>, vector<16xf32>
      %add3A_1063 = arith.constant 5 : i32
      %add3A_1064 = arith.addi %mul3A_925, %add3A_1063 : i32
      %add3A_1065 = arith.constant 1 : i32
      %add3A_1066 = arith.addi %add3A_1064, %add3A_1065 : i32
      %broadcast_in_dim3A_1067 = vector.broadcast %add3A_1066 : i32 to vector<16xi32>
      %gather3A_1068 = tpu.vector_load_idx %arg5[%broadcast_in_dim3A_1067, %select_n3A_1054] : memref<258x256xf32, #tpu.memory_space<vmem>>[vector<16xi32>, vector<16xi32>], vector<16xf32>,
      %add3A_1069 = arith.constant 1 : i32
      %add3A_1070 = vector.broadcast %add3A_1069 : i32 to vector<16xi32>
      %add3A_1071 = arith.addi %select_n3A_1054, %add3A_1070 : vector<16xi32>
      %gather3A_1072 = tpu.vector_load_idx %arg5[%broadcast_in_dim3A_1067, %add3A_1071] : memref<258x256xf32, #tpu.memory_space<vmem>>[vector<16xi32>, vector<16xi32>], vector<16xf32>,
      %add3A_1073 = arith.constant 2 : i32
      %add3A_1074 = vector.broadcast %add3A_1073 : i32 to vector<16xi32>
      %add3A_1075 = arith.addi %select_n3A_1054, %add3A_1074 : vector<16xi32>
      %gather3A_1076 = tpu.vector_load_idx %arg5[%broadcast_in_dim3A_1067, %add3A_1075] : memref<258x256xf32, #tpu.memory_space<vmem>>[vector<16xi32>, vector<16xi32>], vector<16xf32>,
      %le3A_1077 = arith.cmpf ole, %select_n3A_1061, %select_n3A_1062 : vector<16xf32>
      %add3A_1078 = arith.constant 1 : i32
      %add3A_1079 = vector.broadcast %add3A_1078 : i32 to vector<16xi32>
      %add3A_1080 = arith.addi %select_n3A_1054, %add3A_1079 : vector<16xi32>
      %select_n3A_1081 = arith.select %le3A_1077, %select_n3A_1054, %add3A_1080 : vector<16xi1>, vector<16xi32>
      %select_n3A_1082 = arith.select %le3A_1077, %select_n3A_1061, %select_n3A_1062 : vector<16xi1>, vector<16xf32>
      %add3A_1083 = arith.addf %add3A_1056, %select_n3A_1082 : vector<16xf32>
      %eq3A_1084 = arith.constant 5 : i32
      %eq3A_1085 = vector.broadcast %eq3A_1084 : i32 to vector<16xi32>
      %eq3A_1086 = arith.cmpi eq, %iota3A, %eq3A_1085 : vector<16xi32>
      %select_n3A_1087 = arith.select %eq3A_1086, %select_n3A_1081, %select_n3A_1060 : vector<16xi1>, vector<16xi32>
      %select_n3A_1088 = arith.select %le3A_1077, %gather3A_1068, %gather3A_1072 : vector<16xi1>, vector<16xf32>
      %select_n3A_1089 = arith.select %le3A_1077, %gather3A_1072, %gather3A_1076 : vector<16xi1>, vector<16xf32>
      %add3A_1090 = arith.constant 6 : i32
      %add3A_1091 = arith.addi %mul3A_925, %add3A_1090 : i32
      %add3A_1092 = arith.constant 1 : i32
      %add3A_1093 = arith.addi %add3A_1091, %add3A_1092 : i32
      %broadcast_in_dim3A_1094 = vector.broadcast %add3A_1093 : i32 to vector<16xi32>
      %gather3A_1095 = tpu.vector_load_idx %arg5[%broadcast_in_dim3A_1094, %select_n3A_1081] : memref<258x256xf32, #tpu.memory_space<vmem>>[vector<16xi32>, vector<16xi32>], vector<16xf32>,
      %add3A_1096 = arith.constant 1 : i32
      %add3A_1097 = vector.broadcast %add3A_1096 : i32 to vector<16xi32>
      %add3A_1098 = arith.addi %select_n3A_1081, %add3A_1097 : vector<16xi32>
      %gather3A_1099 = tpu.vector_load_idx %arg5[%broadcast_in_dim3A_1094, %add3A_1098] : memref<258x256xf32, #tpu.memory_space<vmem>>[vector<16xi32>, vector<16xi32>], vector<16xf32>,
      %add3A_1100 = arith.constant 2 : i32
      %add3A_1101 = vector.broadcast %add3A_1100 : i32 to vector<16xi32>
      %add3A_1102 = arith.addi %select_n3A_1081, %add3A_1101 : vector<16xi32>
      %gather3A_1103 = tpu.vector_load_idx %arg5[%broadcast_in_dim3A_1094, %add3A_1102] : memref<258x256xf32, #tpu.memory_space<vmem>>[vector<16xi32>, vector<16xi32>], vector<16xf32>,
      %le3A_1104 = arith.cmpf ole, %select_n3A_1088, %select_n3A_1089 : vector<16xf32>
      %add3A_1105 = arith.constant 1 : i32
      %add3A_1106 = vector.broadcast %add3A_1105 : i32 to vector<16xi32>
      %add3A_1107 = arith.addi %select_n3A_1081, %add3A_1106 : vector<16xi32>
      %select_n3A_1108 = arith.select %le3A_1104, %select_n3A_1081, %add3A_1107 : vector<16xi1>, vector<16xi32>
      %select_n3A_1109 = arith.select %le3A_1104, %select_n3A_1088, %select_n3A_1089 : vector<16xi1>, vector<16xf32>
      %add3A_1110 = arith.addf %add3A_1083, %select_n3A_1109 : vector<16xf32>
      %eq3A_1111 = arith.constant 6 : i32
      %eq3A_1112 = vector.broadcast %eq3A_1111 : i32 to vector<16xi32>
      %eq3A_1113 = arith.cmpi eq, %iota3A, %eq3A_1112 : vector<16xi32>
      %select_n3A_1114 = arith.select %eq3A_1113, %select_n3A_1108, %select_n3A_1087 : vector<16xi1>, vector<16xi32>
      %select_n3A_1115 = arith.select %le3A_1104, %gather3A_1095, %gather3A_1099 : vector<16xi1>, vector<16xf32>
      %select_n3A_1116 = arith.select %le3A_1104, %gather3A_1099, %gather3A_1103 : vector<16xi1>, vector<16xf32>
      %add3A_1117 = arith.constant 7 : i32
      %add3A_1118 = arith.addi %mul3A_925, %add3A_1117 : i32
      %add3A_1119 = arith.constant 1 : i32
      %add3A_1120 = arith.addi %add3A_1118, %add3A_1119 : i32
      %broadcast_in_dim3A_1121 = vector.broadcast %add3A_1120 : i32 to vector<16xi32>
      %gather3A_1122 = tpu.vector_load_idx %arg5[%broadcast_in_dim3A_1121, %select_n3A_1108] : memref<258x256xf32, #tpu.memory_space<vmem>>[vector<16xi32>, vector<16xi32>], vector<16xf32>,
      %add3A_1123 = arith.constant 1 : i32
      %add3A_1124 = vector.broadcast %add3A_1123 : i32 to vector<16xi32>
      %add3A_1125 = arith.addi %select_n3A_1108, %add3A_1124 : vector<16xi32>
      %gather3A_1126 = tpu.vector_load_idx %arg5[%broadcast_in_dim3A_1121, %add3A_1125] : memref<258x256xf32, #tpu.memory_space<vmem>>[vector<16xi32>, vector<16xi32>], vector<16xf32>,
      %add3A_1127 = arith.constant 2 : i32
      %add3A_1128 = vector.broadcast %add3A_1127 : i32 to vector<16xi32>
      %add3A_1129 = arith.addi %select_n3A_1108, %add3A_1128 : vector<16xi32>
      %gather3A_1130 = tpu.vector_load_idx %arg5[%broadcast_in_dim3A_1121, %add3A_1129] : memref<258x256xf32, #tpu.memory_space<vmem>>[vector<16xi32>, vector<16xi32>], vector<16xf32>,
      %le3A_1131 = arith.cmpf ole, %select_n3A_1115, %select_n3A_1116 : vector<16xf32>
      %add3A_1132 = arith.constant 1 : i32
      %add3A_1133 = vector.broadcast %add3A_1132 : i32 to vector<16xi32>
      %add3A_1134 = arith.addi %select_n3A_1108, %add3A_1133 : vector<16xi32>
      %select_n3A_1135 = arith.select %le3A_1131, %select_n3A_1108, %add3A_1134 : vector<16xi1>, vector<16xi32>
      %select_n3A_1136 = arith.select %le3A_1131, %select_n3A_1115, %select_n3A_1116 : vector<16xi1>, vector<16xf32>
      %add3A_1137 = arith.addf %add3A_1110, %select_n3A_1136 : vector<16xf32>
      %eq3A_1138 = arith.constant 7 : i32
      %eq3A_1139 = vector.broadcast %eq3A_1138 : i32 to vector<16xi32>
      %eq3A_1140 = arith.cmpi eq, %iota3A, %eq3A_1139 : vector<16xi32>
      %select_n3A_1141 = arith.select %eq3A_1140, %select_n3A_1135, %select_n3A_1114 : vector<16xi1>, vector<16xi32>
      %select_n3A_1142 = arith.select %le3A_1131, %gather3A_1122, %gather3A_1126 : vector<16xi1>, vector<16xf32>
      %select_n3A_1143 = arith.select %le3A_1131, %gather3A_1126, %gather3A_1130 : vector<16xi1>, vector<16xf32>
      %add3A_1144 = arith.constant 8 : i32
      %add3A_1145 = arith.addi %mul3A_925, %add3A_1144 : i32
      %add3A_1146 = arith.constant 1 : i32
      %add3A_1147 = arith.addi %add3A_1145, %add3A_1146 : i32
      %broadcast_in_dim3A_1148 = vector.broadcast %add3A_1147 : i32 to vector<16xi32>
      %gather3A_1149 = tpu.vector_load_idx %arg5[%broadcast_in_dim3A_1148, %select_n3A_1135] : memref<258x256xf32, #tpu.memory_space<vmem>>[vector<16xi32>, vector<16xi32>], vector<16xf32>,
      %add3A_1150 = arith.constant 1 : i32
      %add3A_1151 = vector.broadcast %add3A_1150 : i32 to vector<16xi32>
      %add3A_1152 = arith.addi %select_n3A_1135, %add3A_1151 : vector<16xi32>
      %gather3A_1153 = tpu.vector_load_idx %arg5[%broadcast_in_dim3A_1148, %add3A_1152] : memref<258x256xf32, #tpu.memory_space<vmem>>[vector<16xi32>, vector<16xi32>], vector<16xf32>,
      %add3A_1154 = arith.constant 2 : i32
      %add3A_1155 = vector.broadcast %add3A_1154 : i32 to vector<16xi32>
      %add3A_1156 = arith.addi %select_n3A_1135, %add3A_1155 : vector<16xi32>
      %gather3A_1157 = tpu.vector_load_idx %arg5[%broadcast_in_dim3A_1148, %add3A_1156] : memref<258x256xf32, #tpu.memory_space<vmem>>[vector<16xi32>, vector<16xi32>], vector<16xf32>,
      %le3A_1158 = arith.cmpf ole, %select_n3A_1142, %select_n3A_1143 : vector<16xf32>
      %add3A_1159 = arith.constant 1 : i32
      %add3A_1160 = vector.broadcast %add3A_1159 : i32 to vector<16xi32>
      %add3A_1161 = arith.addi %select_n3A_1135, %add3A_1160 : vector<16xi32>
      %select_n3A_1162 = arith.select %le3A_1158, %select_n3A_1135, %add3A_1161 : vector<16xi1>, vector<16xi32>
      %select_n3A_1163 = arith.select %le3A_1158, %select_n3A_1142, %select_n3A_1143 : vector<16xi1>, vector<16xf32>
      %add3A_1164 = arith.addf %add3A_1137, %select_n3A_1163 : vector<16xf32>
      %eq3A_1165 = arith.constant 8 : i32
      %eq3A_1166 = vector.broadcast %eq3A_1165 : i32 to vector<16xi32>
      %eq3A_1167 = arith.cmpi eq, %iota3A, %eq3A_1166 : vector<16xi32>
      %select_n3A_1168 = arith.select %eq3A_1167, %select_n3A_1162, %select_n3A_1141 : vector<16xi1>, vector<16xi32>
      %select_n3A_1169 = arith.select %le3A_1158, %gather3A_1149, %gather3A_1153 : vector<16xi1>, vector<16xf32>
      %select_n3A_1170 = arith.select %le3A_1158, %gather3A_1153, %gather3A_1157 : vector<16xi1>, vector<16xf32>
      %add3A_1171 = arith.constant 9 : i32
      %add3A_1172 = arith.addi %mul3A_925, %add3A_1171 : i32
      %add3A_1173 = arith.constant 1 : i32
      %add3A_1174 = arith.addi %add3A_1172, %add3A_1173 : i32
      %broadcast_in_dim3A_1175 = vector.broadcast %add3A_1174 : i32 to vector<16xi32>
      %gather3A_1176 = tpu.vector_load_idx %arg5[%broadcast_in_dim3A_1175, %select_n3A_1162] : memref<258x256xf32, #tpu.memory_space<vmem>>[vector<16xi32>, vector<16xi32>], vector<16xf32>,
      %add3A_1177 = arith.constant 1 : i32
      %add3A_1178 = vector.broadcast %add3A_1177 : i32 to vector<16xi32>
      %add3A_1179 = arith.addi %select_n3A_1162, %add3A_1178 : vector<16xi32>
      %gather3A_1180 = tpu.vector_load_idx %arg5[%broadcast_in_dim3A_1175, %add3A_1179] : memref<258x256xf32, #tpu.memory_space<vmem>>[vector<16xi32>, vector<16xi32>], vector<16xf32>,
      %add3A_1181 = arith.constant 2 : i32
      %add3A_1182 = vector.broadcast %add3A_1181 : i32 to vector<16xi32>
      %add3A_1183 = arith.addi %select_n3A_1162, %add3A_1182 : vector<16xi32>
      %gather3A_1184 = tpu.vector_load_idx %arg5[%broadcast_in_dim3A_1175, %add3A_1183] : memref<258x256xf32, #tpu.memory_space<vmem>>[vector<16xi32>, vector<16xi32>], vector<16xf32>,
      %le3A_1185 = arith.cmpf ole, %select_n3A_1169, %select_n3A_1170 : vector<16xf32>
      %add3A_1186 = arith.constant 1 : i32
      %add3A_1187 = vector.broadcast %add3A_1186 : i32 to vector<16xi32>
      %add3A_1188 = arith.addi %select_n3A_1162, %add3A_1187 : vector<16xi32>
      %select_n3A_1189 = arith.select %le3A_1185, %select_n3A_1162, %add3A_1188 : vector<16xi1>, vector<16xi32>
      %select_n3A_1190 = arith.select %le3A_1185, %select_n3A_1169, %select_n3A_1170 : vector<16xi1>, vector<16xf32>
      %add3A_1191 = arith.addf %add3A_1164, %select_n3A_1190 : vector<16xf32>
      %eq3A_1192 = arith.constant 9 : i32
      %eq3A_1193 = vector.broadcast %eq3A_1192 : i32 to vector<16xi32>
      %eq3A_1194 = arith.cmpi eq, %iota3A, %eq3A_1193 : vector<16xi32>
      %select_n3A_1195 = arith.select %eq3A_1194, %select_n3A_1189, %select_n3A_1168 : vector<16xi1>, vector<16xi32>
      %select_n3A_1196 = arith.select %le3A_1185, %gather3A_1176, %gather3A_1180 : vector<16xi1>, vector<16xf32>
      %select_n3A_1197 = arith.select %le3A_1185, %gather3A_1180, %gather3A_1184 : vector<16xi1>, vector<16xf32>
      %add3A_1198 = arith.constant 10 : i32
      %add3A_1199 = arith.addi %mul3A_925, %add3A_1198 : i32
      %add3A_1200 = arith.constant 1 : i32
      %add3A_1201 = arith.addi %add3A_1199, %add3A_1200 : i32
      %broadcast_in_dim3A_1202 = vector.broadcast %add3A_1201 : i32 to vector<16xi32>
      %gather3A_1203 = tpu.vector_load_idx %arg5[%broadcast_in_dim3A_1202, %select_n3A_1189] : memref<258x256xf32, #tpu.memory_space<vmem>>[vector<16xi32>, vector<16xi32>], vector<16xf32>,
      %add3A_1204 = arith.constant 1 : i32
      %add3A_1205 = vector.broadcast %add3A_1204 : i32 to vector<16xi32>
      %add3A_1206 = arith.addi %select_n3A_1189, %add3A_1205 : vector<16xi32>
      %gather3A_1207 = tpu.vector_load_idx %arg5[%broadcast_in_dim3A_1202, %add3A_1206] : memref<258x256xf32, #tpu.memory_space<vmem>>[vector<16xi32>, vector<16xi32>], vector<16xf32>,
      %add3A_1208 = arith.constant 2 : i32
      %add3A_1209 = vector.broadcast %add3A_1208 : i32 to vector<16xi32>
      %add3A_1210 = arith.addi %select_n3A_1189, %add3A_1209 : vector<16xi32>
      %gather3A_1211 = tpu.vector_load_idx %arg5[%broadcast_in_dim3A_1202, %add3A_1210] : memref<258x256xf32, #tpu.memory_space<vmem>>[vector<16xi32>, vector<16xi32>], vector<16xf32>,
      %le3A_1212 = arith.cmpf ole, %select_n3A_1196, %select_n3A_1197 : vector<16xf32>
      %add3A_1213 = arith.constant 1 : i32
      %add3A_1214 = vector.broadcast %add3A_1213 : i32 to vector<16xi32>
      %add3A_1215 = arith.addi %select_n3A_1189, %add3A_1214 : vector<16xi32>
      %select_n3A_1216 = arith.select %le3A_1212, %select_n3A_1189, %add3A_1215 : vector<16xi1>, vector<16xi32>
      %select_n3A_1217 = arith.select %le3A_1212, %select_n3A_1196, %select_n3A_1197 : vector<16xi1>, vector<16xf32>
      %add3A_1218 = arith.addf %add3A_1191, %select_n3A_1217 : vector<16xf32>
      %eq3A_1219 = arith.constant 10 : i32
      %eq3A_1220 = vector.broadcast %eq3A_1219 : i32 to vector<16xi32>
      %eq3A_1221 = arith.cmpi eq, %iota3A, %eq3A_1220 : vector<16xi32>
      %select_n3A_1222 = arith.select %eq3A_1221, %select_n3A_1216, %select_n3A_1195 : vector<16xi1>, vector<16xi32>
      %select_n3A_1223 = arith.select %le3A_1212, %gather3A_1203, %gather3A_1207 : vector<16xi1>, vector<16xf32>
      %select_n3A_1224 = arith.select %le3A_1212, %gather3A_1207, %gather3A_1211 : vector<16xi1>, vector<16xf32>
      %add3A_1225 = arith.constant 11 : i32
      %add3A_1226 = arith.addi %mul3A_925, %add3A_1225 : i32
      %add3A_1227 = arith.constant 1 : i32
      %add3A_1228 = arith.addi %add3A_1226, %add3A_1227 : i32
      %broadcast_in_dim3A_1229 = vector.broadcast %add3A_1228 : i32 to vector<16xi32>
      %gather3A_1230 = tpu.vector_load_idx %arg5[%broadcast_in_dim3A_1229, %select_n3A_1216] : memref<258x256xf32, #tpu.memory_space<vmem>>[vector<16xi32>, vector<16xi32>], vector<16xf32>,
      %add3A_1231 = arith.constant 1 : i32
      %add3A_1232 = vector.broadcast %add3A_1231 : i32 to vector<16xi32>
      %add3A_1233 = arith.addi %select_n3A_1216, %add3A_1232 : vector<16xi32>
      %gather3A_1234 = tpu.vector_load_idx %arg5[%broadcast_in_dim3A_1229, %add3A_1233] : memref<258x256xf32, #tpu.memory_space<vmem>>[vector<16xi32>, vector<16xi32>], vector<16xf32>,
      %add3A_1235 = arith.constant 2 : i32
      %add3A_1236 = vector.broadcast %add3A_1235 : i32 to vector<16xi32>
      %add3A_1237 = arith.addi %select_n3A_1216, %add3A_1236 : vector<16xi32>
      %gather3A_1238 = tpu.vector_load_idx %arg5[%broadcast_in_dim3A_1229, %add3A_1237] : memref<258x256xf32, #tpu.memory_space<vmem>>[vector<16xi32>, vector<16xi32>], vector<16xf32>,
      %le3A_1239 = arith.cmpf ole, %select_n3A_1223, %select_n3A_1224 : vector<16xf32>
      %add3A_1240 = arith.constant 1 : i32
      %add3A_1241 = vector.broadcast %add3A_1240 : i32 to vector<16xi32>
      %add3A_1242 = arith.addi %select_n3A_1216, %add3A_1241 : vector<16xi32>
      %select_n3A_1243 = arith.select %le3A_1239, %select_n3A_1216, %add3A_1242 : vector<16xi1>, vector<16xi32>
      %select_n3A_1244 = arith.select %le3A_1239, %select_n3A_1223, %select_n3A_1224 : vector<16xi1>, vector<16xf32>
      %add3A_1245 = arith.addf %add3A_1218, %select_n3A_1244 : vector<16xf32>
      %eq3A_1246 = arith.constant 11 : i32
      %eq3A_1247 = vector.broadcast %eq3A_1246 : i32 to vector<16xi32>
      %eq3A_1248 = arith.cmpi eq, %iota3A, %eq3A_1247 : vector<16xi32>
      %select_n3A_1249 = arith.select %eq3A_1248, %select_n3A_1243, %select_n3A_1222 : vector<16xi1>, vector<16xi32>
      %select_n3A_1250 = arith.select %le3A_1239, %gather3A_1230, %gather3A_1234 : vector<16xi1>, vector<16xf32>
      %select_n3A_1251 = arith.select %le3A_1239, %gather3A_1234, %gather3A_1238 : vector<16xi1>, vector<16xf32>
      %add3A_1252 = arith.constant 12 : i32
      %add3A_1253 = arith.addi %mul3A_925, %add3A_1252 : i32
      %add3A_1254 = arith.constant 1 : i32
      %add3A_1255 = arith.addi %add3A_1253, %add3A_1254 : i32
      %broadcast_in_dim3A_1256 = vector.broadcast %add3A_1255 : i32 to vector<16xi32>
      %gather3A_1257 = tpu.vector_load_idx %arg5[%broadcast_in_dim3A_1256, %select_n3A_1243] : memref<258x256xf32, #tpu.memory_space<vmem>>[vector<16xi32>, vector<16xi32>], vector<16xf32>,
      %add3A_1258 = arith.constant 1 : i32
      %add3A_1259 = vector.broadcast %add3A_1258 : i32 to vector<16xi32>
      %add3A_1260 = arith.addi %select_n3A_1243, %add3A_1259 : vector<16xi32>
      %gather3A_1261 = tpu.vector_load_idx %arg5[%broadcast_in_dim3A_1256, %add3A_1260] : memref<258x256xf32, #tpu.memory_space<vmem>>[vector<16xi32>, vector<16xi32>], vector<16xf32>,
      %add3A_1262 = arith.constant 2 : i32
      %add3A_1263 = vector.broadcast %add3A_1262 : i32 to vector<16xi32>
      %add3A_1264 = arith.addi %select_n3A_1243, %add3A_1263 : vector<16xi32>
      %gather3A_1265 = tpu.vector_load_idx %arg5[%broadcast_in_dim3A_1256, %add3A_1264] : memref<258x256xf32, #tpu.memory_space<vmem>>[vector<16xi32>, vector<16xi32>], vector<16xf32>,
      %le3A_1266 = arith.cmpf ole, %select_n3A_1250, %select_n3A_1251 : vector<16xf32>
      %add3A_1267 = arith.constant 1 : i32
      %add3A_1268 = vector.broadcast %add3A_1267 : i32 to vector<16xi32>
      %add3A_1269 = arith.addi %select_n3A_1243, %add3A_1268 : vector<16xi32>
      %select_n3A_1270 = arith.select %le3A_1266, %select_n3A_1243, %add3A_1269 : vector<16xi1>, vector<16xi32>
      %select_n3A_1271 = arith.select %le3A_1266, %select_n3A_1250, %select_n3A_1251 : vector<16xi1>, vector<16xf32>
      %add3A_1272 = arith.addf %add3A_1245, %select_n3A_1271 : vector<16xf32>
      %eq3A_1273 = arith.constant 12 : i32
      %eq3A_1274 = vector.broadcast %eq3A_1273 : i32 to vector<16xi32>
      %eq3A_1275 = arith.cmpi eq, %iota3A, %eq3A_1274 : vector<16xi32>
      %select_n3A_1276 = arith.select %eq3A_1275, %select_n3A_1270, %select_n3A_1249 : vector<16xi1>, vector<16xi32>
      %select_n3A_1277 = arith.select %le3A_1266, %gather3A_1257, %gather3A_1261 : vector<16xi1>, vector<16xf32>
      %select_n3A_1278 = arith.select %le3A_1266, %gather3A_1261, %gather3A_1265 : vector<16xi1>, vector<16xf32>
      %add3A_1279 = arith.constant 13 : i32
      %add3A_1280 = arith.addi %mul3A_925, %add3A_1279 : i32
      %add3A_1281 = arith.constant 1 : i32
      %add3A_1282 = arith.addi %add3A_1280, %add3A_1281 : i32
      %broadcast_in_dim3A_1283 = vector.broadcast %add3A_1282 : i32 to vector<16xi32>
      %gather3A_1284 = tpu.vector_load_idx %arg5[%broadcast_in_dim3A_1283, %select_n3A_1270] : memref<258x256xf32, #tpu.memory_space<vmem>>[vector<16xi32>, vector<16xi32>], vector<16xf32>,
      %add3A_1285 = arith.constant 1 : i32
      %add3A_1286 = vector.broadcast %add3A_1285 : i32 to vector<16xi32>
      %add3A_1287 = arith.addi %select_n3A_1270, %add3A_1286 : vector<16xi32>
      %gather3A_1288 = tpu.vector_load_idx %arg5[%broadcast_in_dim3A_1283, %add3A_1287] : memref<258x256xf32, #tpu.memory_space<vmem>>[vector<16xi32>, vector<16xi32>], vector<16xf32>,
      %add3A_1289 = arith.constant 2 : i32
      %add3A_1290 = vector.broadcast %add3A_1289 : i32 to vector<16xi32>
      %add3A_1291 = arith.addi %select_n3A_1270, %add3A_1290 : vector<16xi32>
      %gather3A_1292 = tpu.vector_load_idx %arg5[%broadcast_in_dim3A_1283, %add3A_1291] : memref<258x256xf32, #tpu.memory_space<vmem>>[vector<16xi32>, vector<16xi32>], vector<16xf32>,
      %le3A_1293 = arith.cmpf ole, %select_n3A_1277, %select_n3A_1278 : vector<16xf32>
      %add3A_1294 = arith.constant 1 : i32
      %add3A_1295 = vector.broadcast %add3A_1294 : i32 to vector<16xi32>
      %add3A_1296 = arith.addi %select_n3A_1270, %add3A_1295 : vector<16xi32>
      %select_n3A_1297 = arith.select %le3A_1293, %select_n3A_1270, %add3A_1296 : vector<16xi1>, vector<16xi32>
      %select_n3A_1298 = arith.select %le3A_1293, %select_n3A_1277, %select_n3A_1278 : vector<16xi1>, vector<16xf32>
      %add3A_1299 = arith.addf %add3A_1272, %select_n3A_1298 : vector<16xf32>
      %eq3A_1300 = arith.constant 13 : i32
      %eq3A_1301 = vector.broadcast %eq3A_1300 : i32 to vector<16xi32>
      %eq3A_1302 = arith.cmpi eq, %iota3A, %eq3A_1301 : vector<16xi32>
      %select_n3A_1303 = arith.select %eq3A_1302, %select_n3A_1297, %select_n3A_1276 : vector<16xi1>, vector<16xi32>
      %select_n3A_1304 = arith.select %le3A_1293, %gather3A_1284, %gather3A_1288 : vector<16xi1>, vector<16xf32>
      %select_n3A_1305 = arith.select %le3A_1293, %gather3A_1288, %gather3A_1292 : vector<16xi1>, vector<16xf32>
      %add3A_1306 = arith.constant 14 : i32
      %add3A_1307 = arith.addi %mul3A_925, %add3A_1306 : i32
      %add3A_1308 = arith.constant 1 : i32
      %add3A_1309 = arith.addi %add3A_1307, %add3A_1308 : i32
      %broadcast_in_dim3A_1310 = vector.broadcast %add3A_1309 : i32 to vector<16xi32>
      %gather3A_1311 = tpu.vector_load_idx %arg5[%broadcast_in_dim3A_1310, %select_n3A_1297] : memref<258x256xf32, #tpu.memory_space<vmem>>[vector<16xi32>, vector<16xi32>], vector<16xf32>,
      %add3A_1312 = arith.constant 1 : i32
      %add3A_1313 = vector.broadcast %add3A_1312 : i32 to vector<16xi32>
      %add3A_1314 = arith.addi %select_n3A_1297, %add3A_1313 : vector<16xi32>
      %gather3A_1315 = tpu.vector_load_idx %arg5[%broadcast_in_dim3A_1310, %add3A_1314] : memref<258x256xf32, #tpu.memory_space<vmem>>[vector<16xi32>, vector<16xi32>], vector<16xf32>,
      %add3A_1316 = arith.constant 2 : i32
      %add3A_1317 = vector.broadcast %add3A_1316 : i32 to vector<16xi32>
      %add3A_1318 = arith.addi %select_n3A_1297, %add3A_1317 : vector<16xi32>
      %gather3A_1319 = tpu.vector_load_idx %arg5[%broadcast_in_dim3A_1310, %add3A_1318] : memref<258x256xf32, #tpu.memory_space<vmem>>[vector<16xi32>, vector<16xi32>], vector<16xf32>,
      %le3A_1320 = arith.cmpf ole, %select_n3A_1304, %select_n3A_1305 : vector<16xf32>
      %add3A_1321 = arith.constant 1 : i32
      %add3A_1322 = vector.broadcast %add3A_1321 : i32 to vector<16xi32>
      %add3A_1323 = arith.addi %select_n3A_1297, %add3A_1322 : vector<16xi32>
      %select_n3A_1324 = arith.select %le3A_1320, %select_n3A_1297, %add3A_1323 : vector<16xi1>, vector<16xi32>
      %select_n3A_1325 = arith.select %le3A_1320, %select_n3A_1304, %select_n3A_1305 : vector<16xi1>, vector<16xf32>
      %add3A_1326 = arith.addf %add3A_1299, %select_n3A_1325 : vector<16xf32>
      %eq3A_1327 = arith.constant 14 : i32
      %eq3A_1328 = vector.broadcast %eq3A_1327 : i32 to vector<16xi32>
      %eq3A_1329 = arith.cmpi eq, %iota3A, %eq3A_1328 : vector<16xi32>
      %select_n3A_1330 = arith.select %eq3A_1329, %select_n3A_1324, %select_n3A_1303 : vector<16xi1>, vector<16xi32>
      %select_n3A_1331 = arith.select %le3A_1320, %gather3A_1311, %gather3A_1315 : vector<16xi1>, vector<16xf32>
      %select_n3A_1332 = arith.select %le3A_1320, %gather3A_1315, %gather3A_1319 : vector<16xi1>, vector<16xf32>
      %add3A_1333 = arith.constant 15 : i32
      %add3A_1334 = arith.addi %mul3A_925, %add3A_1333 : i32
      %add3A_1335 = arith.constant 1 : i32
      %add3A_1336 = arith.addi %add3A_1334, %add3A_1335 : i32
      %broadcast_in_dim3A_1337 = vector.broadcast %add3A_1336 : i32 to vector<16xi32>
      %gather3A_1338 = tpu.vector_load_idx %arg5[%broadcast_in_dim3A_1337, %select_n3A_1324] : memref<258x256xf32, #tpu.memory_space<vmem>>[vector<16xi32>, vector<16xi32>], vector<16xf32>,
      %add3A_1339 = arith.constant 1 : i32
      %add3A_1340 = vector.broadcast %add3A_1339 : i32 to vector<16xi32>
      %add3A_1341 = arith.addi %select_n3A_1324, %add3A_1340 : vector<16xi32>
      %gather3A_1342 = tpu.vector_load_idx %arg5[%broadcast_in_dim3A_1337, %add3A_1341] : memref<258x256xf32, #tpu.memory_space<vmem>>[vector<16xi32>, vector<16xi32>], vector<16xf32>,
      %add3A_1343 = arith.constant 2 : i32
      %add3A_1344 = vector.broadcast %add3A_1343 : i32 to vector<16xi32>
      %add3A_1345 = arith.addi %select_n3A_1324, %add3A_1344 : vector<16xi32>
      %gather3A_1346 = tpu.vector_load_idx %arg5[%broadcast_in_dim3A_1337, %add3A_1345] : memref<258x256xf32, #tpu.memory_space<vmem>>[vector<16xi32>, vector<16xi32>], vector<16xf32>,
      %le3A_1347 = arith.cmpf ole, %select_n3A_1331, %select_n3A_1332 : vector<16xf32>
      %add3A_1348 = arith.constant 1 : i32
      %add3A_1349 = vector.broadcast %add3A_1348 : i32 to vector<16xi32>
      %add3A_1350 = arith.addi %select_n3A_1324, %add3A_1349 : vector<16xi32>
      %select_n3A_1351 = arith.select %le3A_1347, %select_n3A_1324, %add3A_1350 : vector<16xi1>, vector<16xi32>
      %select_n3A_1352 = arith.select %le3A_1347, %select_n3A_1331, %select_n3A_1332 : vector<16xi1>, vector<16xf32>
      %add3A_1353 = arith.addf %add3A_1326, %select_n3A_1352 : vector<16xf32>
      %eq3A_1354 = arith.constant 15 : i32
      %eq3A_1355 = vector.broadcast %eq3A_1354 : i32 to vector<16xi32>
      %eq3A_1356 = arith.cmpi eq, %iota3A, %eq3A_1355 : vector<16xi32>
      %select_n3A_1357 = arith.select %eq3A_1356, %select_n3A_1351, %select_n3A_1330 : vector<16xi1>, vector<16xi32>
      %select_n3A_1358 = arith.select %le3A_1347, %gather3A_1338, %gather3A_1342 : vector<16xi1>, vector<16xf32>
      %select_n3A_1359 = arith.select %le3A_1347, %gather3A_1342, %gather3A_1346 : vector<16xi1>, vector<16xf32>
      %swap3A_1360 = arith.index_cast %mul3A_925 : i32 to index
      %swap3A_1361 = tpu.vector_load %arg6[%swap3A_1360] {strides = array<i32>} : memref<128xi32, #tpu.memory_space<vmem>>, vector<16xi32>,
      tpu.vector_store %arg6[%swap3A_1360], %select_n3A_1357 {strides = array<i32>} : memref<128xi32, #tpu.memory_space<vmem>>, vector<16xi32>,
      %scan3A_1362 = arith.constant 1 : i32
      "tpu.region"() ({
        %run_scoped3A = tpu.sem_alloc : memref<!tpu.dma_semaphore, #tpu.memory_space<semaphore_mem>>
        %dma_start3A_1371 = arith.constant 0 : i32
        %dma_start3A_1372 = tpu.memref_slice %arg3[%add3A, %dma_start3A_1371] : memref<16x256xi32, #tpu.memory_space<hbm>> -> memref<1x128xi32, #tpu.memory_space<hbm>>
        %dma_start3A_1373 = tpu.memref_squeeze %dma_start3A_1372 : memref<1x128xi32, #tpu.memory_space<hbm>> -> memref<128xi32, #tpu.memory_space<hbm>>
        %dma_start3A_1374 = arith.constant 0 : i32
        %dma_start3A_1375 = tpu.memref_slice %arg3[%add3A, %dma_start3A_1374] : memref<16x256xi32, #tpu.memory_space<hbm>> -> memref<1x128xi32, #tpu.memory_space<hbm>>
        %dma_start3A_1376 = tpu.memref_squeeze %dma_start3A_1375 : memref<1x128xi32, #tpu.memory_space<hbm>> -> memref<128xi32, #tpu.memory_space<hbm>>
        tpu.enqueue_dma source(%arg6 : memref<128xi32, #tpu.memory_space<vmem>>) target(%dma_start3A_1376 : memref<128xi32, #tpu.memory_space<hbm>>) target_semaphore(%run_scoped3A : memref<!tpu.dma_semaphore, #tpu.memory_space<semaphore_mem>>)
        %dma_wait3A_1377 = arith.constant 0 : i32
        %dma_wait3A_1378 = tpu.memref_slice %arg3[%add3A, %dma_wait3A_1377] : memref<16x256xi32, #tpu.memory_space<hbm>> -> memref<1x128xi32, #tpu.memory_space<hbm>>
        %dma_wait3A_1379 = tpu.memref_squeeze %dma_wait3A_1378 : memref<1x128xi32, #tpu.memory_space<hbm>> -> memref<128xi32, #tpu.memory_space<hbm>>
        %dma_wait3A_1380 = arith.constant 0 : i32
        %dma_wait3A_1381 = tpu.memref_slice %arg3[%add3A, %dma_wait3A_1380] : memref<16x256xi32, #tpu.memory_space<hbm>> -> memref<1x128xi32, #tpu.memory_space<hbm>>
        %dma_wait3A_1382 = tpu.memref_squeeze %dma_wait3A_1381 : memref<1x128xi32, #tpu.memory_space<hbm>> -> memref<128xi32, #tpu.memory_space<hbm>>
        tpu.wait_dma2 semaphore(%run_scoped3A : memref<!tpu.dma_semaphore, #tpu.memory_space<semaphore_mem>>) src(%arg6 : memref<128xi32, #tpu.memory_space<vmem>>) dst(%dma_wait3A_1382 : memref<128xi32, #tpu.memory_space<hbm>>)
        tpu.yield
      }) : () -> ()
      %scan3A_1363 = arith.constant 8 : i32
      %scan3A_1364 = arith.constant 8 : i32
      %scan3A_1365 = arith.addi %scan3A_1363, %scan3A_1364 : i32
      %scan3A_1366 = arith.constant 1 : i32
      %scan3A_1367:4 = scf.for %scan3A_1371 = %scan3A_1363 to %scan3A_1365 step %scan3A_1366 iter_args(%scan3A_1372 = %select_n3A_1351, %scan3A_1373 = %select_n3A_1358, %scan3A_1374 = %select_n3A_1359, %scan3A_1375 = %add3A_1353) -> (vector<16xi32>, vector<16xf32>, vector<16xf32>, vector<16xf32>)  : i32 {
        %mul3A_1376 = arith.constant 16 : i32
        %mul3A_1377 = arith.muli %scan3A_1371, %mul3A_1376 : i32
        %broadcast_in_dim3A_1378 = arith.constant 0 : i32
        %broadcast_in_dim3A_1379 = vector.broadcast %broadcast_in_dim3A_1378 : i32 to vector<16xi32>
        %add3A_1380 = arith.constant 0 : i32
        %add3A_1381 = arith.addi %mul3A_1377, %add3A_1380 : i32
        %add3A_1382 = arith.constant 1 : i32
        %add3A_1383 = arith.addi %add3A_1381, %add3A_1382 : i32
        %broadcast_in_dim3A_1384 = vector.broadcast %add3A_1383 : i32 to vector<16xi32>
        %gather3A_1385 = tpu.vector_load_idx %arg5[%broadcast_in_dim3A_1384, %scan3A_1372] : memref<258x256xf32, #tpu.memory_space<vmem>>[vector<16xi32>, vector<16xi32>], vector<16xf32>,
        %add3A_1386 = arith.constant 1 : i32
        %add3A_1387 = vector.broadcast %add3A_1386 : i32 to vector<16xi32>
        %add3A_1388 = arith.addi %scan3A_1372, %add3A_1387 : vector<16xi32>
        %gather3A_1389 = tpu.vector_load_idx %arg5[%broadcast_in_dim3A_1384, %add3A_1388] : memref<258x256xf32, #tpu.memory_space<vmem>>[vector<16xi32>, vector<16xi32>], vector<16xf32>,
        %add3A_1390 = arith.constant 2 : i32
        %add3A_1391 = vector.broadcast %add3A_1390 : i32 to vector<16xi32>
        %add3A_1392 = arith.addi %scan3A_1372, %add3A_1391 : vector<16xi32>
        %gather3A_1393 = tpu.vector_load_idx %arg5[%broadcast_in_dim3A_1384, %add3A_1392] : memref<258x256xf32, #tpu.memory_space<vmem>>[vector<16xi32>, vector<16xi32>], vector<16xf32>,
        %le3A_1394 = arith.cmpf ole, %scan3A_1373, %scan3A_1374 : vector<16xf32>
        %add3A_1395 = arith.constant 1 : i32
        %add3A_1396 = vector.broadcast %add3A_1395 : i32 to vector<16xi32>
        %add3A_1397 = arith.addi %scan3A_1372, %add3A_1396 : vector<16xi32>
        %select_n3A_1398 = arith.select %le3A_1394, %scan3A_1372, %add3A_1397 : vector<16xi1>, vector<16xi32>
        %select_n3A_1399 = arith.select %le3A_1394, %scan3A_1373, %scan3A_1374 : vector<16xi1>, vector<16xf32>
        %add3A_1400 = arith.addf %scan3A_1375, %select_n3A_1399 : vector<16xf32>
        %eq3A_1401 = arith.constant 0 : i32
        %eq3A_1402 = vector.broadcast %eq3A_1401 : i32 to vector<16xi32>
        %eq3A_1403 = arith.cmpi eq, %iota3A, %eq3A_1402 : vector<16xi32>
        %select_n3A_1404 = arith.select %eq3A_1403, %select_n3A_1398, %broadcast_in_dim3A_1379 : vector<16xi1>, vector<16xi32>
        %select_n3A_1405 = arith.select %le3A_1394, %gather3A_1385, %gather3A_1389 : vector<16xi1>, vector<16xf32>
        %select_n3A_1406 = arith.select %le3A_1394, %gather3A_1389, %gather3A_1393 : vector<16xi1>, vector<16xf32>
        %add3A_1407 = arith.constant 1 : i32
        %add3A_1408 = arith.addi %mul3A_1377, %add3A_1407 : i32
        %add3A_1409 = arith.constant 1 : i32
        %add3A_1410 = arith.addi %add3A_1408, %add3A_1409 : i32
        %broadcast_in_dim3A_1411 = vector.broadcast %add3A_1410 : i32 to vector<16xi32>
        %gather3A_1412 = tpu.vector_load_idx %arg5[%broadcast_in_dim3A_1411, %select_n3A_1398] : memref<258x256xf32, #tpu.memory_space<vmem>>[vector<16xi32>, vector<16xi32>], vector<16xf32>,
        %add3A_1413 = arith.constant 1 : i32
        %add3A_1414 = vector.broadcast %add3A_1413 : i32 to vector<16xi32>
        %add3A_1415 = arith.addi %select_n3A_1398, %add3A_1414 : vector<16xi32>
        %gather3A_1416 = tpu.vector_load_idx %arg5[%broadcast_in_dim3A_1411, %add3A_1415] : memref<258x256xf32, #tpu.memory_space<vmem>>[vector<16xi32>, vector<16xi32>], vector<16xf32>,
        %add3A_1417 = arith.constant 2 : i32
        %add3A_1418 = vector.broadcast %add3A_1417 : i32 to vector<16xi32>
        %add3A_1419 = arith.addi %select_n3A_1398, %add3A_1418 : vector<16xi32>
        %gather3A_1420 = tpu.vector_load_idx %arg5[%broadcast_in_dim3A_1411, %add3A_1419] : memref<258x256xf32, #tpu.memory_space<vmem>>[vector<16xi32>, vector<16xi32>], vector<16xf32>,
        %le3A_1421 = arith.cmpf ole, %select_n3A_1405, %select_n3A_1406 : vector<16xf32>
        %add3A_1422 = arith.constant 1 : i32
        %add3A_1423 = vector.broadcast %add3A_1422 : i32 to vector<16xi32>
        %add3A_1424 = arith.addi %select_n3A_1398, %add3A_1423 : vector<16xi32>
        %select_n3A_1425 = arith.select %le3A_1421, %select_n3A_1398, %add3A_1424 : vector<16xi1>, vector<16xi32>
        %select_n3A_1426 = arith.select %le3A_1421, %select_n3A_1405, %select_n3A_1406 : vector<16xi1>, vector<16xf32>
        %add3A_1427 = arith.addf %add3A_1400, %select_n3A_1426 : vector<16xf32>
        %eq3A_1428 = arith.constant 1 : i32
        %eq3A_1429 = vector.broadcast %eq3A_1428 : i32 to vector<16xi32>
        %eq3A_1430 = arith.cmpi eq, %iota3A, %eq3A_1429 : vector<16xi32>
        %select_n3A_1431 = arith.select %eq3A_1430, %select_n3A_1425, %select_n3A_1404 : vector<16xi1>, vector<16xi32>
        %select_n3A_1432 = arith.select %le3A_1421, %gather3A_1412, %gather3A_1416 : vector<16xi1>, vector<16xf32>
        %select_n3A_1433 = arith.select %le3A_1421, %gather3A_1416, %gather3A_1420 : vector<16xi1>, vector<16xf32>
        %add3A_1434 = arith.constant 2 : i32
        %add3A_1435 = arith.addi %mul3A_1377, %add3A_1434 : i32
        %add3A_1436 = arith.constant 1 : i32
        %add3A_1437 = arith.addi %add3A_1435, %add3A_1436 : i32
        %broadcast_in_dim3A_1438 = vector.broadcast %add3A_1437 : i32 to vector<16xi32>
        %gather3A_1439 = tpu.vector_load_idx %arg5[%broadcast_in_dim3A_1438, %select_n3A_1425] : memref<258x256xf32, #tpu.memory_space<vmem>>[vector<16xi32>, vector<16xi32>], vector<16xf32>,
        %add3A_1440 = arith.constant 1 : i32
        %add3A_1441 = vector.broadcast %add3A_1440 : i32 to vector<16xi32>
        %add3A_1442 = arith.addi %select_n3A_1425, %add3A_1441 : vector<16xi32>
        %gather3A_1443 = tpu.vector_load_idx %arg5[%broadcast_in_dim3A_1438, %add3A_1442] : memref<258x256xf32, #tpu.memory_space<vmem>>[vector<16xi32>, vector<16xi32>], vector<16xf32>,
        %add3A_1444 = arith.constant 2 : i32
        %add3A_1445 = vector.broadcast %add3A_1444 : i32 to vector<16xi32>
        %add3A_1446 = arith.addi %select_n3A_1425, %add3A_1445 : vector<16xi32>
        %gather3A_1447 = tpu.vector_load_idx %arg5[%broadcast_in_dim3A_1438, %add3A_1446] : memref<258x256xf32, #tpu.memory_space<vmem>>[vector<16xi32>, vector<16xi32>], vector<16xf32>,
        %le3A_1448 = arith.cmpf ole, %select_n3A_1432, %select_n3A_1433 : vector<16xf32>
        %add3A_1449 = arith.constant 1 : i32
        %add3A_1450 = vector.broadcast %add3A_1449 : i32 to vector<16xi32>
        %add3A_1451 = arith.addi %select_n3A_1425, %add3A_1450 : vector<16xi32>
        %select_n3A_1452 = arith.select %le3A_1448, %select_n3A_1425, %add3A_1451 : vector<16xi1>, vector<16xi32>
        %select_n3A_1453 = arith.select %le3A_1448, %select_n3A_1432, %select_n3A_1433 : vector<16xi1>, vector<16xf32>
        %add3A_1454 = arith.addf %add3A_1427, %select_n3A_1453 : vector<16xf32>
        %eq3A_1455 = arith.constant 2 : i32
        %eq3A_1456 = vector.broadcast %eq3A_1455 : i32 to vector<16xi32>
        %eq3A_1457 = arith.cmpi eq, %iota3A, %eq3A_1456 : vector<16xi32>
        %select_n3A_1458 = arith.select %eq3A_1457, %select_n3A_1452, %select_n3A_1431 : vector<16xi1>, vector<16xi32>
        %select_n3A_1459 = arith.select %le3A_1448, %gather3A_1439, %gather3A_1443 : vector<16xi1>, vector<16xf32>
        %select_n3A_1460 = arith.select %le3A_1448, %gather3A_1443, %gather3A_1447 : vector<16xi1>, vector<16xf32>
        %add3A_1461 = arith.constant 3 : i32
        %add3A_1462 = arith.addi %mul3A_1377, %add3A_1461 : i32
        %add3A_1463 = arith.constant 1 : i32
        %add3A_1464 = arith.addi %add3A_1462, %add3A_1463 : i32
        %broadcast_in_dim3A_1465 = vector.broadcast %add3A_1464 : i32 to vector<16xi32>
        %gather3A_1466 = tpu.vector_load_idx %arg5[%broadcast_in_dim3A_1465, %select_n3A_1452] : memref<258x256xf32, #tpu.memory_space<vmem>>[vector<16xi32>, vector<16xi32>], vector<16xf32>,
        %add3A_1467 = arith.constant 1 : i32
        %add3A_1468 = vector.broadcast %add3A_1467 : i32 to vector<16xi32>
        %add3A_1469 = arith.addi %select_n3A_1452, %add3A_1468 : vector<16xi32>
        %gather3A_1470 = tpu.vector_load_idx %arg5[%broadcast_in_dim3A_1465, %add3A_1469] : memref<258x256xf32, #tpu.memory_space<vmem>>[vector<16xi32>, vector<16xi32>], vector<16xf32>,
        %add3A_1471 = arith.constant 2 : i32
        %add3A_1472 = vector.broadcast %add3A_1471 : i32 to vector<16xi32>
        %add3A_1473 = arith.addi %select_n3A_1452, %add3A_1472 : vector<16xi32>
        %gather3A_1474 = tpu.vector_load_idx %arg5[%broadcast_in_dim3A_1465, %add3A_1473] : memref<258x256xf32, #tpu.memory_space<vmem>>[vector<16xi32>, vector<16xi32>], vector<16xf32>,
        %le3A_1475 = arith.cmpf ole, %select_n3A_1459, %select_n3A_1460 : vector<16xf32>
        %add3A_1476 = arith.constant 1 : i32
        %add3A_1477 = vector.broadcast %add3A_1476 : i32 to vector<16xi32>
        %add3A_1478 = arith.addi %select_n3A_1452, %add3A_1477 : vector<16xi32>
        %select_n3A_1479 = arith.select %le3A_1475, %select_n3A_1452, %add3A_1478 : vector<16xi1>, vector<16xi32>
        %select_n3A_1480 = arith.select %le3A_1475, %select_n3A_1459, %select_n3A_1460 : vector<16xi1>, vector<16xf32>
        %add3A_1481 = arith.addf %add3A_1454, %select_n3A_1480 : vector<16xf32>
        %eq3A_1482 = arith.constant 3 : i32
        %eq3A_1483 = vector.broadcast %eq3A_1482 : i32 to vector<16xi32>
        %eq3A_1484 = arith.cmpi eq, %iota3A, %eq3A_1483 : vector<16xi32>
        %select_n3A_1485 = arith.select %eq3A_1484, %select_n3A_1479, %select_n3A_1458 : vector<16xi1>, vector<16xi32>
        %select_n3A_1486 = arith.select %le3A_1475, %gather3A_1466, %gather3A_1470 : vector<16xi1>, vector<16xf32>
        %select_n3A_1487 = arith.select %le3A_1475, %gather3A_1470, %gather3A_1474 : vector<16xi1>, vector<16xf32>
        %add3A_1488 = arith.constant 4 : i32
        %add3A_1489 = arith.addi %mul3A_1377, %add3A_1488 : i32
        %add3A_1490 = arith.constant 1 : i32
        %add3A_1491 = arith.addi %add3A_1489, %add3A_1490 : i32
        %broadcast_in_dim3A_1492 = vector.broadcast %add3A_1491 : i32 to vector<16xi32>
        %gather3A_1493 = tpu.vector_load_idx %arg5[%broadcast_in_dim3A_1492, %select_n3A_1479] : memref<258x256xf32, #tpu.memory_space<vmem>>[vector<16xi32>, vector<16xi32>], vector<16xf32>,
        %add3A_1494 = arith.constant 1 : i32
        %add3A_1495 = vector.broadcast %add3A_1494 : i32 to vector<16xi32>
        %add3A_1496 = arith.addi %select_n3A_1479, %add3A_1495 : vector<16xi32>
        %gather3A_1497 = tpu.vector_load_idx %arg5[%broadcast_in_dim3A_1492, %add3A_1496] : memref<258x256xf32, #tpu.memory_space<vmem>>[vector<16xi32>, vector<16xi32>], vector<16xf32>,
        %add3A_1498 = arith.constant 2 : i32
        %add3A_1499 = vector.broadcast %add3A_1498 : i32 to vector<16xi32>
        %add3A_1500 = arith.addi %select_n3A_1479, %add3A_1499 : vector<16xi32>
        %gather3A_1501 = tpu.vector_load_idx %arg5[%broadcast_in_dim3A_1492, %add3A_1500] : memref<258x256xf32, #tpu.memory_space<vmem>>[vector<16xi32>, vector<16xi32>], vector<16xf32>,
        %le3A_1502 = arith.cmpf ole, %select_n3A_1486, %select_n3A_1487 : vector<16xf32>
        %add3A_1503 = arith.constant 1 : i32
        %add3A_1504 = vector.broadcast %add3A_1503 : i32 to vector<16xi32>
        %add3A_1505 = arith.addi %select_n3A_1479, %add3A_1504 : vector<16xi32>
        %select_n3A_1506 = arith.select %le3A_1502, %select_n3A_1479, %add3A_1505 : vector<16xi1>, vector<16xi32>
        %select_n3A_1507 = arith.select %le3A_1502, %select_n3A_1486, %select_n3A_1487 : vector<16xi1>, vector<16xf32>
        %add3A_1508 = arith.addf %add3A_1481, %select_n3A_1507 : vector<16xf32>
        %eq3A_1509 = arith.constant 4 : i32
        %eq3A_1510 = vector.broadcast %eq3A_1509 : i32 to vector<16xi32>
        %eq3A_1511 = arith.cmpi eq, %iota3A, %eq3A_1510 : vector<16xi32>
        %select_n3A_1512 = arith.select %eq3A_1511, %select_n3A_1506, %select_n3A_1485 : vector<16xi1>, vector<16xi32>
        %select_n3A_1513 = arith.select %le3A_1502, %gather3A_1493, %gather3A_1497 : vector<16xi1>, vector<16xf32>
        %select_n3A_1514 = arith.select %le3A_1502, %gather3A_1497, %gather3A_1501 : vector<16xi1>, vector<16xf32>
        %add3A_1515 = arith.constant 5 : i32
        %add3A_1516 = arith.addi %mul3A_1377, %add3A_1515 : i32
        %add3A_1517 = arith.constant 1 : i32
        %add3A_1518 = arith.addi %add3A_1516, %add3A_1517 : i32
        %broadcast_in_dim3A_1519 = vector.broadcast %add3A_1518 : i32 to vector<16xi32>
        %gather3A_1520 = tpu.vector_load_idx %arg5[%broadcast_in_dim3A_1519, %select_n3A_1506] : memref<258x256xf32, #tpu.memory_space<vmem>>[vector<16xi32>, vector<16xi32>], vector<16xf32>,
        %add3A_1521 = arith.constant 1 : i32
        %add3A_1522 = vector.broadcast %add3A_1521 : i32 to vector<16xi32>
        %add3A_1523 = arith.addi %select_n3A_1506, %add3A_1522 : vector<16xi32>
        %gather3A_1524 = tpu.vector_load_idx %arg5[%broadcast_in_dim3A_1519, %add3A_1523] : memref<258x256xf32, #tpu.memory_space<vmem>>[vector<16xi32>, vector<16xi32>], vector<16xf32>,
        %add3A_1525 = arith.constant 2 : i32
        %add3A_1526 = vector.broadcast %add3A_1525 : i32 to vector<16xi32>
        %add3A_1527 = arith.addi %select_n3A_1506, %add3A_1526 : vector<16xi32>
        %gather3A_1528 = tpu.vector_load_idx %arg5[%broadcast_in_dim3A_1519, %add3A_1527] : memref<258x256xf32, #tpu.memory_space<vmem>>[vector<16xi32>, vector<16xi32>], vector<16xf32>,
        %le3A_1529 = arith.cmpf ole, %select_n3A_1513, %select_n3A_1514 : vector<16xf32>
        %add3A_1530 = arith.constant 1 : i32
        %add3A_1531 = vector.broadcast %add3A_1530 : i32 to vector<16xi32>
        %add3A_1532 = arith.addi %select_n3A_1506, %add3A_1531 : vector<16xi32>
        %select_n3A_1533 = arith.select %le3A_1529, %select_n3A_1506, %add3A_1532 : vector<16xi1>, vector<16xi32>
        %select_n3A_1534 = arith.select %le3A_1529, %select_n3A_1513, %select_n3A_1514 : vector<16xi1>, vector<16xf32>
        %add3A_1535 = arith.addf %add3A_1508, %select_n3A_1534 : vector<16xf32>
        %eq3A_1536 = arith.constant 5 : i32
        %eq3A_1537 = vector.broadcast %eq3A_1536 : i32 to vector<16xi32>
        %eq3A_1538 = arith.cmpi eq, %iota3A, %eq3A_1537 : vector<16xi32>
        %select_n3A_1539 = arith.select %eq3A_1538, %select_n3A_1533, %select_n3A_1512 : vector<16xi1>, vector<16xi32>
        %select_n3A_1540 = arith.select %le3A_1529, %gather3A_1520, %gather3A_1524 : vector<16xi1>, vector<16xf32>
        %select_n3A_1541 = arith.select %le3A_1529, %gather3A_1524, %gather3A_1528 : vector<16xi1>, vector<16xf32>
        %add3A_1542 = arith.constant 6 : i32
        %add3A_1543 = arith.addi %mul3A_1377, %add3A_1542 : i32
        %add3A_1544 = arith.constant 1 : i32
        %add3A_1545 = arith.addi %add3A_1543, %add3A_1544 : i32
        %broadcast_in_dim3A_1546 = vector.broadcast %add3A_1545 : i32 to vector<16xi32>
        %gather3A_1547 = tpu.vector_load_idx %arg5[%broadcast_in_dim3A_1546, %select_n3A_1533] : memref<258x256xf32, #tpu.memory_space<vmem>>[vector<16xi32>, vector<16xi32>], vector<16xf32>,
        %add3A_1548 = arith.constant 1 : i32
        %add3A_1549 = vector.broadcast %add3A_1548 : i32 to vector<16xi32>
        %add3A_1550 = arith.addi %select_n3A_1533, %add3A_1549 : vector<16xi32>
        %gather3A_1551 = tpu.vector_load_idx %arg5[%broadcast_in_dim3A_1546, %add3A_1550] : memref<258x256xf32, #tpu.memory_space<vmem>>[vector<16xi32>, vector<16xi32>], vector<16xf32>,
        %add3A_1552 = arith.constant 2 : i32
        %add3A_1553 = vector.broadcast %add3A_1552 : i32 to vector<16xi32>
        %add3A_1554 = arith.addi %select_n3A_1533, %add3A_1553 : vector<16xi32>
        %gather3A_1555 = tpu.vector_load_idx %arg5[%broadcast_in_dim3A_1546, %add3A_1554] : memref<258x256xf32, #tpu.memory_space<vmem>>[vector<16xi32>, vector<16xi32>], vector<16xf32>,
        %le3A_1556 = arith.cmpf ole, %select_n3A_1540, %select_n3A_1541 : vector<16xf32>
        %add3A_1557 = arith.constant 1 : i32
        %add3A_1558 = vector.broadcast %add3A_1557 : i32 to vector<16xi32>
        %add3A_1559 = arith.addi %select_n3A_1533, %add3A_1558 : vector<16xi32>
        %select_n3A_1560 = arith.select %le3A_1556, %select_n3A_1533, %add3A_1559 : vector<16xi1>, vector<16xi32>
        %select_n3A_1561 = arith.select %le3A_1556, %select_n3A_1540, %select_n3A_1541 : vector<16xi1>, vector<16xf32>
        %add3A_1562 = arith.addf %add3A_1535, %select_n3A_1561 : vector<16xf32>
        %eq3A_1563 = arith.constant 6 : i32
        %eq3A_1564 = vector.broadcast %eq3A_1563 : i32 to vector<16xi32>
        %eq3A_1565 = arith.cmpi eq, %iota3A, %eq3A_1564 : vector<16xi32>
        %select_n3A_1566 = arith.select %eq3A_1565, %select_n3A_1560, %select_n3A_1539 : vector<16xi1>, vector<16xi32>
        %select_n3A_1567 = arith.select %le3A_1556, %gather3A_1547, %gather3A_1551 : vector<16xi1>, vector<16xf32>
        %select_n3A_1568 = arith.select %le3A_1556, %gather3A_1551, %gather3A_1555 : vector<16xi1>, vector<16xf32>
        %add3A_1569 = arith.constant 7 : i32
        %add3A_1570 = arith.addi %mul3A_1377, %add3A_1569 : i32
        %add3A_1571 = arith.constant 1 : i32
        %add3A_1572 = arith.addi %add3A_1570, %add3A_1571 : i32
        %broadcast_in_dim3A_1573 = vector.broadcast %add3A_1572 : i32 to vector<16xi32>
        %gather3A_1574 = tpu.vector_load_idx %arg5[%broadcast_in_dim3A_1573, %select_n3A_1560] : memref<258x256xf32, #tpu.memory_space<vmem>>[vector<16xi32>, vector<16xi32>], vector<16xf32>,
        %add3A_1575 = arith.constant 1 : i32
        %add3A_1576 = vector.broadcast %add3A_1575 : i32 to vector<16xi32>
        %add3A_1577 = arith.addi %select_n3A_1560, %add3A_1576 : vector<16xi32>
        %gather3A_1578 = tpu.vector_load_idx %arg5[%broadcast_in_dim3A_1573, %add3A_1577] : memref<258x256xf32, #tpu.memory_space<vmem>>[vector<16xi32>, vector<16xi32>], vector<16xf32>,
        %add3A_1579 = arith.constant 2 : i32
        %add3A_1580 = vector.broadcast %add3A_1579 : i32 to vector<16xi32>
        %add3A_1581 = arith.addi %select_n3A_1560, %add3A_1580 : vector<16xi32>
        %gather3A_1582 = tpu.vector_load_idx %arg5[%broadcast_in_dim3A_1573, %add3A_1581] : memref<258x256xf32, #tpu.memory_space<vmem>>[vector<16xi32>, vector<16xi32>], vector<16xf32>,
        %le3A_1583 = arith.cmpf ole, %select_n3A_1567, %select_n3A_1568 : vector<16xf32>
        %add3A_1584 = arith.constant 1 : i32
        %add3A_1585 = vector.broadcast %add3A_1584 : i32 to vector<16xi32>
        %add3A_1586 = arith.addi %select_n3A_1560, %add3A_1585 : vector<16xi32>
        %select_n3A_1587 = arith.select %le3A_1583, %select_n3A_1560, %add3A_1586 : vector<16xi1>, vector<16xi32>
        %select_n3A_1588 = arith.select %le3A_1583, %select_n3A_1567, %select_n3A_1568 : vector<16xi1>, vector<16xf32>
        %add3A_1589 = arith.addf %add3A_1562, %select_n3A_1588 : vector<16xf32>
        %eq3A_1590 = arith.constant 7 : i32
        %eq3A_1591 = vector.broadcast %eq3A_1590 : i32 to vector<16xi32>
        %eq3A_1592 = arith.cmpi eq, %iota3A, %eq3A_1591 : vector<16xi32>
        %select_n3A_1593 = arith.select %eq3A_1592, %select_n3A_1587, %select_n3A_1566 : vector<16xi1>, vector<16xi32>
        %select_n3A_1594 = arith.select %le3A_1583, %gather3A_1574, %gather3A_1578 : vector<16xi1>, vector<16xf32>
        %select_n3A_1595 = arith.select %le3A_1583, %gather3A_1578, %gather3A_1582 : vector<16xi1>, vector<16xf32>
        %add3A_1596 = arith.constant 8 : i32
        %add3A_1597 = arith.addi %mul3A_1377, %add3A_1596 : i32
        %add3A_1598 = arith.constant 1 : i32
        %add3A_1599 = arith.addi %add3A_1597, %add3A_1598 : i32
        %broadcast_in_dim3A_1600 = vector.broadcast %add3A_1599 : i32 to vector<16xi32>
        %gather3A_1601 = tpu.vector_load_idx %arg5[%broadcast_in_dim3A_1600, %select_n3A_1587] : memref<258x256xf32, #tpu.memory_space<vmem>>[vector<16xi32>, vector<16xi32>], vector<16xf32>,
        %add3A_1602 = arith.constant 1 : i32
        %add3A_1603 = vector.broadcast %add3A_1602 : i32 to vector<16xi32>
        %add3A_1604 = arith.addi %select_n3A_1587, %add3A_1603 : vector<16xi32>
        %gather3A_1605 = tpu.vector_load_idx %arg5[%broadcast_in_dim3A_1600, %add3A_1604] : memref<258x256xf32, #tpu.memory_space<vmem>>[vector<16xi32>, vector<16xi32>], vector<16xf32>,
        %add3A_1606 = arith.constant 2 : i32
        %add3A_1607 = vector.broadcast %add3A_1606 : i32 to vector<16xi32>
        %add3A_1608 = arith.addi %select_n3A_1587, %add3A_1607 : vector<16xi32>
        %gather3A_1609 = tpu.vector_load_idx %arg5[%broadcast_in_dim3A_1600, %add3A_1608] : memref<258x256xf32, #tpu.memory_space<vmem>>[vector<16xi32>, vector<16xi32>], vector<16xf32>,
        %le3A_1610 = arith.cmpf ole, %select_n3A_1594, %select_n3A_1595 : vector<16xf32>
        %add3A_1611 = arith.constant 1 : i32
        %add3A_1612 = vector.broadcast %add3A_1611 : i32 to vector<16xi32>
        %add3A_1613 = arith.addi %select_n3A_1587, %add3A_1612 : vector<16xi32>
        %select_n3A_1614 = arith.select %le3A_1610, %select_n3A_1587, %add3A_1613 : vector<16xi1>, vector<16xi32>
        %select_n3A_1615 = arith.select %le3A_1610, %select_n3A_1594, %select_n3A_1595 : vector<16xi1>, vector<16xf32>
        %add3A_1616 = arith.addf %add3A_1589, %select_n3A_1615 : vector<16xf32>
        %eq3A_1617 = arith.constant 8 : i32
        %eq3A_1618 = vector.broadcast %eq3A_1617 : i32 to vector<16xi32>
        %eq3A_1619 = arith.cmpi eq, %iota3A, %eq3A_1618 : vector<16xi32>
        %select_n3A_1620 = arith.select %eq3A_1619, %select_n3A_1614, %select_n3A_1593 : vector<16xi1>, vector<16xi32>
        %select_n3A_1621 = arith.select %le3A_1610, %gather3A_1601, %gather3A_1605 : vector<16xi1>, vector<16xf32>
        %select_n3A_1622 = arith.select %le3A_1610, %gather3A_1605, %gather3A_1609 : vector<16xi1>, vector<16xf32>
        %add3A_1623 = arith.constant 9 : i32
        %add3A_1624 = arith.addi %mul3A_1377, %add3A_1623 : i32
        %add3A_1625 = arith.constant 1 : i32
        %add3A_1626 = arith.addi %add3A_1624, %add3A_1625 : i32
        %broadcast_in_dim3A_1627 = vector.broadcast %add3A_1626 : i32 to vector<16xi32>
        %gather3A_1628 = tpu.vector_load_idx %arg5[%broadcast_in_dim3A_1627, %select_n3A_1614] : memref<258x256xf32, #tpu.memory_space<vmem>>[vector<16xi32>, vector<16xi32>], vector<16xf32>,
        %add3A_1629 = arith.constant 1 : i32
        %add3A_1630 = vector.broadcast %add3A_1629 : i32 to vector<16xi32>
        %add3A_1631 = arith.addi %select_n3A_1614, %add3A_1630 : vector<16xi32>
        %gather3A_1632 = tpu.vector_load_idx %arg5[%broadcast_in_dim3A_1627, %add3A_1631] : memref<258x256xf32, #tpu.memory_space<vmem>>[vector<16xi32>, vector<16xi32>], vector<16xf32>,
        %add3A_1633 = arith.constant 2 : i32
        %add3A_1634 = vector.broadcast %add3A_1633 : i32 to vector<16xi32>
        %add3A_1635 = arith.addi %select_n3A_1614, %add3A_1634 : vector<16xi32>
        %gather3A_1636 = tpu.vector_load_idx %arg5[%broadcast_in_dim3A_1627, %add3A_1635] : memref<258x256xf32, #tpu.memory_space<vmem>>[vector<16xi32>, vector<16xi32>], vector<16xf32>,
        %le3A_1637 = arith.cmpf ole, %select_n3A_1621, %select_n3A_1622 : vector<16xf32>
        %add3A_1638 = arith.constant 1 : i32
        %add3A_1639 = vector.broadcast %add3A_1638 : i32 to vector<16xi32>
        %add3A_1640 = arith.addi %select_n3A_1614, %add3A_1639 : vector<16xi32>
        %select_n3A_1641 = arith.select %le3A_1637, %select_n3A_1614, %add3A_1640 : vector<16xi1>, vector<16xi32>
        %select_n3A_1642 = arith.select %le3A_1637, %select_n3A_1621, %select_n3A_1622 : vector<16xi1>, vector<16xf32>
        %add3A_1643 = arith.addf %add3A_1616, %select_n3A_1642 : vector<16xf32>
        %eq3A_1644 = arith.constant 9 : i32
        %eq3A_1645 = vector.broadcast %eq3A_1644 : i32 to vector<16xi32>
        %eq3A_1646 = arith.cmpi eq, %iota3A, %eq3A_1645 : vector<16xi32>
        %select_n3A_1647 = arith.select %eq3A_1646, %select_n3A_1641, %select_n3A_1620 : vector<16xi1>, vector<16xi32>
        %select_n3A_1648 = arith.select %le3A_1637, %gather3A_1628, %gather3A_1632 : vector<16xi1>, vector<16xf32>
        %select_n3A_1649 = arith.select %le3A_1637, %gather3A_1632, %gather3A_1636 : vector<16xi1>, vector<16xf32>
        %add3A_1650 = arith.constant 10 : i32
        %add3A_1651 = arith.addi %mul3A_1377, %add3A_1650 : i32
        %add3A_1652 = arith.constant 1 : i32
        %add3A_1653 = arith.addi %add3A_1651, %add3A_1652 : i32
        %broadcast_in_dim3A_1654 = vector.broadcast %add3A_1653 : i32 to vector<16xi32>
        %gather3A_1655 = tpu.vector_load_idx %arg5[%broadcast_in_dim3A_1654, %select_n3A_1641] : memref<258x256xf32, #tpu.memory_space<vmem>>[vector<16xi32>, vector<16xi32>], vector<16xf32>,
        %add3A_1656 = arith.constant 1 : i32
        %add3A_1657 = vector.broadcast %add3A_1656 : i32 to vector<16xi32>
        %add3A_1658 = arith.addi %select_n3A_1641, %add3A_1657 : vector<16xi32>
        %gather3A_1659 = tpu.vector_load_idx %arg5[%broadcast_in_dim3A_1654, %add3A_1658] : memref<258x256xf32, #tpu.memory_space<vmem>>[vector<16xi32>, vector<16xi32>], vector<16xf32>,
        %add3A_1660 = arith.constant 2 : i32
        %add3A_1661 = vector.broadcast %add3A_1660 : i32 to vector<16xi32>
        %add3A_1662 = arith.addi %select_n3A_1641, %add3A_1661 : vector<16xi32>
        %gather3A_1663 = tpu.vector_load_idx %arg5[%broadcast_in_dim3A_1654, %add3A_1662] : memref<258x256xf32, #tpu.memory_space<vmem>>[vector<16xi32>, vector<16xi32>], vector<16xf32>,
        %le3A_1664 = arith.cmpf ole, %select_n3A_1648, %select_n3A_1649 : vector<16xf32>
        %add3A_1665 = arith.constant 1 : i32
        %add3A_1666 = vector.broadcast %add3A_1665 : i32 to vector<16xi32>
        %add3A_1667 = arith.addi %select_n3A_1641, %add3A_1666 : vector<16xi32>
        %select_n3A_1668 = arith.select %le3A_1664, %select_n3A_1641, %add3A_1667 : vector<16xi1>, vector<16xi32>
        %select_n3A_1669 = arith.select %le3A_1664, %select_n3A_1648, %select_n3A_1649 : vector<16xi1>, vector<16xf32>
        %add3A_1670 = arith.addf %add3A_1643, %select_n3A_1669 : vector<16xf32>
        %eq3A_1671 = arith.constant 10 : i32
        %eq3A_1672 = vector.broadcast %eq3A_1671 : i32 to vector<16xi32>
        %eq3A_1673 = arith.cmpi eq, %iota3A, %eq3A_1672 : vector<16xi32>
        %select_n3A_1674 = arith.select %eq3A_1673, %select_n3A_1668, %select_n3A_1647 : vector<16xi1>, vector<16xi32>
        %select_n3A_1675 = arith.select %le3A_1664, %gather3A_1655, %gather3A_1659 : vector<16xi1>, vector<16xf32>
        %select_n3A_1676 = arith.select %le3A_1664, %gather3A_1659, %gather3A_1663 : vector<16xi1>, vector<16xf32>
        %add3A_1677 = arith.constant 11 : i32
        %add3A_1678 = arith.addi %mul3A_1377, %add3A_1677 : i32
        %add3A_1679 = arith.constant 1 : i32
        %add3A_1680 = arith.addi %add3A_1678, %add3A_1679 : i32
        %broadcast_in_dim3A_1681 = vector.broadcast %add3A_1680 : i32 to vector<16xi32>
        %gather3A_1682 = tpu.vector_load_idx %arg5[%broadcast_in_dim3A_1681, %select_n3A_1668] : memref<258x256xf32, #tpu.memory_space<vmem>>[vector<16xi32>, vector<16xi32>], vector<16xf32>,
        %add3A_1683 = arith.constant 1 : i32
        %add3A_1684 = vector.broadcast %add3A_1683 : i32 to vector<16xi32>
        %add3A_1685 = arith.addi %select_n3A_1668, %add3A_1684 : vector<16xi32>
        %gather3A_1686 = tpu.vector_load_idx %arg5[%broadcast_in_dim3A_1681, %add3A_1685] : memref<258x256xf32, #tpu.memory_space<vmem>>[vector<16xi32>, vector<16xi32>], vector<16xf32>,
        %add3A_1687 = arith.constant 2 : i32
        %add3A_1688 = vector.broadcast %add3A_1687 : i32 to vector<16xi32>
        %add3A_1689 = arith.addi %select_n3A_1668, %add3A_1688 : vector<16xi32>
        %gather3A_1690 = tpu.vector_load_idx %arg5[%broadcast_in_dim3A_1681, %add3A_1689] : memref<258x256xf32, #tpu.memory_space<vmem>>[vector<16xi32>, vector<16xi32>], vector<16xf32>,
        %le3A_1691 = arith.cmpf ole, %select_n3A_1675, %select_n3A_1676 : vector<16xf32>
        %add3A_1692 = arith.constant 1 : i32
        %add3A_1693 = vector.broadcast %add3A_1692 : i32 to vector<16xi32>
        %add3A_1694 = arith.addi %select_n3A_1668, %add3A_1693 : vector<16xi32>
        %select_n3A_1695 = arith.select %le3A_1691, %select_n3A_1668, %add3A_1694 : vector<16xi1>, vector<16xi32>
        %select_n3A_1696 = arith.select %le3A_1691, %select_n3A_1675, %select_n3A_1676 : vector<16xi1>, vector<16xf32>
        %add3A_1697 = arith.addf %add3A_1670, %select_n3A_1696 : vector<16xf32>
        %eq3A_1698 = arith.constant 11 : i32
        %eq3A_1699 = vector.broadcast %eq3A_1698 : i32 to vector<16xi32>
        %eq3A_1700 = arith.cmpi eq, %iota3A, %eq3A_1699 : vector<16xi32>
        %select_n3A_1701 = arith.select %eq3A_1700, %select_n3A_1695, %select_n3A_1674 : vector<16xi1>, vector<16xi32>
        %select_n3A_1702 = arith.select %le3A_1691, %gather3A_1682, %gather3A_1686 : vector<16xi1>, vector<16xf32>
        %select_n3A_1703 = arith.select %le3A_1691, %gather3A_1686, %gather3A_1690 : vector<16xi1>, vector<16xf32>
        %add3A_1704 = arith.constant 12 : i32
        %add3A_1705 = arith.addi %mul3A_1377, %add3A_1704 : i32
        %add3A_1706 = arith.constant 1 : i32
        %add3A_1707 = arith.addi %add3A_1705, %add3A_1706 : i32
        %broadcast_in_dim3A_1708 = vector.broadcast %add3A_1707 : i32 to vector<16xi32>
        %gather3A_1709 = tpu.vector_load_idx %arg5[%broadcast_in_dim3A_1708, %select_n3A_1695] : memref<258x256xf32, #tpu.memory_space<vmem>>[vector<16xi32>, vector<16xi32>], vector<16xf32>,
        %add3A_1710 = arith.constant 1 : i32
        %add3A_1711 = vector.broadcast %add3A_1710 : i32 to vector<16xi32>
        %add3A_1712 = arith.addi %select_n3A_1695, %add3A_1711 : vector<16xi32>
        %gather3A_1713 = tpu.vector_load_idx %arg5[%broadcast_in_dim3A_1708, %add3A_1712] : memref<258x256xf32, #tpu.memory_space<vmem>>[vector<16xi32>, vector<16xi32>], vector<16xf32>,
        %add3A_1714 = arith.constant 2 : i32
        %add3A_1715 = vector.broadcast %add3A_1714 : i32 to vector<16xi32>
        %add3A_1716 = arith.addi %select_n3A_1695, %add3A_1715 : vector<16xi32>
        %gather3A_1717 = tpu.vector_load_idx %arg5[%broadcast_in_dim3A_1708, %add3A_1716] : memref<258x256xf32, #tpu.memory_space<vmem>>[vector<16xi32>, vector<16xi32>], vector<16xf32>,
        %le3A_1718 = arith.cmpf ole, %select_n3A_1702, %select_n3A_1703 : vector<16xf32>
        %add3A_1719 = arith.constant 1 : i32
        %add3A_1720 = vector.broadcast %add3A_1719 : i32 to vector<16xi32>
        %add3A_1721 = arith.addi %select_n3A_1695, %add3A_1720 : vector<16xi32>
        %select_n3A_1722 = arith.select %le3A_1718, %select_n3A_1695, %add3A_1721 : vector<16xi1>, vector<16xi32>
        %select_n3A_1723 = arith.select %le3A_1718, %select_n3A_1702, %select_n3A_1703 : vector<16xi1>, vector<16xf32>
        %add3A_1724 = arith.addf %add3A_1697, %select_n3A_1723 : vector<16xf32>
        %eq3A_1725 = arith.constant 12 : i32
        %eq3A_1726 = vector.broadcast %eq3A_1725 : i32 to vector<16xi32>
        %eq3A_1727 = arith.cmpi eq, %iota3A, %eq3A_1726 : vector<16xi32>
        %select_n3A_1728 = arith.select %eq3A_1727, %select_n3A_1722, %select_n3A_1701 : vector<16xi1>, vector<16xi32>
        %select_n3A_1729 = arith.select %le3A_1718, %gather3A_1709, %gather3A_1713 : vector<16xi1>, vector<16xf32>
        %select_n3A_1730 = arith.select %le3A_1718, %gather3A_1713, %gather3A_1717 : vector<16xi1>, vector<16xf32>
        %add3A_1731 = arith.constant 13 : i32
        %add3A_1732 = arith.addi %mul3A_1377, %add3A_1731 : i32
        %add3A_1733 = arith.constant 1 : i32
        %add3A_1734 = arith.addi %add3A_1732, %add3A_1733 : i32
        %broadcast_in_dim3A_1735 = vector.broadcast %add3A_1734 : i32 to vector<16xi32>
        %gather3A_1736 = tpu.vector_load_idx %arg5[%broadcast_in_dim3A_1735, %select_n3A_1722] : memref<258x256xf32, #tpu.memory_space<vmem>>[vector<16xi32>, vector<16xi32>], vector<16xf32>,
        %add3A_1737 = arith.constant 1 : i32
        %add3A_1738 = vector.broadcast %add3A_1737 : i32 to vector<16xi32>
        %add3A_1739 = arith.addi %select_n3A_1722, %add3A_1738 : vector<16xi32>
        %gather3A_1740 = tpu.vector_load_idx %arg5[%broadcast_in_dim3A_1735, %add3A_1739] : memref<258x256xf32, #tpu.memory_space<vmem>>[vector<16xi32>, vector<16xi32>], vector<16xf32>,
        %add3A_1741 = arith.constant 2 : i32
        %add3A_1742 = vector.broadcast %add3A_1741 : i32 to vector<16xi32>
        %add3A_1743 = arith.addi %select_n3A_1722, %add3A_1742 : vector<16xi32>
        %gather3A_1744 = tpu.vector_load_idx %arg5[%broadcast_in_dim3A_1735, %add3A_1743] : memref<258x256xf32, #tpu.memory_space<vmem>>[vector<16xi32>, vector<16xi32>], vector<16xf32>,
        %le3A_1745 = arith.cmpf ole, %select_n3A_1729, %select_n3A_1730 : vector<16xf32>
        %add3A_1746 = arith.constant 1 : i32
        %add3A_1747 = vector.broadcast %add3A_1746 : i32 to vector<16xi32>
        %add3A_1748 = arith.addi %select_n3A_1722, %add3A_1747 : vector<16xi32>
        %select_n3A_1749 = arith.select %le3A_1745, %select_n3A_1722, %add3A_1748 : vector<16xi1>, vector<16xi32>
        %select_n3A_1750 = arith.select %le3A_1745, %select_n3A_1729, %select_n3A_1730 : vector<16xi1>, vector<16xf32>
        %add3A_1751 = arith.addf %add3A_1724, %select_n3A_1750 : vector<16xf32>
        %eq3A_1752 = arith.constant 13 : i32
        %eq3A_1753 = vector.broadcast %eq3A_1752 : i32 to vector<16xi32>
        %eq3A_1754 = arith.cmpi eq, %iota3A, %eq3A_1753 : vector<16xi32>
        %select_n3A_1755 = arith.select %eq3A_1754, %select_n3A_1749, %select_n3A_1728 : vector<16xi1>, vector<16xi32>
        %select_n3A_1756 = arith.select %le3A_1745, %gather3A_1736, %gather3A_1740 : vector<16xi1>, vector<16xf32>
        %select_n3A_1757 = arith.select %le3A_1745, %gather3A_1740, %gather3A_1744 : vector<16xi1>, vector<16xf32>
        %add3A_1758 = arith.constant 14 : i32
        %add3A_1759 = arith.addi %mul3A_1377, %add3A_1758 : i32
        %add3A_1760 = arith.constant 1 : i32
        %add3A_1761 = arith.addi %add3A_1759, %add3A_1760 : i32
        %broadcast_in_dim3A_1762 = vector.broadcast %add3A_1761 : i32 to vector<16xi32>
        %gather3A_1763 = tpu.vector_load_idx %arg5[%broadcast_in_dim3A_1762, %select_n3A_1749] : memref<258x256xf32, #tpu.memory_space<vmem>>[vector<16xi32>, vector<16xi32>], vector<16xf32>,
        %add3A_1764 = arith.constant 1 : i32
        %add3A_1765 = vector.broadcast %add3A_1764 : i32 to vector<16xi32>
        %add3A_1766 = arith.addi %select_n3A_1749, %add3A_1765 : vector<16xi32>
        %gather3A_1767 = tpu.vector_load_idx %arg5[%broadcast_in_dim3A_1762, %add3A_1766] : memref<258x256xf32, #tpu.memory_space<vmem>>[vector<16xi32>, vector<16xi32>], vector<16xf32>,
        %add3A_1768 = arith.constant 2 : i32
        %add3A_1769 = vector.broadcast %add3A_1768 : i32 to vector<16xi32>
        %add3A_1770 = arith.addi %select_n3A_1749, %add3A_1769 : vector<16xi32>
        %gather3A_1771 = tpu.vector_load_idx %arg5[%broadcast_in_dim3A_1762, %add3A_1770] : memref<258x256xf32, #tpu.memory_space<vmem>>[vector<16xi32>, vector<16xi32>], vector<16xf32>,
        %le3A_1772 = arith.cmpf ole, %select_n3A_1756, %select_n3A_1757 : vector<16xf32>
        %add3A_1773 = arith.constant 1 : i32
        %add3A_1774 = vector.broadcast %add3A_1773 : i32 to vector<16xi32>
        %add3A_1775 = arith.addi %select_n3A_1749, %add3A_1774 : vector<16xi32>
        %select_n3A_1776 = arith.select %le3A_1772, %select_n3A_1749, %add3A_1775 : vector<16xi1>, vector<16xi32>
        %select_n3A_1777 = arith.select %le3A_1772, %select_n3A_1756, %select_n3A_1757 : vector<16xi1>, vector<16xf32>
        %add3A_1778 = arith.addf %add3A_1751, %select_n3A_1777 : vector<16xf32>
        %eq3A_1779 = arith.constant 14 : i32
        %eq3A_1780 = vector.broadcast %eq3A_1779 : i32 to vector<16xi32>
        %eq3A_1781 = arith.cmpi eq, %iota3A, %eq3A_1780 : vector<16xi32>
        %select_n3A_1782 = arith.select %eq3A_1781, %select_n3A_1776, %select_n3A_1755 : vector<16xi1>, vector<16xi32>
        %select_n3A_1783 = arith.select %le3A_1772, %gather3A_1763, %gather3A_1767 : vector<16xi1>, vector<16xf32>
        %select_n3A_1784 = arith.select %le3A_1772, %gather3A_1767, %gather3A_1771 : vector<16xi1>, vector<16xf32>
        %add3A_1785 = arith.constant 15 : i32
        %add3A_1786 = arith.addi %mul3A_1377, %add3A_1785 : i32
        %add3A_1787 = arith.constant 1 : i32
        %add3A_1788 = arith.addi %add3A_1786, %add3A_1787 : i32
        %broadcast_in_dim3A_1789 = vector.broadcast %add3A_1788 : i32 to vector<16xi32>
        %gather3A_1790 = tpu.vector_load_idx %arg5[%broadcast_in_dim3A_1789, %select_n3A_1776] : memref<258x256xf32, #tpu.memory_space<vmem>>[vector<16xi32>, vector<16xi32>], vector<16xf32>,
        %add3A_1791 = arith.constant 1 : i32
        %add3A_1792 = vector.broadcast %add3A_1791 : i32 to vector<16xi32>
        %add3A_1793 = arith.addi %select_n3A_1776, %add3A_1792 : vector<16xi32>
        %gather3A_1794 = tpu.vector_load_idx %arg5[%broadcast_in_dim3A_1789, %add3A_1793] : memref<258x256xf32, #tpu.memory_space<vmem>>[vector<16xi32>, vector<16xi32>], vector<16xf32>,
        %add3A_1795 = arith.constant 2 : i32
        %add3A_1796 = vector.broadcast %add3A_1795 : i32 to vector<16xi32>
        %add3A_1797 = arith.addi %select_n3A_1776, %add3A_1796 : vector<16xi32>
        %gather3A_1798 = tpu.vector_load_idx %arg5[%broadcast_in_dim3A_1789, %add3A_1797] : memref<258x256xf32, #tpu.memory_space<vmem>>[vector<16xi32>, vector<16xi32>], vector<16xf32>,
        %le3A_1799 = arith.cmpf ole, %select_n3A_1783, %select_n3A_1784 : vector<16xf32>
        %add3A_1800 = arith.constant 1 : i32
        %add3A_1801 = vector.broadcast %add3A_1800 : i32 to vector<16xi32>
        %add3A_1802 = arith.addi %select_n3A_1776, %add3A_1801 : vector<16xi32>
        %select_n3A_1803 = arith.select %le3A_1799, %select_n3A_1776, %add3A_1802 : vector<16xi1>, vector<16xi32>
        %select_n3A_1804 = arith.select %le3A_1799, %select_n3A_1783, %select_n3A_1784 : vector<16xi1>, vector<16xf32>
        %add3A_1805 = arith.addf %add3A_1778, %select_n3A_1804 : vector<16xf32>
        %eq3A_1806 = arith.constant 15 : i32
        %eq3A_1807 = vector.broadcast %eq3A_1806 : i32 to vector<16xi32>
        %eq3A_1808 = arith.cmpi eq, %iota3A, %eq3A_1807 : vector<16xi32>
        %select_n3A_1809 = arith.select %eq3A_1808, %select_n3A_1803, %select_n3A_1782 : vector<16xi1>, vector<16xi32>
        %select_n3A_1810 = arith.select %le3A_1799, %gather3A_1790, %gather3A_1794 : vector<16xi1>, vector<16xf32>
        %select_n3A_1811 = arith.select %le3A_1799, %gather3A_1794, %gather3A_1798 : vector<16xi1>, vector<16xf32>
        %sub3A = arith.constant 128 : i32
        %sub3A_1812 = arith.subi %mul3A_1377, %sub3A : i32
        %swap3A_1813 = arith.index_cast %sub3A_1812 : i32 to index
        %swap3A_1814 = tpu.vector_load %arg7[%swap3A_1813] {strides = array<i32>} : memref<128xi32, #tpu.memory_space<vmem>>, vector<16xi32>,
        tpu.vector_store %arg7[%swap3A_1813], %select_n3A_1809 {strides = array<i32>} : memref<128xi32, #tpu.memory_space<vmem>>, vector<16xi32>,
        scf.yield %select_n3A_1803, %select_n3A_1810, %select_n3A_1811, %add3A_1805 : vector<16xi32>, vector<16xf32>, vector<16xf32>, vector<16xf32>
      }
      %scan3A_1368 = arith.constant 8 : i32
      "tpu.region"() ({
        %run_scoped3A = tpu.sem_alloc : memref<!tpu.dma_semaphore, #tpu.memory_space<semaphore_mem>>
        %dma_start3A_1371 = arith.constant 128 : i32
        %dma_start3A_1372 = tpu.memref_slice %arg3[%add3A, %dma_start3A_1371] : memref<16x256xi32, #tpu.memory_space<hbm>> -> memref<1x128xi32, #tpu.memory_space<hbm>>
        %dma_start3A_1373 = tpu.memref_squeeze %dma_start3A_1372 : memref<1x128xi32, #tpu.memory_space<hbm>> -> memref<128xi32, #tpu.memory_space<hbm>>
        %dma_start3A_1374 = arith.constant 128 : i32
        %dma_start3A_1375 = tpu.memref_slice %arg3[%add3A, %dma_start3A_1374] : memref<16x256xi32, #tpu.memory_space<hbm>> -> memref<1x128xi32, #tpu.memory_space<hbm>>
        %dma_start3A_1376 = tpu.memref_squeeze %dma_start3A_1375 : memref<1x128xi32, #tpu.memory_space<hbm>> -> memref<128xi32, #tpu.memory_space<hbm>>
        tpu.enqueue_dma source(%arg7 : memref<128xi32, #tpu.memory_space<vmem>>) target(%dma_start3A_1376 : memref<128xi32, #tpu.memory_space<hbm>>) target_semaphore(%run_scoped3A : memref<!tpu.dma_semaphore, #tpu.memory_space<semaphore_mem>>)
        %dma_wait3A_1377 = arith.constant 128 : i32
        %dma_wait3A_1378 = tpu.memref_slice %arg3[%add3A, %dma_wait3A_1377] : memref<16x256xi32, #tpu.memory_space<hbm>> -> memref<1x128xi32, #tpu.memory_space<hbm>>
        %dma_wait3A_1379 = tpu.memref_squeeze %dma_wait3A_1378 : memref<1x128xi32, #tpu.memory_space<hbm>> -> memref<128xi32, #tpu.memory_space<hbm>>
        %dma_wait3A_1380 = arith.constant 128 : i32
        %dma_wait3A_1381 = tpu.memref_slice %arg3[%add3A, %dma_wait3A_1380] : memref<16x256xi32, #tpu.memory_space<hbm>> -> memref<1x128xi32, #tpu.memory_space<hbm>>
        %dma_wait3A_1382 = tpu.memref_squeeze %dma_wait3A_1381 : memref<1x128xi32, #tpu.memory_space<hbm>> -> memref<128xi32, #tpu.memory_space<hbm>>
        tpu.wait_dma2 semaphore(%run_scoped3A : memref<!tpu.dma_semaphore, #tpu.memory_space<semaphore_mem>>) src(%arg7 : memref<128xi32, #tpu.memory_space<vmem>>) dst(%dma_wait3A_1382 : memref<128xi32, #tpu.memory_space<hbm>>)
        tpu.yield
      }) : () -> ()
      %swap3A_1369 = arith.constant 0 : index
      %swap3A_1370 = tpu.vector_load %arg8[%swap3A_1369] {strides = array<i32>} : memref<16xf32, #tpu.memory_space<vmem>>, vector<16xf32>,
      tpu.vector_store %arg8[%swap3A_1369], %scan3A_1367#3 {strides = array<i32>} : memref<16xf32, #tpu.memory_space<vmem>>, vector<16xf32>,
      "tpu.region"() ({
        %run_scoped3A = tpu.sem_alloc : memref<!tpu.dma_semaphore, #tpu.memory_space<semaphore_mem>>
        %dma_start3A_1371 = arith.constant 0 : i32
        %dma_start3A_1372 = tpu.memref_slice %arg4[%add3A, %dma_start3A_1371] : memref<16x16xf32, #tpu.memory_space<hbm>> -> memref<1x16xf32, #tpu.memory_space<hbm>>
        %dma_start3A_1373 = tpu.memref_squeeze %dma_start3A_1372 : memref<1x16xf32, #tpu.memory_space<hbm>> -> memref<16xf32, #tpu.memory_space<hbm>>
        %dma_start3A_1374 = arith.constant 0 : i32
        %dma_start3A_1375 = tpu.memref_slice %arg4[%add3A, %dma_start3A_1374] : memref<16x16xf32, #tpu.memory_space<hbm>> -> memref<1x16xf32, #tpu.memory_space<hbm>>
        %dma_start3A_1376 = tpu.memref_squeeze %dma_start3A_1375 : memref<1x16xf32, #tpu.memory_space<hbm>> -> memref<16xf32, #tpu.memory_space<hbm>>
        tpu.enqueue_dma source(%arg8 : memref<16xf32, #tpu.memory_space<vmem>>) target(%dma_start3A_1376 : memref<16xf32, #tpu.memory_space<hbm>>) target_semaphore(%run_scoped3A : memref<!tpu.dma_semaphore, #tpu.memory_space<semaphore_mem>>)
        %dma_wait3A_1377 = arith.constant 0 : i32
        %dma_wait3A_1378 = tpu.memref_slice %arg4[%add3A, %dma_wait3A_1377] : memref<16x16xf32, #tpu.memory_space<hbm>> -> memref<1x16xf32, #tpu.memory_space<hbm>>
        %dma_wait3A_1379 = tpu.memref_squeeze %dma_wait3A_1378 : memref<1x16xf32, #tpu.memory_space<hbm>> -> memref<16xf32, #tpu.memory_space<hbm>>
        %dma_wait3A_1380 = arith.constant 0 : i32
        %dma_wait3A_1381 = tpu.memref_slice %arg4[%add3A, %dma_wait3A_1380] : memref<16x16xf32, #tpu.memory_space<hbm>> -> memref<1x16xf32, #tpu.memory_space<hbm>>
        %dma_wait3A_1382 = tpu.memref_squeeze %dma_wait3A_1381 : memref<1x16xf32, #tpu.memory_space<hbm>> -> memref<16xf32, #tpu.memory_space<hbm>>
        tpu.wait_dma2 semaphore(%run_scoped3A : memref<!tpu.dma_semaphore, #tpu.memory_space<semaphore_mem>>) src(%arg8 : memref<16xf32, #tpu.memory_space<vmem>>) dst(%dma_wait3A_1382 : memref<16xf32, #tpu.memory_space<hbm>>)
        tpu.yield
      }) : () -> ()
    } else {
    }
    return
  }
}

module attributes {stable_mosaic.version = 14 : i64} {
  func.func @_dist_body(%arg0: i32, %arg1: memref<2048x256xf32, #tpu.memory_space<vmem>>, %arg2: memref<256x256xf32, #tpu.memory_space<vmem>>, %arg3: memref<2048x256xf32, #tpu.memory_space<vmem>>) attributes {dimension_semantics = [#tpu.dimension_semantics<arbitrary>], iteration_bounds = array<i64: 2>, scalar_prefetch = 0 : i64, scratch_operands = 0 : i64, tpu.core_type = #tpu.core_type<tc>, window_params = [{transform_indices = @transform_0, window_bounds = array<i64: 2048, 256>}, {transform_indices = @transform_1, window_bounds = array<i64: 256, 256>}, {transform_indices = @transform_2, window_bounds = array<i64: 2048, 256>}]} {
    %get3A = arith.constant 0 : index
    %get3A_0 = arith.constant 0 : index
    %get3A_1 = vector.load %arg1[%get3A, %get3A_0] : memref<2048x256xf32, #tpu.memory_space<vmem>>, vector<2048x256xf32>
    %get3A_2 = arith.constant 0 : index
    %get3A_3 = arith.constant 0 : index
    %get3A_4 = vector.load %arg2[%get3A_2, %get3A_3] : memref<256x256xf32, #tpu.memory_space<vmem>>, vector<256x256xf32>
    %mul3A = arith.mulf %get3A_1, %get3A_1 : vector<2048x256xf32>
    %reduce_sum3A = arith.constant dense<0.000000e+00> : vector<2048xf32>
    %reduce_sum3A_5 = vector.multi_reduction <add>, %mul3A, %reduce_sum3A [1] : vector<2048x256xf32> to vector<2048xf32>
    %broadcast_in_dim3A = vector.shape_cast %reduce_sum3A_5 : vector<2048xf32> to vector<2048x1xf32>
    %mul3A_6 = arith.mulf %get3A_4, %get3A_4 : vector<256x256xf32>
    %reduce_sum3A_7 = arith.constant dense<0.000000e+00> : vector<256xf32>
    %reduce_sum3A_8 = vector.multi_reduction <add>, %mul3A_6, %reduce_sum3A_7 [1] : vector<256x256xf32> to vector<256xf32>
    %dot_general3A = arith.constant dense<0.000000e+00> : vector<2048x256xf32>
    %dot_general3A_9 = tpu.matmul %get3A_1, %get3A_4, %dot_general3A {dimension_numbers = #tpu.dot_dimension_numbers<[1], [1], [0], [0], [0, 0, 1, 0], [], []>, transpose_lhs_hint = false} : vector<2048x256xf32>, vector<256x256xf32>, vector<2048x256xf32> -> vector<2048x256xf32>
    %broadcast_in_dim3A_10 = vector.shape_cast %reduce_sum3A_8 : vector<256xf32> to vector<1x256xf32>
    %add3A = vector.broadcast %broadcast_in_dim3A : vector<2048x1xf32> to vector<2048x256xf32>
    %add3A_11 = vector.broadcast %broadcast_in_dim3A_10 : vector<1x256xf32> to vector<2048x256xf32>
    %add3A_12 = arith.addf %add3A, %add3A_11 : vector<2048x256xf32>
    %mul3A_13 = arith.constant 2.000000e+00 : f32
    %mul3A_14 = vector.broadcast %mul3A_13 : f32 to vector<2048x256xf32>
    %mul3A_15 = arith.mulf %mul3A_14, %dot_general3A_9 : vector<2048x256xf32>
    %sub3A = arith.subf %add3A_12, %mul3A_15 : vector<2048x256xf32>
    %swap3A = arith.constant 0 : index
    %swap3A_16 = arith.constant 0 : index
    %swap3A_17 = vector.load %arg3[%swap3A, %swap3A_16] : memref<2048x256xf32, #tpu.memory_space<vmem>>, vector<2048x256xf32>
    tpu.vector_store %arg3[%swap3A, %swap3A_16], %sub3A {strides = array<i32>} : memref<2048x256xf32, #tpu.memory_space<vmem>>, vector<2048x256xf32>,
    return
  }
  func.func @transform_0(%arg0: i32) -> (i32, i32) {
    %c0_i32 = arith.constant 0 : i32
    %c0_i32_0 = arith.constant 0 : i32
    return %arg0, %c0_i32 : i32, i32
  }
  func.func @transform_1(%arg0: i32) -> (i32, i32) {
    %c0_i32 = arith.constant 0 : i32
    %c0_i32_0 = arith.constant 0 : i32
    %c0_i32_1 = arith.constant 0 : i32
    return %c0_i32, %c0_i32_0 : i32, i32
  }
  func.func @transform_2(%arg0: i32) -> (i32, i32) {
    %c0_i32 = arith.constant 0 : i32
    %c0_i32_0 = arith.constant 0 : i32
    return %arg0, %c0_i32 : i32, i32
  }
}

module attributes {stable_mosaic.version = 14 : i64} {
  func.func @_zq_body(%arg0: i32, %arg1: memref<2048x1xi32, #tpu.memory_space<vmem>>, %arg2: memref<256x256xf32, #tpu.memory_space<vmem>>, %arg3: memref<16x16xf32, #tpu.memory_space<vmem>>, %arg4: memref<2048x256xf32, #tpu.memory_space<vmem>>, %arg5: memref<1x1xf32, #tpu.memory_space<smem>>, %arg6: memref<1x1xi32, #tpu.memory_space<smem>>) attributes {dimension_semantics = [#tpu.dimension_semantics<arbitrary>], iteration_bounds = array<i64: 2>, scalar_prefetch = 0 : i64, scratch_operands = 0 : i64, tpu.core_type = #tpu.core_type<tc>, window_params = [{transform_indices = @transform_0, window_bounds = array<i64: 2048, 1>}, {transform_indices = @transform_1, window_bounds = array<i64: 256, 256>}, {pipeline_mode = #tpu.pipeline_mode<synchronous>, transform_indices = @transform_2, window_bounds = array<i64: 16, 16>}, {transform_indices = @transform_3, window_bounds = array<i64: 2048, 256>}, {transform_indices = @transform_4, window_bounds = array<i64: 1, 1>}, {transform_indices = @transform_5, window_bounds = array<i64: 1, 1>}]} {
    %get3A = arith.constant 0 : index
    %get3A_0 = arith.constant 0 : index
    %get3A_1 = vector.load %arg1[%get3A, %get3A_0] : memref<2048x1xi32, #tpu.memory_space<vmem>>, vector<2048x1xi32>
    %get3A_2 = arith.constant 0 : index
    %get3A_3 = arith.constant 0 : index
    %get3A_4 = vector.load %arg2[%get3A_2, %get3A_3] : memref<256x256xf32, #tpu.memory_space<vmem>>, vector<256x256xf32>
    %iota3A = tpu.iota {dimensions = array<i32: 1>} : vector<2048x256xi32>
    %eq3A = vector.broadcast %get3A_1 : vector<2048x1xi32> to vector<2048x256xi32>
    %eq3A_5 = arith.cmpi eq, %iota3A, %eq3A : vector<2048x256xi32>
    %jit3A = arith.constant 1.000000e+00 : f32
    %jit3A_6 = arith.constant 0.000000e+00 : f32
    %broadcast_in_dim3A = vector.broadcast %jit3A : f32 to vector<2048x256xf32>
    %broadcast_in_dim3A_7 = vector.broadcast %jit3A_6 : f32 to vector<2048x256xf32>
    %select_n3A = arith.select %eq3A_5, %broadcast_in_dim3A, %broadcast_in_dim3A_7 : vector<2048x256xi1>, vector<2048x256xf32>
    %dot_general3A = arith.constant dense<0.000000e+00> : vector<2048x256xf32>
    %dot_general3A_8 = tpu.matmul %select_n3A, %get3A_4, %dot_general3A {dimension_numbers = #tpu.dot_dimension_numbers<[1], [0], [0], [1], [0, 0, 1, 1], [], []>, precision = #tpu.contract_precision<fp32>, transpose_lhs_hint = false} : vector<2048x256xf32>, vector<256x256xf32>, vector<2048x256xf32> -> vector<2048x256xf32>
    %swap3A = arith.constant 0 : index
    %swap3A_9 = arith.constant 0 : index
    %swap3A_10 = vector.load %arg4[%swap3A, %swap3A_9] : memref<2048x256xf32, #tpu.memory_space<vmem>>, vector<2048x256xf32>
    tpu.vector_store %arg4[%swap3A, %swap3A_9], %dot_general3A_8 {strides = array<i32>} : memref<2048x256xf32, #tpu.memory_space<vmem>>, vector<2048x256xf32>,
    %reduce_max3A = vector.shape_cast %get3A_1 : vector<2048x1xi32> to vector<1x2048x1xi32>
    %reduce_max3A_11 = arith.constant dense<-2147483648> : vector<1xi32>
    %reduce_max3A_12 = vector.multi_reduction <maxsi>, %reduce_max3A, %reduce_max3A_11 [1, 2] : vector<1x2048x1xi32> to vector<1xi32>
    %reduce_max3A_13 = vector.shape_cast %reduce_max3A_12 : vector<1xi32> to vector<1x1x1xi32>
    %reduce_max3A_14 = vector.extract %reduce_max3A_13[0, 0, 0] : i32 from vector<1x1x1xi32>
    %eq3A_15 = arith.constant 0 : i32
    %eq3A_16 = arith.cmpi eq, %arg0, %eq3A_15 : i32
    %convert_element_type3A = arith.extui %eq3A_16 : i1 to i32
    %cond3A = arith.constant 0 : i32
    %cond3A_17 = arith.cmpi ne, %convert_element_type3A, %cond3A : i32
    scf.if %cond3A_17 {
      %swap3A_27 = arith.constant 0 : index
      %swap3A_28 = arith.constant 0 : index
      %swap3A_29 = memref.load %arg6[%swap3A_27, %swap3A_28] : memref<1x1xi32, #tpu.memory_space<smem>>
      memref.store %reduce_max3A_14, %arg6[%swap3A_27, %swap3A_28] : memref<1x1xi32, #tpu.memory_space<smem>>
    } else {
    }
    %ne3A = arith.constant 0 : i32
    %ne3A_18 = arith.cmpi ne, %arg0, %ne3A : i32
    %convert_element_type3A_19 = arith.extui %ne3A_18 : i1 to i32
    %cond3A_20 = arith.constant 0 : i32
    %cond3A_21 = arith.cmpi ne, %convert_element_type3A_19, %cond3A_20 : i32
    scf.if %cond3A_21 {
      %get3A_27 = arith.constant 0 : index
      %get3A_28 = arith.constant 0 : index
      %get3A_29 = memref.load %arg6[%get3A_27, %get3A_28] : memref<1x1xi32, #tpu.memory_space<smem>>
      %max3A = arith.maxsi %get3A_29, %reduce_max3A_14 : i32
      %swap3A_30 = arith.constant 0 : index
      %swap3A_31 = arith.constant 0 : index
      %swap3A_32 = memref.load %arg6[%swap3A_30, %swap3A_31] : memref<1x1xi32, #tpu.memory_space<smem>>
      memref.store %max3A, %arg6[%swap3A_30, %swap3A_31] : memref<1x1xi32, #tpu.memory_space<smem>>
    } else {
    }
    %eq3A_22 = arith.constant 1 : i32
    %eq3A_23 = arith.cmpi eq, %arg0, %eq3A_22 : i32
    %convert_element_type3A_24 = arith.extui %eq3A_23 : i1 to i32
    %cond3A_25 = arith.constant 0 : i32
    %cond3A_26 = arith.cmpi ne, %convert_element_type3A_24, %cond3A_25 : i32
    scf.if %cond3A_26 {
      %get3A_27 = arith.constant 0 : index
      %get3A_28 = arith.constant 0 : index
      %get3A_29 = vector.load %arg3[%get3A_27, %get3A_28] : memref<16x16xf32, #tpu.memory_space<vmem>>, vector<16x1xf32>
      %reduce_sum3A = vector.shape_cast %get3A_29 : vector<16x1xf32> to vector<1x16x1xf32>
      %reduce_sum3A_30 = arith.constant dense<0.000000e+00> : vector<1xf32>
      %reduce_sum3A_31 = vector.multi_reduction <add>, %reduce_sum3A, %reduce_sum3A_30 [1, 2] : vector<1x16x1xf32> to vector<1xf32>
      %reduce_sum3A_32 = vector.shape_cast %reduce_sum3A_31 : vector<1xf32> to vector<1x1x1xf32>
      %reduce_sum3A_33 = vector.extract %reduce_sum3A_32[0, 0, 0] : f32 from vector<1x1x1xf32>
      %mul3A = arith.constant 9.53674316E-7 : f32
      %mul3A_34 = arith.mulf %reduce_sum3A_33, %mul3A : f32
      %mul3A_35 = arith.constant 2.500000e-01 : f32
      %mul3A_36 = arith.mulf %mul3A_35, %mul3A_34 : f32
      %add3A = arith.addf %mul3A_36, %mul3A_34 : f32
      %swap3A_37 = arith.constant 0 : index
      %swap3A_38 = arith.constant 0 : index
      %swap3A_39 = memref.load %arg5[%swap3A_37, %swap3A_38] : memref<1x1xf32, #tpu.memory_space<smem>>
      memref.store %add3A, %arg5[%swap3A_37, %swap3A_38] : memref<1x1xf32, #tpu.memory_space<smem>>
    } else {
    }
    return
  }
  func.func @transform_0(%arg0: i32) -> (i32, i32) {
    %c0_i32 = arith.constant 0 : i32
    %c0_i32_0 = arith.constant 0 : i32
    return %arg0, %c0_i32 : i32, i32
  }
  func.func @transform_1(%arg0: i32) -> (i32, i32) {
    %c0_i32 = arith.constant 0 : i32
    %c0_i32_0 = arith.constant 0 : i32
    %c0_i32_1 = arith.constant 0 : i32
    return %c0_i32, %c0_i32_0 : i32, i32
  }
  func.func @transform_2(%arg0: i32) -> (i32, i32) {
    %c0_i32 = arith.constant 0 : i32
    %c0_i32_0 = arith.constant 0 : i32
    %c0_i32_1 = arith.constant 0 : i32
    return %c0_i32, %c0_i32_0 : i32, i32
  }
  func.func @transform_3(%arg0: i32) -> (i32, i32) {
    %c0_i32 = arith.constant 0 : i32
    %c0_i32_0 = arith.constant 0 : i32
    return %arg0, %c0_i32 : i32, i32
  }
  func.func @transform_4(%arg0: i32) -> (i32, i32) {
    %c0_i32 = arith.constant 0 : i32
    %c0_i32_0 = arith.constant 0 : i32
    %c0_i32_1 = arith.constant 0 : i32
    return %c0_i32, %c0_i32_0 : i32, i32
  }
  func.func @transform_5(%arg0: i32) -> (i32, i32) {
    %c0_i32 = arith.constant 0 : i32
    %c0_i32_0 = arith.constant 0 : i32
    %c0_i32_1 = arith.constant 0 : i32
    return %c0_i32, %c0_i32_0 : i32, i32
  }
}

</mosaic_0001>

<sc_bundles>
// kernel: kernel.5.cloned.1.call-start
scs
__scs_entry_jumppad:
0x0: {  	(pc) =	sbr.rel $0x88, $3  }
0x1: {  	(tag) =	ssettag $0x0;
	lr =	simm.s32 $0x1  }
0x2: {  	[smem:$0x3F9F] =	sst lr;
	_ =	strace $0xD0000000  }
0x3: {  	_ = 	snop  }
0x4: {  	_ = 	snop  }
0x5: {  	_ = 	snop  }
0x6: {  	_ = 	snop  }
0x7: {  	_ = 	snop  }
__scs_overlays_trampoline_lowered:
0x8: {  	[smem:$0x3FAE] =	sst s0  }
0x9: {  	[smem:$0x3FAF] =	sst s1  }
0xa: {  	[smem:$0x3FB0] =	sst s2  }
0xb: {  	[smem:$0x3FB1] =	sst s3  }
0xc: {  	[smem:$0x3FB2] =	sst s4  }
0xd: {  	[smem:$0x3FB3] =	sst s5  }
0xe: {  	[smem:$0x3FB4] =	sst s6  }
0xf: {  	[smem:$0x3FB5] =	sst s7  }
0x10: {  	[smem:$0x3FB6] =	sst s8  }
0x11: {  	[smem:$0x3FB7] =	sst s9;
	s0 =	simm.s32 @!p0 $0x0  }
0x12: {  	s1 =	sld [smem:$0x3F9D];
	s0 =	simm.s32 @p0 $0x1  }
0x13: {  	[smem:$0x3FB8] =	sst s0;
	s0 =	simm.s32 @!p1 $0x0  }
0x14: {  	s2 =	sld [smem:$0x3F9C];
	s0 =	simm.s32 @p1 $0x1  }
0x15: {  	[smem:$0x3FB9] =	sst s0;
	s0 =	simm.s32 @!p2 $0x0  }
0x16: {  	s3 =	sld [smem:$0x3FDB];
	s0 =	simm.s32 @p2 $0x1  }
0x17: {  	s4 =	simm.s32 $0x1BF5;
	[smem:$0x3FBB] =	sst s0  }
0x18: {  	s0 =	sld [smem:$0x3F9E];
	_ =	swait.ge [sflag:s4], $0x0  }
0x19: {  	s7 =	sld [smem:$0x3F9F]  }
0x1a: {  	s8 =	sadd.s32 $0xFFFFE003, lr  }
0x1b: {  	s9 =	sadd.s32 $0xFFFFFEF7, lr;
	s5 =	simm.s32 $0xFFFFFFFF;
	p2 =	slt.u32 s8, $0xFFFFF086  }
0x1c: {  	p1 =	slt.u32 s9, $0xF7A;
	s5 =	simm.s32 @!p2 $0x0  }
0x1d: {  	s5 =	simm.s32 @p1 $0x1;
	p0 =	seq.s32 s7, s2  }
0x1e: {  	s7 =	smul.u32 @!p0 $0xF7A, s2;
	p2 =	seq.s32 @!p0 s5, $0x0  }
0x1f: {  	s9 =	smul.u32 $0xF7A, s1;
	s8 =	simm.s32 @!p0 $0x1BF5;
	p2 =	por !p2, p0  }
0x20: {  	[sflag:s8] =	ssyncset.s32 @!p0 $0xFFFFF086;
	s6 =	sadd.s32 @!p0 s3, s7;
	s7 =	simm.s32 @!p0 $0x108  }
0x21: {  	s3 =	sadd.s32 s3, s9;
	s6 =	sadd.s32 @!p0 $0x88, s6;
	s7 =	simm.s32 @p2 $0x1082  }
0x22: {  	[simem:s7], [sflag:s8] =	dma.local @!p0 [hbm:s6], $0xF7A  }
0x23: {  	s9 =	sor.u32 $0xD0000000, s2;
	s6 =	simm.s32 $0x108;
	_ =	swait.ge @!p0 [sflag:s8], $0x0  }
0x24: {  	s3 =	sadd.s32 $0x88, s3;
	s6 =	simm.s32 @!p1 $0x1082;
	[sflag:s4] =	ssyncset.s32 $0xFFFFF086  }
0x25: {  	[simem:s6], [sflag:s4] =	dma.local [hbm:s3], $0xF7A  }
0x26: {  	[smem:$0x3F9F] =	sst s1;
	(tag) =	ssettag s2;
	_ =	strace s9  }
0x27: {  	s1 =	sld [smem:$0x3FAF]  }
0x28: {  	s2 =	sld [smem:$0x3FB0]  }
0x29: {  	s4 =	sld [smem:$0x3FB2]  }
0x2a: {  	p0 =	seq.s32 s5, $0x0;
	s5 =	sld [smem:$0x3FB3]  }
0x2b: {  	s6 =	sld [smem:$0x3FB4]  }
0x2c: {  	s7 =	sld [smem:$0x3FB5]  }
0x2d: {  	s3 =	simm.s32 $0x108;
	s8 =	sld [smem:$0x3FB6]  }
0x2e: {  	s3 =	simm.s32 @!p0 $0x1082;
	s9 =	sld [smem:$0x3FB7]  }
0x2f: {  	lr =	sadd.s32 s0, s3;
	s0 =	sld [smem:$0x3FAE]  }
0x30: {  	s3 =	sld [smem:$0x3FB1]  }
0x31: {  	[smem:$0x3FBA] =	sst s10  }
0x32: {  	s10 =	sld [smem:$0x3FB8];
	_ =	sdelay $0x3  }
0x33: {  	p0 =	seq.s32 s10, $0x1;
	s10 =	sld [smem:$0x3FBA];
	_ =	sdelay $0x3  }
0x34: {  	[smem:$0x3FBA] =	sst s10  }
0x35: {  	s10 =	sld [smem:$0x3FB9];
	_ =	sdelay $0x3  }
0x36: {  	p1 =	seq.s32 s10, $0x1;
	s10 =	sld [smem:$0x3FBA];
	_ =	sdelay $0x3  }
0x37: {  	[smem:$0x3FBA] =	sst s10  }
0x38: {  	s10 =	sld [smem:$0x3FBB]  }
0x39: {  	_ = 	snop;
	(pc) =	sbr.ind lr, $3  }
0x3a: {  	_ = 	snop  }
0x3b: {  	_ = 	snop  }
0x3c: {  	p2 =	seq.s32 s10, $0x1;
	s10 =	sld [smem:$0x3FBA]  }
0x3d: {  	_ =	shalt  }
0x3e: {  	_ =	shalt  }
0x3f: {  	_ =	shalt  }
0x40: {  	_ =	shalt  }
0x41: {  	_ =	shalt  }
0x42: {  	_ =	shalt  }
0x43: {  	_ =	shalt  }
0x44: {  	_ =	shalt  }
0x45: {  	_ =	shalt  }
0x46: {  	_ =	shalt  }
0x47: {  	_ =	shalt  }
0x48: {  	_ =	shalt  }
0x49: {  	_ =	shalt  }
0x4a: {  	_ =	shalt  }
0x4b: {  	_ =	shalt  }
0x4c: {  	_ =	shalt  }
0x4d: {  	_ =	shalt  }
0x4e: {  	_ =	shalt  }
0x4f: {  	_ =	shalt  }
0x50: {  	_ =	shalt  }
0x51: {  	_ =	shalt  }
0x52: {  	_ =	shalt  }
0x53: {  	_ =	shalt  }
0x54: {  	_ =	shalt  }
0x55: {  	_ =	shalt  }
0x56: {  	_ =	shalt  }
0x57: {  	_ =	shalt  }
0x58: {  	_ =	shalt  }
0x59: {  	_ =	shalt  }
0x5a: {  	_ =	shalt  }
0x5b: {  	_ =	shalt  }
0x5c: {  	_ =	shalt  }
0x5d: {  	_ =	shalt  }
0x5e: {  	_ =	shalt  }
0x5f: {  	_ =	shalt  }
0x60: {  	_ =	shalt  }
0x61: {  	_ =	shalt  }
0x62: {  	_ =	shalt  }
0x63: {  	_ =	shalt  }
0x64: {  	_ =	shalt  }
0x65: {  	_ =	shalt  }
0x66: {  	_ =	shalt  }
0x67: {  	_ =	shalt  }
0x68: {  	_ =	shalt  }
0x69: {  	_ =	shalt  }
0x6a: {  	_ =	shalt  }
0x6b: {  	_ =	shalt  }
0x6c: {  	_ =	shalt  }
0x6d: {  	_ =	shalt  }
0x6e: {  	_ =	shalt  }
0x6f: {  	_ =	shalt  }
0x70: {  	_ =	shalt  }
0x71: {  	_ =	shalt  }
0x72: {  	_ =	shalt  }
0x73: {  	_ =	shalt  }
0x74: {  	_ =	shalt  }
0x75: {  	_ =	shalt  }
0x76: {  	_ =	shalt  }
0x77: {  	_ =	shalt  }
0x78: {  	_ =	shalt  }
0x79: {  	_ =	shalt  }
0x7a: {  	_ =	shalt  }
0x7b: {  	_ =	shalt  }
0x7c: {  	_ =	shalt  }
0x7d: {  	_ =	shalt  }
0x7e: {  	_ =	shalt  }
0x7f: {  	_ =	shalt  }
0x80: {  	_ =	shalt  }
0x81: {  	_ =	shalt  }
0x82: {  	_ =	shalt  }
0x83: {  	_ =	shalt  }
0x84: {  	_ =	shalt  }
0x85: {  	_ =	shalt  }
0x86: {  	_ =	shalt  }
0x87: {  	_ =	shalt  }
.Lfunc_end0:
.L_simem_size_0:
called_computation_lowered:
.L_overlay_start_0:
0x88: {  	s0 =	sld [smem:$0x3FD9]  }
0x89: {  	s1 =	sld [smem:$0x3FFE];
	_ =	sdelay $0x3  }
0x8a: {  	s0 =	sadd.s32 s1, s0  }
0x8b: {  	[smem:$0x3FC6] =	sst s0  }
0x8c: {  	_ = 	snop  }
0x8d: {  	s0 =	sld [smem:$0x3FD0];
	_ =	sdelay $0x2  }
0x8e: {  	s13 =	simm.s32 $0xA;
	s2 =	simm.s32 $0x10  }
0x8f: {  	[smem:s2], [sflag:s13] =	dma.local [hbm:s0], $0x1  }
0x90: {  	_ =	swait.eq [sflag:s13], $0x1  }
0x91: {  	[sflag:s13] =	ssyncset.done $0x0  }
0x92: {  	[sflag:s13] =	ssyncadd.s32 $0xFFFFFFFF  }
0x93: {  	s14 =	sld [smem:$0x10];
	(tm) =	ssettm $0x1  }
0x94: {  	s15 =	sld [smem:$0x3FFB];
	_ =	sdelay $0x3  }
0x95: {  	_ =	strace s15  }
0x96: {  	s1 =	sld [smem:$0x3FFC];
	_ =	sdelay $0x3  }
0x97: {  	_ =	strace s1  }
0x98: {  	s1 =	sld [smem:$0x3FFD];
	_ =	sdelay $0x3  }
0x99: {  	_ =	strace s1  }
0x9a: {  	_ =	strace $0x8FFFFFFF  }
0x9b: {  	s16 =	sld [smem:$0x3FDB];
	_ =	sdelay $0x1  }
0x9c: {  	s17 =	simm.s32 $_scs_section_size  }
0x9d: {  	s3 =	simm.s32 $_size__tile_overlayer_lowered;
	s4 =	simm.s32 $_tile_overlayer_lowered  }
0x9e: {  	s20 =	simm.s32 $0x1BFF;
	s19 =	sshll.u32 s4, $0x1;
	s1 =	sadd.s32 s17, s16  }
0x9f: {  	s5 =	simm.s32 $0x0;
	s18 =	sshll.u32 s3, $0x1;
	s3 =	sadd.s32 s19, s1  }
0xa0: {  	[timem:s5], [sflag:s20] =	dma.local [hbm:s3], s18  }
0xa1: {  	_ =	swait.ge [sflag:s20], s18  }
0xa2: {  	s2 =	ssub.s32 $0x0, s18;
	[sflag:s20] =	ssyncset.done $0x0  }
0xa3: {  	[sflag:s20] =	ssyncadd.s32 s2;
	_ =	sdelay $0x1  }
0xa4: {  	s21 =	simm.s32 $0x1B8B  }
0xa5: {  	_ =	swait.ge [sflag:s21], $0x1  }
0xa6: {  	[sflag:s21] =	ssyncset.done $0x0  }
0xa7: {  	s23 =	simm.s32 $0x1B8E;
	s22 =	sld [smem:$0x3FFE];
	[sflag:s21] =	ssyncadd.s32 $0xFFFFFFFF  }
0xa8: {  	s24 =	simm.s32 $execute0_lowered;
	[smem:$0x3FD2] =	sst s23  }
0xa9: {  	s3 =	sshll.u32 s24, $0x1;
	_ =	strace $0x80000046;
	[dreg:$0x1] =	wrdreg $0xFFFFFFFF  }
0xaa: {  	s25 =	simm.s32 $_size_execute0_lowered;
	s1 =	sadd.s32 s1, s3;
	[dreg:$0x0] =	wrdreg $0x0  }
0xab: {  	s3 =	sshll.u32 s25, $0x1;
	[dreg:$0x2] =	wrdreg s1  }
0xac: {  	[dreg:$0x3] =	wrdreg s3  }
0xad: {  	[dreg:$0x4] =	wrdreg $0xC0  }
0xae: {  	_ =	task [dreg:s5], $0x5FFFF  }
0xaf: {  	[dreg:$0x1] =	wrdreg $0xFFFFFFFF  }
0xb0: {  	[dreg:$0x0] =	wrdreg $0x60  }
0xb1: {  	[dreg:$0x2] =	wrdreg s14  }
0xb2: {  	[dreg:$0x3] =	wrdreg s22  }
0xb3: {  	[dreg:$0x4] =	wrdreg $0x9  }
0xb4: {  	_ =	task.clear_ibuf [dreg:s5], $0x5FFFF;
	_ =	strace $0x90000046  }
0xb5: {  	s26 =	simm.s32 $0x9;
	_ =	strace $0x80000048  }
0xb6: {  	_ =	swait.ge [sflag:s26], $0x1  }
0xb7: {  	[sflag:s26] =	ssyncadd.s32 $0xFFFFFFFF  }
0xb8: {  	_ =	strace $0x90000048  }
0xb9: {  	_ =	sfence  }
0xba: {  	s28 =	sld [smem:$0x0];
	_ =	sdelay $0x1  }
0xbb: {  	s29 =	srdreg.scid  }
0xbc: {  	s30 =	sshll.u32 s29, $0xD;
	s31 =	sshrl.u32 s29, $0x2  }
0xbd: {  	s2 =	sand.u32 $0x4000, s30;
	s1 =	sand.u32 $0x1, s29;
	s0 =	sadd.s32 s31, s28  }
0xbe: {  	s1 =	sor.u32 s2, s1;
	s0 =	sshll.u32 s0, $0x11  }
0xbf: {  	s0 =	sor.u32 s0, s1  }
0xc0: {  	s0 =	sadd.s32 $0x8F2B, s0  }
0xc1: {  	[sflag:s0] =	ssyncadd.remote.s32 $0x1  }
0xc2: {  	_ =	sfence.sel $0xFFFF  }
0xc3: {  	[dreg:$0x0] =	wrdreg $0xFFFFFFFF;
	(pc) =	sbr.abs _section_cstart, $3  }
0xc4: {  	[dreg:$0x1] =	wrdreg $0xFFFFFFFF  }
0xc5: {  	_ =	task.clear_ibuf [dreg:s5], $0x2FFFF;
	_ =	strace $0x9FFFFFFF  }
0xc6: {  	(tm) =	ssettm $0x7FFFFFFF  }
0xc7: {  	_ =	shalt  }
tec
execute0_lowered:
.L_overlay_start_1:
0x0: {  	(tag) =	ssettag $0x1  }
0x1: {  	s3 =	rddreg [dreg:$0x0]  }
0x2: {  	s2 =	rddreg [dreg:$0x1];
	s4 =	simm.s32 $0x0;
	s1 =	stileid.u32  }
0x3: {  	[smem:$0x7FF] =	sst s4;
	s5 =	sshll.u32 s1, $0xD  }
0x4: {  	s0 =	rddreg [dreg:$0x2];
	_ =	strace $0x80000047;
	s3 =	sadd.s32 s3, s5  }
0x5: {  	[tilespmem:s4], [sflag:$0x1] =	stream.linear.gather [hbm4b:s3+s4], $0x3000, $0x38;
	[tilespmem:$0x10310] =	vst v63  }
0x6: {  	s6 =	simm.s32 $0x3000;
	s5 =	sadd.s32 $0x600, s3  }
0x7: {  	[tilespmem:s6], [sflag:$0x2] =	stream.linear.gather [hbm4b:s5+s4], $0x5000, $0x38;
	[tilespmem:$0x10310] =	vst v63  }
0x8: {  	s29 =	simm.s32 $0x8000;
	v0 =	vimm.s32 $0x100;
	s30 =	simm.s32 $0x1;
	s3 =	sadd.s32 $0x1000, s3  }
0x9: {  	v1 =	vimm.s32 $0x101;
	[tilespmem:s29], [sflag:$0x3] =	stream.linear.gather [hbm4b:s3+s4], $0x8000, $0x38;
	[tilespmem:$0x10310] =	vst v63  }
0xa: {  	_ =	swait.ge [sflag:s30], $0x3000  }
0xb: {  	[sflag:s30] =	ssyncset.done $0x0  }
0xc: {  	[sflag:s30] =	ssyncadd.s32 $0xFFFFD000  }
0xd: {  	v0 =	vld.idx.msk [tilespmem:v0+s4+$0x0], $0xffff  }
0xe: {  	v1 =	vld.idx.msk [tilespmem:v1+s4+$0x0], $0xffff;
	_ =	sdelay $0x2  }
0xf: {  	v2 =	vimm.s32 $0x200  }
0x10: {  	v3 =	vimm.s32 $0x201  }
0x11: {  	v4 =	vimm.s32 $0x202;
	vm0 =	vle.f32 v0, v1  }
0x12: {  	v5 =	vimm.s32 $0x300;
	vm0 =	vmneg vm0  }
0x13: {  	v6 =	vimm.s32 $0x1;
	v8 =	vimm.s32 $0x302;
	v5 =	vsel vm0, $0x301, v5  }
0x14: {  	v2 =	vld.idx.msk [tilespmem:v2+s4+$0x0], $0xffff;
	v6 =	vsel vm0, $0x2, v6;
	v8 =	vsel vm0, $0x303, v8  }
0x15: {  	v3 =	vld.idx.msk [tilespmem:v3+s4+$0x0], $0xffff;
	v7 =	vor.u32 $0x300, v6  }
0x16: {  	v4 =	vld.idx.msk [tilespmem:v4+s4+$0x0], $0xffff;
	_ =	sdelay $0x1  }
0x17: {  	v5 =	vld.idx.msk [tilespmem:v5+s4+$0x0], $0xffff  }
0x18: {  	v8 =	vld.idx.msk [tilespmem:v8+s4+$0x0], $0xffff  }
0x19: {  	v7 =	vld.idx.msk [tilespmem:v7+s4+$0x0], $0xffff  }
0x1a: {  	v9 =	vimm.s32 $0x0;
	v2 =	vsel vm0, v3, v2;
	v3 =	vsel vm0, v4, v3  }
0x1b: {  	v26 =	vsel vm0, $0x1, v9;
	vm8 =	vle.f32 v2, v3  }
0x1c: {  	v27 =	vsel vm8, v26, v6  }
0x1d: {  	v6 =	vor.u32 $0x400, v27  }
0x1e: {  	v10 =	vadd.s32 $0x401, v27;
	v4 =	vsel vm8, v5, v7;
	v5 =	vsel vm8, v7, v8  }
0x1f: {  	v11 =	vadd.s32 $0x402, v27;
	vm1 =	vle.f32 v4, v5  }
0x20: {  	vm9 =	vmneg vm1  }
0x21: {  	v47 =	vsel vm9, $0x1, v9  }
0x22: {  	v6 =	vld.idx.msk [tilespmem:v6+s4+$0x0], $0xffff;
	v28 =	vadd.s32 v47, v27  }
0x23: {  	v46 =	vld.idx.msk [tilespmem:v10+s4+$0x0], $0xffff;
	v8 =	vor.u32 $0x500, v28  }
0x24: {  	v48 =	vld.idx.msk [tilespmem:v11+s4+$0x0], $0xffff;
	v49 =	vadd.s32 $0x501, v28  }
0x25: {  	v50 =	vadd.s32 $0x502, v28;
	_ =	sdelay $0x2  }
0x26: {  	v8 =	vld.idx.msk [tilespmem:v8+s4+$0x0], $0xffff  }
0x27: {  	v6 =	vsel vm9, v46, v6;
	v7 =	vsel vm9, v48, v46;
	v10 =	vld.idx.msk [tilespmem:v49+s4+$0x0], $0xffff  }
0x28: {  	vm10 =	vle.f32 v6, v7;
	v51 =	vadd.s32 $0x1, v28;
	v52 =	vld.idx.msk [tilespmem:v50+s4+$0x0], $0xffff  }
0x29: {  	v29 =	vsel vm10, v28, v51  }
0x2a: {  	v53 =	vor.u32 $0x600, v29  }
0x2b: {  	v12 =	vadd.s32 $0x601, v29  }
0x2c: {  	v13 =	vadd.s32 $0x602, v29  }
0x2d: {  	v8 =	vsel vm10, v8, v10;
	v9 =	vsel vm10, v10, v52  }
0x2e: {  	v55 =	vadd.s32 $0x1, v29;
	vm11 =	vle.f32 v8, v9  }
0x2f: {  	v54 =	vld.idx.msk [tilespmem:v53+s4+$0x0], $0xffff;
	v30 =	vsel vm11, v29, v55  }
0x30: {  	v12 =	vld.idx.msk [tilespmem:v12+s4+$0x0], $0xffff;
	v14 =	vor.u32 $0x700, v30  }
0x31: {  	v13 =	vld.idx.msk [tilespmem:v13+s4+$0x0], $0xffff;
	v15 =	vadd.s32 $0x701, v30  }
0x32: {  	v16 =	vadd.s32 $0x702, v30;
	_ =	sdelay $0x2  }
0x33: {  	v56 =	vld.idx.msk [tilespmem:v14+s4+$0x0], $0xffff  }
0x34: {  	v10 =	vsel vm11, v54, v12;
	v11 =	vsel vm11, v12, v13;
	v59 =	vld.idx.msk [tilespmem:v15+s4+$0x0], $0xffff  }
0x35: {  	v57 =	vadd.s32 $0x1, v30;
	vm6 =	vle.f32 v10, v11;
	v60 =	vld.idx.msk [tilespmem:v16+s4+$0x0], $0xffff  }
0x36: {  	v31 =	vsel vm6, v30, v57  }
0x37: {  	v61 =	vor.u32 $0x800, v31  }
0x38: {  	v62 =	vadd.s32 $0x801, v31  }
0x39: {  	v17 =	vadd.s32 $0x802, v31  }
0x3a: {  	v12 =	vsel vm6, v56, v59;
	v13 =	vsel vm6, v59, v60  }
0x3b: {  	v23 =	vadd.s32 $0x1, v31;
	vm1 =	vle.f32 v12, v13  }
0x3c: {  	v63 =	vld.idx.msk [tilespmem:v61+s4+$0x0], $0xffff;
	v32 =	vsel vm1, v31, v23  }
0x3d: {  	v16 =	vld.idx.msk [tilespmem:v62+s4+$0x0], $0xffff;
	v24 =	vor.u32 $0x900, v32  }
0x3e: {  	v17 =	vld.idx.msk [tilespmem:v17+s4+$0x0], $0xffff;
	v19 =	vadd.s32 $0x901, v32  }
0x3f: {  	v20 =	vadd.s32 $0x902, v32;
	_ =	sdelay $0x1  }
0x40: {  	v58 =	vimm.s32 $0x0  }
0x41: {  	v14 =	vsel vm6, $0xFFFFFFFF, v58;
	v25 =	vld.idx.msk [tilespmem:v24+s4+$0x0], $0xffff  }
0x42: {  	v18 =	vimm.s32 $0x0;
	[tilespmem:$0x1FE70] =	vst v14;
	v14 =	vsel vm1, v63, v16;
	v15 =	vsel vm1, v16, v17;
	v38 =	vld.idx.msk [tilespmem:v19+s4+$0x0], $0xffff  }
0x43: {  	v18 =	vsel vm1, $0xFFFFFFFF, v18;
	v36 =	vadd.s32 $0x1, v32;
	vm1 =	vle.f32 v14, v15;
	v39 =	vld.idx.msk [tilespmem:v20+s4+$0x0], $0xffff  }
0x44: {  	v33 =	vsel vm1, v32, v36  }
0x45: {  	v40 =	vadd.s32 $0xA00, v33  }
0x46: {  	v41 =	vadd.s32 $0xA01, v33  }
0x47: {  	v21 =	vadd.s32 $0xA02, v33  }
0x48: {  	v37 =	vimm.s32 $0x0;
	v16 =	vsel vm1, v25, v38;
	v17 =	vsel vm1, v38, v39  }
0x49: {  	[tilespmem:$0x1FE80] =	vst v18;
	v18 =	vsel vm1, $0xFFFFFFFF, v37;
	v43 =	vadd.s32 $0x1, v33;
	vm1 =	vle.f32 v16, v17  }
0x4a: {  	v42 =	vld.idx.msk [tilespmem:v40+s4+$0x0], $0xffff;
	v34 =	vsel vm1, v33, v43  }
0x4b: {  	v20 =	vld.idx.msk [tilespmem:v41+s4+$0x0], $0xffff;
	v44 =	vadd.s32 $0xB00, v34  }
0x4c: {  	v21 =	vld.idx.msk [tilespmem:v21+s4+$0x0], $0xffff;
	v23 =	vadd.s32 $0xB01, v34  }
0x4d: {  	v24 =	vadd.s32 $0xB02, v34;
	_ =	sdelay $0x2  }
0x4e: {  	v45 =	vld.idx.msk [tilespmem:v44+s4+$0x0], $0xffff  }
0x4f: {  	v22 =	vimm.s32 $0x0;
	[tilespmem:$0x1FE90] =	vst v18;
	v18 =	vsel vm1, v42, v20;
	v19 =	vsel vm1, v20, v21;
	v48 =	vld.idx.msk [tilespmem:v23+s4+$0x0], $0xffff  }
0x50: {  	v22 =	vsel vm1, $0xFFFFFFFF, v22;
	v46 =	vadd.s32 $0x1, v34;
	vm1 =	vle.f32 v18, v19;
	v49 =	vld.idx.msk [tilespmem:v24+s4+$0x0], $0xffff  }
0x51: {  	v35 =	vsel vm1, v34, v46  }
0x52: {  	v50 =	vadd.s32 $0xC00, v35  }
0x53: {  	v51 =	vadd.s32 $0xC01, v35  }
0x54: {  	v25 =	vadd.s32 $0xC02, v35  }
0x55: {  	v47 =	vimm.s32 $0x0;
	v20 =	vsel vm1, v45, v48;
	v21 =	vsel vm1, v48, v49  }
0x56: {  	v36 =	vimm.s32 $0x0;
	[tilespmem:$0x1FEA0] =	vst v22;
	v22 =	vsel vm1, $0xFFFFFFFF, v47;
	vm1 =	vle.f32 v20, v21  }
0x57: {  	v53 =	vadd.s32 $0x1, v35;
	v52 =	vld.idx.msk [tilespmem:v50+s4+$0x0], $0xffff;
	v36 =	vsel vm1, $0xFFFFFFFF, v36  }
0x58: {  	v24 =	vld.idx.msk [tilespmem:v51+s4+$0x0], $0xffff;
	[tilespmem:$0x1FEC0] =	vst v36;
	v36 =	vsel vm1, v35, v53  }
0x59: {  	v25 =	vld.idx.msk [tilespmem:v25+s4+$0x0], $0xffff;
	v37 =	vadd.s32 $0xD00, v36  }
0x5a: {  	v38 =	vadd.s32 $0xD01, v36  }
0x5b: {  	vm4 =	vmmov $0x3;
	vm13 =	vmmov $0x7;
	v39 =	vadd.s32 $0xD02, v36  }
0x5c: {  	vm5 =	vmmov $0xf;
	vm12 =	vmmov $0x3ff;
	v42 =	vlaneseq.u32  }
0x5d: {  	v56 =	vimm.s32 $0x0;
	vm6 =	vmmov $0x1f;
	vm7 =	veq.s32 v42, $0x0  }
0x5e: {  	v42 =	vimm.s32 $0x0;
	[tilespmem:$0x1FEB0] =	vst v22;
	v22 =	vsel vm1, v52, v24;
	v23 =	vsel vm1, v24, v25;
	v54 =	vld.idx.msk [tilespmem:v37+s4+$0x0], $0xffff  }
0x5f: {  	v26 =	vsel vm7, $0x0, v26;
	vm1 =	vle.f32 v22, v23;
	v55 =	vadd.s32 $0x1, v36;
	v57 =	vld.idx.msk [tilespmem:v38+s4+$0x0], $0xffff  }
0x60: {  	v46 =	vimm.s32 $0x0;
	v26 =	vsel vm4, v26, v27;
	v38 =	vsel vm1, v36, v55;
	v58 =	vld.idx.msk [tilespmem:v39+s4+$0x0], $0xffff  }
0x61: {  	vm7 =	vmmov $0x3f;
	v28 =	vsel vm13, v26, v28;
	v59 =	vadd.s32 $0xE00, v38  }
0x62: {  	v28 =	vsel vm5, v28, v29;
	v44 =	vimm.s32 $0x0;
	v40 =	vadd.s32 $0xE01, v38  }
0x63: {  	v28 =	vsel vm6, v28, v30;
	v44 =	vsel vm4, $0xFFFFFFFF, v44;
	v41 =	vadd.s32 $0xE02, v38  }
0x64: {  	v28 =	vsel vm7, v28, v31;
	vm4 =	vmmov $0x7f;
	v50 =	vimm.s32 $0x0  }
0x65: {  	v28 =	vsel vm4, v28, v32;
	v24 =	vsel vm1, v54, v57;
	v25 =	vsel vm1, v57, v58  }
0x66: {  	[tilespmem:$0x1FF20] =	vst v44;
	v44 =	vimm.s32 $0x0;
	v61 =	vadd.s32 $0x1, v38;
	v60 =	vld.idx.msk [tilespmem:v59+s4+$0x0], $0xffff;
	vm2 =	vle.f32 v24, v25  }
0x67: {  	v45 =	vimm.s32 $0x0;
	v53 =	vimm.s32 $0x0;
	v40 =	vld.idx.msk [tilespmem:v40+s4+$0x0], $0xffff;
	v39 =	vsel vm2, v38, v61  }
0x68: {  	v30 =	vsel vm7, $0xFFFFFFFF, v53;
	vm7 =	vmmov $0x7ff;
	v41 =	vld.idx.msk [tilespmem:v41+s4+$0x0], $0xffff;
	v43 =	vadd.s32 $0xF00, v39  }
0x69: {  	[tilespmem:$0x1FF60] =	vst v30;
	v37 =	vsel vm1, $0xFFFFFFFF, v56;
	v55 =	vimm.s32 $0x0;
	v62 =	vadd.s32 $0xF01, v39  }
0x6a: {  	[tilespmem:$0x1FED0] =	vst v37;
	v37 =	vsel vm5, $0xFFFFFFFF, v46;
	v30 =	vsel vm4, $0xFFFFFFFF, v55;
	v63 =	vadd.s32 $0xF02, v39  }
0x6b: {  	vm5 =	vmmov $0xff;
	vm4 =	vmmov $0xfff;
	v46 =	vimm.s32 $0x0  }
0x6c: {  	[tilespmem:$0x1FF40] =	vst v37;
	v28 =	vsel vm5, v28, v33;
	v37 =	vimm.s32 $0x0;
	v26 =	vsel vm2, $0xFFFFFFFF, v45  }
0x6d: {  	v57 =	vimm.s32 $0x0;
	[tilespmem:$0x1FEE0] =	vst v26;
	v26 =	vsel vm2, v60, v40;
	v27 =	vsel vm2, v40, v41;
	v47 =	vld.idx.msk [tilespmem:v43+s4+$0x0], $0xffff  }
0x6e: {  	v58 =	vimm.s32 $0x0;
	v48 =	vadd.s32 $0x1, v39;
	vm2 =	vle.f32 v26, v27;
	v49 =	vld.idx.msk [tilespmem:v62+s4+$0x0], $0xffff  }
0x6f: {  	[tilespmem:$0x1FF70] =	vst v30;
	v30 =	vsel vm5, $0xFFFFFFFF, v57;
	v59 =	vimm.s32 $0x0;
	v40 =	vsel vm2, v39, v48;
	v51 =	vld.idx.msk [tilespmem:v63+s4+$0x0], $0xffff  }
0x70: {  	v41 =	vsel vm6, $0xFFFFFFFF, v50;
	vm6 =	vmmov $0x1ff;
	v52 =	vadd.s32 $0x1000, v40  }
0x71: {  	vm5 =	vmmov $0x1fff;
	[tilespmem:$0x1FF80] =	vst v30;
	v30 =	vsel vm6, $0xFFFFFFFF, v58;
	v54 =	vadd.s32 $0x1001, v40  }
0x72: {  	v28 =	vsel vm6, v28, v34;
	vm6 =	vmmov $0x3fff;
	v56 =	vadd.s32 $0x1002, v40  }
0x73: {  	[tilespmem:$0x1FF90] =	vst v30;
	v28 =	vsel vm12, v28, v35;
	v30 =	vsel vm2, $0xFFFFFFFF, v59;
	v63 =	vimm.s32 $0x0  }
0x74: {  	[tilespmem:$0x1FEF0] =	vst v30;
	v61 =	vadd.s32 $0x1, v40;
	v30 =	vsel vm2, v47, v49;
	v31 =	vsel vm2, v49, v51  }
0x75: {  	[tilespmem:$0x1FF50] =	vst v41;
	v34 =	vsel vm7, $0xFFFFFFFF, v63;
	v28 =	vsel vm7, v28, v36;
	v60 =	vld.idx.msk [tilespmem:v52+s4+$0x0], $0xffff;
	vm2 =	vle.f32 v30, v31  }
0x76: {  	vm7 =	vmmov $0x7fff;
	[tilespmem:$0x1FFB0] =	vst v34;
	v34 =	vsel vm4, $0xFFFFFFFF, v37;
	v62 =	vld.idx.msk [tilespmem:v54+s4+$0x0], $0xffff;
	v33 =	vsel vm2, v40, v61  }
0x77: {  	v28 =	vsel vm4, v28, v38;
	[tilespmem:$0x1FFC0] =	vst v34;
	v34 =	vsel vm5, $0xFFFFFFFF, v42;
	v32 =	vld.idx.msk [tilespmem:v56+s4+$0x0], $0xffff;
	v41 =	vadd.s32 $0x1100, v33  }
0x78: {  	v28 =	vsel vm5, v28, v39;
	[tilespmem:$0x1FFD0] =	vst v34;
	v34 =	vsel vm6, $0xFFFFFFFF, v44;
	v43 =	vadd.s32 $0x1101, v33  }
0x79: {  	v28 =	vsel vm6, v28, v40;
	[tilespmem:$0x1FFE0] =	vst v34;
	v34 =	vsel vm7, $0xFFFFFFFF, v46;
	v45 =	vadd.s32 $0x1102, v33  }
0x7a: {  	v47 =	vimm.s32 $0x0;
	[tilespmem:$0x1FFF0] =	vst v34;
	v28 =	vsel vm7, v28, v33  }
0x7b: {  	v48 =	vld.msk [tilespmem:s4+$0x0], $0xffff;
	v34 =	vsel vm2, $0xFFFFFFFF, v47;
	[tilespmem:$0x10200] =	vst v28  }
0x7c: {  	[tilespmem:$0x1FF00] =	vst v34;
	v34 =	vsel vm2, v60, v62;
	v35 =	vsel vm2, v62, v32;
	v49 =	vld.idx.msk [tilespmem:v41+s4+$0x0], $0xffff  }
0x7d: {  	v50 =	vadd.s32 $0x1, v33;
	vm15 =	vle.f32 v34, v35;
	v51 =	vld.idx.msk [tilespmem:v43+s4+$0x0], $0xffff  }
0x7e: {  	v28 =	vsel vm15, v33, v50;
	v52 =	vld.idx.msk [tilespmem:v45+s4+$0x0], $0xffff  }
0x7f: {  	v53 =	vadd.s32 $0x1200, v28  }
0x80: {  	v54 =	vadd.s32 $0x1201, v28  }
0x81: {  	v55 =	vadd.s32 $0x1202, v28;
	_ =	sdelay $0x1  }
0x82: {  	v37 =	vsel vm15, v49, v51;
	v38 =	vsel vm15, v51, v52  }
0x83: {  	v57 =	vadd.s32 $0x1, v28;
	v56 =	vld.idx.msk [tilespmem:v53+s4+$0x0], $0xffff;
	vm5 =	vle.f32 v37, v38  }
0x84: {  	v58 =	vld.idx.msk [tilespmem:v54+s4+$0x0], $0xffff;
	v29 =	vsel vm5, v28, v57  }
0x85: {  	v59 =	vld.idx.msk [tilespmem:v55+s4+$0x0], $0xffff;
	v60 =	vadd.s32 $0x1300, v29  }
0x86: {  	v61 =	vadd.s32 $0x1301, v29  }
0x87: {  	v62 =	vadd.s32 $0x1302, v29;
	_ =	sdelay $0x2  }
0x88: {  	v39 =	vsel vm5, v56, v58;
	v41 =	vsel vm5, v58, v59;
	v63 =	vld.idx.msk [tilespmem:v60+s4+$0x0], $0xffff  }
0x89: {  	v49 =	vadd.s32 $0x1, v29;
	vm6 =	vle.f32 v39, v41;
	v50 =	vld.idx.msk [tilespmem:v61+s4+$0x0], $0xffff  }
0x8a: {  	v32 =	vsel vm6, v29, v49;
	v51 =	vld.idx.msk [tilespmem:v62+s4+$0x0], $0xffff  }
0x8b: {  	v52 =	vadd.s32 $0x1400, v32  }
0x8c: {  	v45 =	vadd.s32 $0x1401, v32  }
0x8d: {  	v46 =	vadd.s32 $0x1402, v32;
	_ =	sdelay $0x1  }
0x8e: {  	v43 =	vsel vm6, v63, v50;
	v44 =	vsel vm6, v50, v51  }
0x8f: {  	v54 =	vadd.s32 $0x1, v32;
	v53 =	vld.idx.msk [tilespmem:v52+s4+$0x0], $0xffff;
	vm4 =	vle.f32 v43, v44  }
0x90: {  	v55 =	vld.idx.msk [tilespmem:v45+s4+$0x0], $0xffff;
	v33 =	vsel vm4, v32, v54  }
0x91: {  	v56 =	vld.idx.msk [tilespmem:v46+s4+$0x0], $0xffff;
	v47 =	vadd.s32 $0x1500, v33  }
0x92: {  	v49 =	vadd.s32 $0x1501, v33  }
0x93: {  	v50 =	vadd.s32 $0x1502, v33;
	_ =	sdelay $0x2  }
0x94: {  	v45 =	vsel vm4, v53, v55;
	v46 =	vsel vm4, v55, v56;
	v57 =	vld.idx.msk [tilespmem:v47+s4+$0x0], $0xffff  }
0x95: {  	v58 =	vadd.s32 $0x1, v33;
	vm7 =	vle.f32 v45, v46;
	v59 =	vld.idx.msk [tilespmem:v49+s4+$0x0], $0xffff  }
0x96: {  	v36 =	vsel vm7, v33, v58;
	v60 =	vld.idx.msk [tilespmem:v50+s4+$0x0], $0xffff  }
0x97: {  	v61 =	vadd.s32 $0x1600, v36  }
0x98: {  	v62 =	vadd.s32 $0x1601, v36  }
0x99: {  	v51 =	vadd.s32 $0x1602, v36;
	_ =	sdelay $0x1  }
0x9a: {  	v52 =	vsel vm7, v57, v59;
	v53 =	vsel vm7, v59, v60  }
0x9b: {  	v56 =	vadd.s32 $0x1, v36;
	v63 =	vld.idx.msk [tilespmem:v61+s4+$0x0], $0xffff;
	vm3 =	vle.f32 v52, v53  }
0x9c: {  	v57 =	vld.idx.msk [tilespmem:v62+s4+$0x0], $0xffff;
	v40 =	vsel vm3, v36, v56  }
0x9d: {  	v58 =	vld.idx.msk [tilespmem:v51+s4+$0x0], $0xffff;
	v59 =	vadd.s32 $0x1700, v40  }
0x9e: {  	v60 =	vadd.s32 $0x1701, v40  }
0x9f: {  	v54 =	vadd.s32 $0x1702, v40;
	_ =	sdelay $0x2  }
0xa0: {  	v55 =	vsel vm3, v63, v57;
	v49 =	vsel vm3, v57, v58;
	v47 =	vld.idx.msk [tilespmem:v59+s4+$0x0], $0xffff  }
0xa1: {  	v61 =	vadd.s32 $0x1, v40;
	vm14 =	vle.f32 v55, v49;
	v62 =	vld.idx.msk [tilespmem:v60+s4+$0x0], $0xffff  }
0xa2: {  	v42 =	vsel vm14, v40, v61;
	v63 =	vld.idx.msk [tilespmem:v54+s4+$0x0], $0xffff  }
0xa3: {  	v60 =	vadd.s32 $0x1800, v42  }
0xa4: {  	v56 =	vadd.s32 $0x1801, v42  }
0xa5: {  	v57 =	vadd.s32 $0x1802, v42;
	_ =	sdelay $0x1  }
0xa6: {  	v58 =	vsel vm14, v47, v62;
	v50 =	vsel vm14, v62, v63  }
0xa7: {  	v61 =	vadd.s32 $0x1, v42;
	v51 =	vld.idx.msk [tilespmem:v60+s4+$0x0], $0xffff;
	vm2 =	vle.f32 v58, v50  }
0xa8: {  	v62 =	vld.idx.msk [tilespmem:v56+s4+$0x0], $0xffff;
	v47 =	vsel vm2, v42, v61  }
0xa9: {  	v63 =	vld.idx.msk [tilespmem:v57+s4+$0x0], $0xffff;
	v61 =	vadd.s32 $0x1902, v47  }
0xaa: {  	v0 =	vsel vm0, v1, v0  }
0xab: {  	v0 =	vadd.f32 v0, v48  }
0xac: {  	v2 =	vsel vm8, v2, v3  }
0xad: {  	v4 =	vsel vm9, v5, v4;
	v0 =	vadd.f32 v2, v0;
	v59 =	vld [tilespmem:$0x1FE70];
	v60 =	vadd.s32 $0x1900, v47  }
0xae: {  	v1 =	vadd.s32 $0x1901, v47;
	v2 =	vsel vm2, v51, v62;
	v3 =	vsel vm2, v62, v63;
	v63 =	vld.idx.msk [tilespmem:v61+s4+$0x0], $0xffff  }
0xaf: {  	v0 =	vadd.f32 v4, v0;
	v62 =	vadd.s32 $0x1, v47;
	vm8 =	vle.f32 v2, v3;
	v61 =	vld [tilespmem:$0x1FE80]  }
0xb0: {  	v6 =	vsel vm10, v6, v7;
	v4 =	vsel vm8, v47, v62  }
0xb1: {  	v0 =	vadd.f32 v6, v0;
	v54 =	vadd.s32 $0x1A00, v4  }
0xb2: {  	v8 =	vsel vm11, v8, v9;
	v5 =	vld.idx.msk [tilespmem:v60+s4+$0x0], $0xffff  }
0xb3: {  	v0 =	vadd.f32 v8, v0;
	vm0 =	vnez.u8 v59;
	v1 =	vld.idx.msk [tilespmem:v1+s4+$0x0], $0xffff;
	v57 =	vadd.s32 $0x1A02, v4  }
0xb4: {  	v8 =	vsel vm0, v10, v11;
	vm0 =	vnez.u8 v61  }
0xb5: {  	v0 =	vadd.f32 v8, v0;
	v8 =	vsel vm0, v12, v13;
	v13 =	vld [tilespmem:$0x1FE90]  }
0xb6: {  	v60 =	vld.idx.msk [tilespmem:v54+s4+$0x0], $0xffff  }
0xb7: {  	v54 =	vld [tilespmem:$0x1FEA0]  }
0xb8: {  	v5 =	vsel vm8, v5, v1;
	v1 =	vsel vm8, v1, v63;
	v63 =	vld.idx.msk [tilespmem:v57+s4+$0x0], $0xffff  }
0xb9: {  	v57 =	vld [tilespmem:$0x1FEB0]  }
0xba: {  	v61 =	vld [tilespmem:$0x1FEC0];
	v0 =	vadd.f32 v8, v0;
	vm0 =	vnez.u8 v13  }
0xbb: {  	v10 =	vsel vm0, v14, v15  }
0xbc: {  	vm0 =	vnez.u8 v54;
	v0 =	vadd.f32 v10, v0  }
0xbd: {  	v12 =	vsel vm0, v16, v17  }
0xbe: {  	vm0 =	vnez.u8 v57;
	v0 =	vadd.f32 v12, v0  }
0xbf: {  	v12 =	vsel vm0, v18, v19;
	vm0 =	vnez.u8 v61  }
0xc0: {  	v0 =	vadd.f32 v12, v0;
	v12 =	vsel vm0, v20, v21;
	v20 =	vld [tilespmem:$0x1FED0];
	_ =	sdelay $0x4  }
0xc1: {  	vm0 =	vnez.u8 v20  }
0xc2: {  	v56 =	vadd.s32 $0x1A01, v4;
	v14 =	vsel vm0, v22, v23;
	v23 =	vld [tilespmem:$0x1FEE0]  }
0xc3: {  	v62 =	vadd.s32 $0x1, v4;
	vm9 =	vle.f32 v5, v1  }
0xc4: {  	v9 =	vsel vm9, v4, v62  }
0xc5: {  	v48 =	vadd.s32 $0x1B00, v9  }
0xc6: {  	v51 =	vadd.s32 $0x1B01, v9  }
0xc7: {  	v6 =	vld.idx.msk [tilespmem:v56+s4+$0x0], $0xffff;
	v56 =	vadd.s32 $0x1B02, v9;
	vm0 =	vnez.u8 v23  }
0xc8: {  	v16 =	vsel vm0, v24, v25;
	v24 =	vld [tilespmem:$0x1FEF0];
	_ =	sdelay $0x1  }
0xc9: {  	v59 =	vld.idx.msk [tilespmem:v48+s4+$0x0], $0xffff;
	v0 =	vadd.f32 v12, v0  }
0xca: {  	v10 =	vld.idx.msk [tilespmem:v51+s4+$0x0], $0xffff  }
0xcb: {  	v7 =	vsel vm9, v60, v6;
	v62 =	vld.idx.msk [tilespmem:v56+s4+$0x0], $0xffff;
	v0 =	vadd.f32 v14, v0  }
0xcc: {  	v6 =	vsel vm9, v6, v63;
	v60 =	vadd.s32 $0x1, v9;
	vm0 =	vnez.u8 v24  }
0xcd: {  	vm1 =	vle.f32 v7, v6;
	v0 =	vadd.f32 v16, v0;
	v16 =	vsel vm0, v26, v27;
	v27 =	vld [tilespmem:$0x1FF00]  }
0xce: {  	v11 =	vsel vm1, v9, v60  }
0xcf: {  	v21 =	vadd.s32 $0x1C01, v11  }
0xd0: {  	v8 =	vsel vm1, v59, v10;
	v10 =	vsel vm1, v10, v62;
	v22 =	vadd.s32 $0x1C02, v11  }
0xd1: {  	v63 =	vadd.s32 $0x1C00, v11;
	v26 =	vadd.s32 $0x1, v11;
	vm0 =	vle.f32 v8, v10  }
0xd2: {  	v13 =	vsel vm0, v11, v26;
	vm10 =	vnez.u8 v27  }
0xd3: {  	v0 =	vadd.f32 v16, v0;
	v16 =	vsel vm10, v30, v31;
	v30 =	vadd.s32 $0x1D00, v13  }
0xd4: {  	v15 =	vld.idx.msk [tilespmem:v21+s4+$0x0], $0xffff;
	v31 =	vsel vm15, v34, v35;
	v34 =	vadd.s32 $0x1D01, v13  }
0xd5: {  	v14 =	vld.idx.msk [tilespmem:v22+s4+$0x0], $0xffff;
	v35 =	vadd.s32 $0x1D02, v13  }
0xd6: {  	v25 =	vld.idx.msk [tilespmem:v63+s4+$0x0], $0xffff  }
0xd7: {  	v0 =	vadd.f32 v16, v0  }
0xd8: {  	v16 =	vld.idx.msk [tilespmem:v30+s4+$0x0], $0xffff  }
0xd9: {  	v0 =	vadd.f32 v31, v0;
	v54 =	vld.idx.msk [tilespmem:v34+s4+$0x0], $0xffff  }
0xda: {  	v38 =	vsel vm5, v37, v38;
	v1 =	vsel vm9, v5, v1;
	v48 =	vsel vm6, v39, v41;
	v17 =	vld.idx.msk [tilespmem:v35+s4+$0x0], $0xffff  }
0xdb: {  	v12 =	vsel vm0, v25, v15;
	v14 =	vsel vm0, v15, v14;
	v0 =	vadd.f32 v38, v0  }
0xdc: {  	v56 =	vsel vm4, v43, v44;
	v51 =	vadd.s32 $0x1, v13;
	vm5 =	vle.f32 v12, v14  }
0xdd: {  	v60 =	vsel vm7, v45, v46;
	v18 =	vsel vm5, v13, v51;
	v0 =	vadd.f32 v48, v0  }
0xde: {  	v62 =	vsel vm3, v52, v53;
	v57 =	vadd.s32 $0x1E00, v18;
	v59 =	vadd.s32 $0x1E01, v18  }
0xdf: {  	v0 =	vadd.f32 v56, v0;
	v16 =	vsel vm5, v16, v54;
	v15 =	vsel vm5, v54, v17  }
0xe0: {  	v5 =	vld [tilespmem:$0x1FF40];
	v61 =	vadd.s32 $0x1E02, v18;
	v30 =	vadd.s32 $0x1, v18;
	vm3 =	vle.f32 v16, v15  }
0xe1: {  	v39 =	vld [tilespmem:$0x1FF20];
	v0 =	vadd.f32 v60, v0;
	v21 =	vsel vm3, v18, v30  }
0xe2: {  	v45 =	vld [tilespmem:$0x1FF60];
	v41 =	vadd.s32 $0x1F01, v21  }
0xe3: {  	v63 =	vld.idx.msk [tilespmem:v57+s4+$0x0], $0xffff;
	v0 =	vadd.f32 v62, v0;
	v43 =	vadd.s32 $0x1F02, v21  }
0xe4: {  	v2 =	vsel vm8, v2, v3;
	v3 =	vimm.s32 $0x0;
	v27 =	vsel vm14, v55, v49;
	v19 =	vld.idx.msk [tilespmem:v59+s4+$0x0], $0xffff  }
0xe5: {  	v3 =	vsel vm13, $0xFFFFFFFF, v3;
	vm4 =	vmmov $0x1;
	v31 =	vld.idx.msk [tilespmem:v61+s4+$0x0], $0xffff;
	v0 =	vadd.f32 v27, v0  }
0xe6: {  	vm6 =	vnez.u8 v5;
	v6 =	vsel vm1, v7, v6;
	v34 =	vsel vm2, v58, v50;
	v48 =	vld [tilespmem:$0x1FF70]  }
0xe7: {  	v37 =	vsel vm4, v28, v29;
	v35 =	vimm.s32 $0x0;
	v0 =	vadd.f32 v34, v0;
	v46 =	vld.idx.msk [tilespmem:v41+s4+$0x0], $0xffff  }
0xe8: {  	v23 =	vsel vm4, $0xFFFFFFFF, v35;
	vm4 =	vnez.u8 v39;
	v38 =	vadd.s32 $0x1F00, v21;
	v49 =	vld.idx.msk [tilespmem:v43+s4+$0x0], $0xffff  }
0xe9: {  	v55 =	vimm.s32 $0x0;
	[tilespmem:$0x1FF10] =	vst v23;
	v23 =	vsel vm4, v37, v32;
	v0 =	vadd.f32 v2, v0;
	v2 =	vld [tilespmem:$0x1FF50]  }
0xea: {  	[tilespmem:$0x1FF30] =	vst v3;
	v8 =	vsel vm0, v8, v10;
	v51 =	vld [tilespmem:$0x1FF80];
	v10 =	vsel vm12, $0xFFFFFFFF, v55;
	v3 =	vsel vm13, v23, v33  }
0xeb: {  	vm4 =	vnez.u8 v45;
	v3 =	vsel vm6, v3, v36;
	v54 =	vsel vm5, v12, v14  }
0xec: {  	v52 =	vld [tilespmem:$0x1FF90];
	v5 =	vsel vm3, v63, v19;
	v44 =	vsel vm3, v19, v31;
	v0 =	vadd.f32 v1, v0  }
0xed: {  	vm6 =	vnez.u8 v48;
	v61 =	vsel vm3, v16, v15;
	vm2 =	vle.f32 v5, v44;
	v1 =	vld.idx.msk [tilespmem:v38+s4+$0x0], $0xffff  }
0xee: {  	v56 =	vld [tilespmem:$0x1FFB0];
	v0 =	vadd.f32 v6, v0;
	v6 =	vsel vm2, v46, v49;
	vm7 =	vnez.u8 v2  }
0xef: {  	v2 =	vsel vm7, v3, v40;
	v3 =	vadd.s32 $0x1, v21;
	vm7 =	vnez.u8 v51  }
0xf0: {  	v57 =	vld [tilespmem:$0x1FFC0];
	v0 =	vadd.f32 v8, v0;
	v2 =	vsel vm4, v2, v42;
	v3 =	vsel vm2, v21, v3  }
0xf1: {  	v59 =	vld [tilespmem:$0x1FFD0];
	vm4 =	vnez.u8 v52;
	v2 =	vsel vm6, v2, v47;
	v50 =	vadd.s32 $0x2000, v3  }
0xf2: {  	v62 =	vld [tilespmem:$0x1FFE0];
	v1 =	vsel vm2, v1, v46;
	v53 =	vadd.s32 $0x2002, v3;
	v2 =	vsel vm7, v2, v4  }
0xf3: {  	v63 =	vld [tilespmem:$0x1FFF0];
	vm6 =	vnez.u8 v56;
	v4 =	vadd.s32 $0x2001, v3;
	v2 =	vsel vm4, v2, v9  }
0xf4: {  	v0 =	vadd.f32 v54, v0;
	v60 =	vadd.s32 $0x1, v3;
	v2 =	vsel vm12, v2, v11  }
0xf5: {  	vm5 =	vle.f32 v1, v6;
	vm7 =	vnez.u8 v57;
	v2 =	vsel vm6, v2, v13  }
0xf6: {  	vm10 =	vmmov vm6;
	vm4 =	vnez.u8 v59;
	v2 =	vsel vm7, v2, v18;
	v58 =	vld.idx.msk [tilespmem:v50+s4+$0x0], $0xffff  }
0xf7: {  	vm14 =	vmmov vm7;
	vm6 =	vnez.u8 v62;
	v8 =	vld.idx.msk [tilespmem:v53+s4+$0x0], $0xffff;
	v2 =	vsel vm4, v2, v21  }
0xf8: {  	vm7 =	vnez.u8 v63;
	v4 =	vld.idx.msk [tilespmem:v4+s4+$0x0], $0xffff;
	v2 =	vsel vm6, v2, v3;
	v3 =	vsel vm5, v3, v60  }
0xf9: {  	[tilespmem:$0x1FFA0] =	vst v10;
	v0 =	vadd.f32 v61, v0;
	v2 =	vsel vm7, v2, v3  }
0xfa: {  	s31 =	simm.s32 $0x2;
	v5 =	vsel vm2, v5, v44;
	[tilespmem:$0x10210] =	vst v2  }
0xfb: {  	v1 =	vsel vm5, v1, v6;
	v0 =	vadd.f32 v5, v0;
	_ =	swait.ge [sflag:s31], $0x5000  }
0xfc: {  	s5 =	simm.s32 $0x30;
	s6 =	simm.s32 $0x10220;
	vm11 =	vmmov vm4;
	vm12 =	vmmov vm6;
	vm13 =	vmmov vm7;
	[sflag:s31] =	ssyncset.done $0x0  }
0xfd: {  	s3 =	sadd.s32 $0xE00, s2;
	s2 =	sadd.s32 $0x1000, s2;
	v0 =	vadd.f32 v1, v0;
	v1 =	vsel vm5, v58, v4;
	v2 =	vsel vm5, v4, v8;
	[sflag:s31] =	ssyncadd.s32 $0xFFFFB000  }
.LBB2_1:
0xfe: {  	s7 =	sshll.u32 s5, $0x8;
	v4 =	vand.u32 $0xFFFFFFF8, v3  }
0xff: {  	v5 =	vand.u32 $0x7, v3;
	v8 =	vadd.s32 $0x2, v3;
	vm15 =	vle.f32 v1, v2;
	s8 =	sadd.s32 $0xFFFFF100, s7  }
0x100: {  	v9 =	vand.u32 $0xFFFFFFF8, v8;
	v8 =	vand.u32 $0x7, v8;
	v4 =	vadd.s32 s8, v4  }
0x101: {  	v9 =	vadd.s32 s8, v9;
	v4 =	vor.u32 v5, v4;
	v5 =	vadd.s32 $0x1, v3  }
0x102: {  	v47 =	vor.u32 v8, v9;
	v6 =	vand.u32 $0xFFFFFFF8, v5;
	v3 =	vsel vm15, v3, v5  }
0x103: {  	v7 =	vand.u32 $0x7, v5;
	v6 =	vadd.s32 s8, v6;
	v48 =	vand.u32 $0xFFFFFFF8, v3  }
0x104: {  	s17 =	sadd.s32 $0xFFFFF200, s7;
	v49 =	vand.u32 $0x7, v3;
	v10 =	vadd.s32 $0x1, v3;
	v5 =	vor.u32 v7, v6  }
0x105: {  	v11 =	vadd.s32 $0x2, v3;
	v7 =	vadd.s32 s17, v48;
	v50 =	vand.u32 $0xFFFFFFF8, v10  }
0x106: {  	v51 =	vand.u32 $0x7, v10;
	v7 =	vor.u32 v49, v7;
	v8 =	vadd.s32 s17, v50  }
0x107: {  	v52 =	vand.u32 $0xFFFFFFF8, v11;
	v4 =	vld.idx.msk [tilespmem:v4+s4+$0x0], $0xffff;
	v8 =	vor.u32 v51, v8  }
0x108: {  	v11 =	vand.u32 $0x7, v11;
	v9 =	vadd.s32 s17, v52;
	v6 =	vld.idx.msk [tilespmem:v47+s4+$0x0], $0xffff  }
0x109: {  	v11 =	vor.u32 v11, v9;
	v5 =	vld.idx.msk [tilespmem:v5+s4+$0x0], $0xffff;
	_ =	sdelay $0x1  }
0x10a: {  	v7 =	vld.idx.msk [tilespmem:v7+s4+$0x0], $0xffff  }
0x10b: {  	v12 =	vld.idx.msk [tilespmem:v8+s4+$0x0], $0xffff;
	_ =	sdelay $0x1  }
0x10c: {  	v8 =	vsel vm15, v4, v5;
	v9 =	vsel vm15, v5, v6;
	v5 =	vld.idx.msk [tilespmem:v11+s4+$0x0], $0xffff  }
0x10d: {  	vm0 =	vle.f32 v8, v9  }
0x10e: {  	v4 =	vsel vm0, v3, v10  }
0x10f: {  	v7 =	vsel vm0, v7, v12;
	v53 =	vand.u32 $0xFFFFFFF8, v4  }
0x110: {  	s18 =	sadd.s32 $0xFFFFF300, s7;
	v54 =	vand.u32 $0x7, v4;
	v13 =	vadd.s32 $0x1, v4;
	v56 =	vadd.s32 $0x2, v4  }
0x111: {  	v6 =	vadd.s32 s18, v53;
	v10 =	vsel vm0, v12, v5;
	v5 =	vand.u32 $0xFFFFFFF8, v13  }
0x112: {  	v55 =	vand.u32 $0x7, v13;
	v6 =	vor.u32 v54, v6;
	v5 =	vadd.s32 s18, v5  }
0x113: {  	vm1 =	vle.f32 v7, v10;
	v11 =	vor.u32 v55, v5;
	v5 =	vand.u32 $0xFFFFFFF8, v56  }
0x114: {  	v12 =	vand.u32 $0x7, v56;
	v14 =	vadd.s32 s18, v5;
	v5 =	vsel vm1, v4, v13  }
0x115: {  	v12 =	vor.u32 v12, v14;
	v13 =	vand.u32 $0xFFFFFFF8, v5  }
0x116: {  	s19 =	sadd.s32 $0xFFFFF400, s7;
	v57 =	vand.u32 $0x7, v5;
	v17 =	vadd.s32 $0x1, v5;
	v15 =	vadd.s32 $0x2, v5  }
0x117: {  	v13 =	vadd.s32 s19, v13;
	v58 =	vand.u32 $0xFFFFFFF8, v17;
	v16 =	vand.u32 $0x7, v17  }
0x118: {  	v18 =	vand.u32 $0xFFFFFFF8, v15;
	v13 =	vor.u32 v57, v13;
	v14 =	vadd.s32 s19, v58  }
0x119: {  	v6 =	vld.idx.msk [tilespmem:v6+s4+$0x0], $0xffff;
	v15 =	vand.u32 $0x7, v15;
	v59 =	vadd.s32 s19, v18;
	v14 =	vor.u32 v16, v14  }
0x11a: {  	v11 =	vld.idx.msk [tilespmem:v11+s4+$0x0], $0xffff;
	v18 =	vor.u32 v15, v59  }
0x11b: {  	v12 =	vld.idx.msk [tilespmem:v12+s4+$0x0], $0xffff;
	_ =	sdelay $0x1  }
0x11c: {  	v13 =	vld.idx.msk [tilespmem:v13+s4+$0x0], $0xffff  }
0x11d: {  	v14 =	vld.idx.msk [tilespmem:v14+s4+$0x0], $0xffff  }
0x11e: {  	v60 =	vld.idx.msk [tilespmem:v18+s4+$0x0], $0xffff  }
0x11f: {  	v15 =	vsel vm1, v6, v11;
	v16 =	vsel vm1, v11, v12  }
0x120: {  	vm3 =	vle.f32 v15, v16  }
0x121: {  	v6 =	vsel vm3, v5, v17  }
0x122: {  	v17 =	vand.u32 $0xFFFFFFF8, v6;
	v12 =	vsel vm3, v13, v14;
	v61 =	vand.u32 $0x7, v6  }
0x123: {  	s20 =	sadd.s32 $0xFFFFF500, s7;
	v13 =	vsel vm3, v14, v60;
	v63 =	vadd.s32 $0x1, v6;
	v19 =	vadd.s32 $0x2, v6  }
0x124: {  	v17 =	vadd.s32 s20, v17;
	v23 =	vand.u32 $0xFFFFFFF8, v63;
	v24 =	vand.u32 $0x7, v63  }
0x125: {  	v20 =	vand.u32 $0xFFFFFFF8, v19;
	vm2 =	vle.f32 v12, v13;
	v19 =	vand.u32 $0x7, v19  }
0x126: {  	v62 =	vor.u32 v61, v17;
	v17 =	vadd.s32 s20, v23;
	v20 =	vadd.s32 s20, v20  }
0x127: {  	v11 =	vsel vm2, v6, v63;
	v17 =	vor.u32 v24, v17;
	v25 =	vor.u32 v19, v20  }
0x128: {  	s21 =	sadd.s32 $0xFFFFF600, s7;
	v26 =	vand.u32 $0xFFFFFFF8, v11;
	v27 =	vand.u32 $0x7, v11;
	v21 =	vadd.s32 $0x1, v11  }
0x129: {  	v23 =	vadd.s32 $0x2, v11;
	v19 =	vadd.s32 s21, v26;
	v28 =	vand.u32 $0xFFFFFFF8, v21  }
0x12a: {  	v22 =	vand.u32 $0x7, v21;
	v19 =	vor.u32 v27, v19;
	v20 =	vadd.s32 s21, v28  }
0x12b: {  	v29 =	vand.u32 $0xFFFFFFF8, v23;
	v20 =	vor.u32 v22, v20;
	v14 =	vld.idx.msk [tilespmem:v62+s4+$0x0], $0xffff  }
0x12c: {  	v23 =	vand.u32 $0x7, v23;
	v22 =	vadd.s32 s21, v29;
	v17 =	vld.idx.msk [tilespmem:v17+s4+$0x0], $0xffff  }
0x12d: {  	v22 =	vor.u32 v23, v22;
	v24 =	vld.idx.msk [tilespmem:v25+s4+$0x0], $0xffff;
	_ =	sdelay $0x1  }
0x12e: {  	v30 =	vld.idx.msk [tilespmem:v19+s4+$0x0], $0xffff  }
0x12f: {  	v20 =	vld.idx.msk [tilespmem:v20+s4+$0x0], $0xffff;
	_ =	sdelay $0x1  }
0x130: {  	v22 =	vld.idx.msk [tilespmem:v22+s4+$0x0], $0xffff;
	v18 =	vsel vm2, v14, v17;
	v19 =	vsel vm2, v17, v24  }
0x131: {  	vm4 =	vle.f32 v18, v19  }
0x132: {  	v14 =	vsel vm4, v11, v21  }
0x133: {  	v17 =	vsel vm4, v30, v20;
	v21 =	vand.u32 $0xFFFFFFF8, v14  }
0x134: {  	s22 =	sadd.s32 $0xFFFFF700, s7;
	v31 =	vand.u32 $0x7, v14;
	v32 =	vadd.s32 $0x1, v14;
	v25 =	vadd.s32 $0x2, v14  }
0x135: {  	v21 =	vadd.s32 s22, v21;
	v22 =	vsel vm4, v20, v22;
	v33 =	vand.u32 $0xFFFFFFF8, v32  }
0x136: {  	v34 =	vand.u32 $0x7, v32;
	v35 =	vand.u32 $0xFFFFFFF8, v25;
	v25 =	vand.u32 $0x7, v25  }
0x137: {  	v21 =	vor.u32 v31, v21;
	v20 =	vadd.s32 s22, v33;
	vm5 =	vle.f32 v17, v22  }
0x138: {  	v26 =	vadd.s32 s22, v35;
	v23 =	vor.u32 v34, v20;
	v20 =	vsel vm5, v14, v32  }
0x139: {  	v36 =	vor.u32 v25, v26;
	v37 =	vand.u32 $0xFFFFFFF8, v20  }
0x13a: {  	s23 =	sadd.s32 $0xFFFFF800, s7;
	v38 =	vand.u32 $0x7, v20;
	v27 =	vadd.s32 $0x1, v20;
	v28 =	vadd.s32 $0x2, v20  }
0x13b: {  	v25 =	vadd.s32 s23, v37;
	v39 =	vand.u32 $0xFFFFFFF8, v27;
	v29 =	vand.u32 $0x7, v27  }
0x13c: {  	v30 =	vand.u32 $0xFFFFFFF8, v28;
	v25 =	vor.u32 v38, v25;
	v26 =	vadd.s32 s23, v39;
	v21 =	vld.idx.msk [tilespmem:v21+s4+$0x0], $0xffff  }
0x13d: {  	v28 =	vand.u32 $0x7, v28;
	v40 =	vadd.s32 s23, v30;
	v26 =	vor.u32 v29, v26;
	v23 =	vld.idx.msk [tilespmem:v23+s4+$0x0], $0xffff  }
0x13e: {  	v28 =	vor.u32 v28, v40;
	v24 =	vld.idx.msk [tilespmem:v36+s4+$0x0], $0xffff;
	_ =	sdelay $0x2  }
0x13f: {  	v41 =	vld.idx.msk [tilespmem:v25+s4+$0x0], $0xffff  }
0x140: {  	v42 =	vld.idx.msk [tilespmem:v26+s4+$0x0], $0xffff  }
0x141: {  	v43 =	vld.idx.msk [tilespmem:v28+s4+$0x0], $0xffff;
	v25 =	vsel vm5, v21, v23;
	v26 =	vsel vm5, v23, v24  }
0x142: {  	vm6 =	vle.f32 v25, v26  }
0x143: {  	v23 =	vsel vm6, v20, v27  }
0x144: {  	v44 =	vand.u32 $0xFFFFFFF8, v23  }
0x145: {  	s24 =	sadd.s32 $0xFFFFF900, s7;
	v45 =	vand.u32 $0x7, v23;
	v46 =	vadd.s32 $0x1, v23;
	v31 =	vadd.s32 $0x2, v23  }
0x146: {  	v27 =	vsel vm6, v41, v42;
	v24 =	vadd.s32 s24, v44;
	v28 =	vsel vm6, v42, v43  }
0x147: {  	v47 =	vand.u32 $0xFFFFFFF8, v46;
	v48 =	vand.u32 $0x7, v46;
	v32 =	vand.u32 $0xFFFFFFF8, v31  }
0x148: {  	v31 =	vand.u32 $0x7, v31;
	v24 =	vor.u32 v45, v24;
	v29 =	vadd.s32 s24, v47  }
0x149: {  	vm7 =	vle.f32 v27, v28;
	v32 =	vadd.s32 s24, v32;
	v29 =	vor.u32 v48, v29  }
0x14a: {  	v21 =	vsel vm7, v23, v46;
	v49 =	vor.u32 v31, v32  }
0x14b: {  	s25 =	sadd.s32 $0xFFFFFA00, s7;
	v50 =	vand.u32 $0xFFFFFFF8, v21;
	v51 =	vand.u32 $0x7, v21;
	v33 =	vadd.s32 $0x1, v21  }
0x14c: {  	v35 =	vadd.s32 $0x2, v21;
	v31 =	vadd.s32 s25, v50;
	v52 =	vand.u32 $0xFFFFFFF8, v33  }
0x14d: {  	v34 =	vand.u32 $0x7, v33;
	v31 =	vor.u32 v51, v31;
	v32 =	vadd.s32 s25, v52;
	v24 =	vld.idx.msk [tilespmem:v24+s4+$0x0], $0xffff  }
0x14e: {  	v53 =	vand.u32 $0xFFFFFFF8, v35;
	v32 =	vor.u32 v34, v32;
	v29 =	vld.idx.msk [tilespmem:v29+s4+$0x0], $0xffff  }
0x14f: {  	v35 =	vand.u32 $0x7, v35;
	v34 =	vadd.s32 s25, v53;
	v30 =	vld.idx.msk [tilespmem:v49+s4+$0x0], $0xffff  }
0x150: {  	v34 =	vor.u32 v35, v34;
	_ =	sdelay $0x1  }
0x151: {  	v31 =	vld.idx.msk [tilespmem:v31+s4+$0x0], $0xffff  }
0x152: {  	v32 =	vld.idx.msk [tilespmem:v32+s4+$0x0], $0xffff  }
0x153: {  	v35 =	vsel vm7, v24, v29;
	v30 =	vsel vm7, v29, v30  }
0x154: {  	v54 =	vld.idx.msk [tilespmem:v34+s4+$0x0], $0xffff;
	vm8 =	vle.f32 v35, v30  }
0x155: {  	v24 =	vsel vm8, v21, v33  }
0x156: {  	v33 =	vand.u32 $0xFFFFFFF8, v24;
	v55 =	vand.u32 $0x7, v24  }
0x157: {  	s26 =	sadd.s32 $0xFFFFFB00, s7;
	v36 =	vadd.s32 $0x1, v24;
	v37 =	vadd.s32 $0x2, v24;
	v31 =	vsel vm8, v31, v32  }
0x158: {  	v33 =	vadd.s32 s26, v33;
	v56 =	vand.u32 $0xFFFFFFF8, v36;
	v57 =	vand.u32 $0x7, v36  }
0x159: {  	v58 =	vand.u32 $0xFFFFFFF8, v37;
	v32 =	vsel vm8, v32, v54;
	v33 =	vor.u32 v55, v33  }
0x15a: {  	v37 =	vand.u32 $0x7, v37;
	v29 =	vadd.s32 s26, v56;
	vm9 =	vle.f32 v31, v32  }
0x15b: {  	v38 =	vadd.s32 s26, v58;
	v34 =	vor.u32 v57, v29;
	v29 =	vsel vm9, v24, v36  }
0x15c: {  	s28 =	sadd.s32 $0xFFFFFC00, s7;
	v59 =	vor.u32 v37, v38;
	v60 =	vand.u32 $0xFFFFFFF8, v29  }
0x15d: {  	v1 =	vsel vm15, v1, v2;
	v39 =	vadd.s32 $0x1, v29;
	v37 =	vadd.s32 s28, v60;
	v60 =	vld [tilespmem:$0x1FF10]  }
0x15e: {  	v0 =	vadd.f32 v1, v0;
	v62 =	vand.u32 $0xFFFFFFF8, v39;
	v33 =	vld.idx.msk [tilespmem:v33+s4+$0x0], $0xffff  }
0x15f: {  	v61 =	vand.u32 $0x7, v29;
	v40 =	vadd.s32 $0x2, v29;
	v38 =	vadd.s32 s28, v62;
	v62 =	vld [tilespmem:$0x1FF20]  }
0x160: {  	v41 =	vand.u32 $0x7, v39;
	v42 =	vand.u32 $0xFFFFFFF8, v40;
	v37 =	vor.u32 v61, v37;
	v34 =	vld.idx.msk [tilespmem:v34+s4+$0x0], $0xffff  }
0x161: {  	v40 =	vand.u32 $0x7, v40;
	v63 =	vadd.s32 s28, v42;
	v38 =	vor.u32 v41, v38;
	v36 =	vld.idx.msk [tilespmem:v59+s4+$0x0], $0xffff  }
0x162: {  	v8 =	vsel vm0, v8, v9;
	v40 =	vor.u32 v40, v63  }
0x163: {  	v0 =	vadd.f32 v8, v0  }
0x164: {  	v7 =	vsel vm1, v7, v10;
	v18 =	vsel vm4, v18, v19;
	vm4 =	vnez.u8 v60  }
0x165: {  	v0 =	vadd.f32 v7, v0;
	v12 =	vsel vm2, v12, v13;
	v2 =	vld.idx.msk [tilespmem:v37+s4+$0x0], $0xffff;
	v3 =	vsel vm4, v3, v4  }
0x166: {  	vm4 =	vnez.u8 v62;
	v1 =	vld.idx.msk [tilespmem:v38+s4+$0x0], $0xffff;
	v9 =	vsel vm9, v33, v34;
	v33 =	vsel vm9, v34, v36  }
0x167: {  	v38 =	vld.idx.msk [tilespmem:v40+s4+$0x0], $0xffff;
	v40 =	vsel vm3, v15, v16;
	v3 =	vsel vm4, v3, v5;
	vm0 =	vle.f32 v9, v33  }
0x168: {  	v5 =	vsel vm5, v17, v22;
	v0 =	vadd.f32 v40, v0;
	v8 =	vsel vm0, v29, v39  }
0x169: {  	s29 =	sadd.s32 $0xFFFFFD00, s7;
	v41 =	vand.u32 $0xFFFFFFF8, v8;
	v42 =	vand.u32 $0x7, v8;
	v43 =	vadd.s32 $0x1, v8  }
0x16a: {  	v63 =	vld [tilespmem:$0x1FF30];
	v46 =	vadd.s32 $0x2, v8;
	v0 =	vadd.f32 v12, v0;
	v10 =	vadd.s32 s29, v41  }
0x16b: {  	v44 =	vand.u32 $0xFFFFFFF8, v43;
	v45 =	vand.u32 $0x7, v43;
	v47 =	vand.u32 $0xFFFFFFF8, v46  }
0x16c: {  	v36 =	vand.u32 $0x7, v46;
	v2 =	vsel vm0, v2, v1;
	v1 =	vsel vm0, v1, v38  }
0x16d: {  	v10 =	vor.u32 v42, v10;
	v16 =	vadd.s32 s29, v44;
	v37 =	vadd.s32 s29, v47  }
0x16e: {  	v0 =	vadd.f32 v18, v0;
	vm1 =	vle.f32 v2, v1;
	v16 =	vor.u32 v45, v16  }
0x16f: {  	v19 =	vld [tilespmem:$0x1FF40];
	vm5 =	vnez.u8 v63;
	v48 =	vor.u32 v36, v37;
	v15 =	vsel vm1, v8, v43  }
0x170: {  	v22 =	vsel vm6, v25, v26;
	v26 =	vld [tilespmem:$0x1FF50];
	v0 =	vadd.f32 v5, v0;
	v49 =	vand.u32 $0xFFFFFFF8, v15  }
0x171: {  	s30 =	sadd.s32 $0xFFFFFE00, s7;
	v34 =	vld [tilespmem:$0x1FF60];
	v50 =	vand.u32 $0x7, v15;
	v51 =	vadd.s32 $0x1, v15;
	v55 =	vadd.s32 $0x2, v15  }
0x172: {  	v36 =	vadd.s32 s30, v49;
	v53 =	vand.u32 $0xFFFFFFF8, v51;
	v54 =	vand.u32 $0x7, v51;
	v10 =	vld.idx.msk [tilespmem:v10+s4+$0x0], $0xffff  }
0x173: {  	v57 =	vand.u32 $0xFFFFFFF8, v55;
	v52 =	vor.u32 v50, v36;
	v36 =	vadd.s32 s30, v53;
	v58 =	vld.idx.msk [tilespmem:v16+s4+$0x0], $0xffff  }
0x174: {  	v59 =	vand.u32 $0x7, v55;
	v56 =	vor.u32 v54, v36;
	v36 =	vadd.s32 s30, v57;
	v61 =	vld.idx.msk [tilespmem:v48+s4+$0x0], $0xffff  }
0x175: {  	vm4 =	vnez.u8 v19;
	v3 =	vsel vm5, v3, v6;
	v37 =	vld [tilespmem:$0x1FF70];
	v4 =	vor.u32 v59, v36  }
0x176: {  	v3 =	vsel vm4, v3, v11;
	vm5 =	vnez.u8 v26;
	v0 =	vadd.f32 v22, v0  }
0x177: {  	v25 =	vsel vm7, v27, v28;
	vm6 =	vnez.u8 v34;
	v3 =	vsel vm5, v3, v14;
	v57 =	vld [tilespmem:$0x1FF80]  }
0x178: {  	v3 =	vsel vm6, v3, v20;
	v0 =	vadd.f32 v25, v0;
	v18 =	vld.idx.msk [tilespmem:v52+s4+$0x0], $0xffff  }
0x179: {  	v36 =	vsel vm8, v35, v30;
	v5 =	vld.idx.msk [tilespmem:v56+s4+$0x0], $0xffff;
	v27 =	vsel vm1, v10, v58;
	v28 =	vsel vm1, v58, v61  }
0x17a: {  	vm7 =	vnez.u8 v37;
	v0 =	vadd.f32 v36, v0;
	v4 =	vld.idx.msk [tilespmem:v4+s4+$0x0], $0xffff;
	vm2 =	vle.f32 v27, v28  }
0x17b: {  	v40 =	vsel vm9, v31, v32;
	v3 =	vsel vm7, v3, v23;
	v39 =	vsel vm2, v15, v51  }
0x17c: {  	v0 =	vadd.f32 v40, v0;
	vm4 =	vnez.u8 v57;
	v41 =	vand.u32 $0xFFFFFFF8, v39  }
0x17d: {  	s31 =	sadd.s32 $0xFFFFFF00, s7;
	v42 =	vand.u32 $0x7, v39;
	v43 =	vadd.s32 $0x1, v39;
	v46 =	vadd.s32 $0x2, v39  }
0x17e: {  	v14 =	vadd.s32 s31, v41;
	v44 =	vand.u32 $0xFFFFFFF8, v43;
	v45 =	vand.u32 $0x7, v43  }
0x17f: {  	v47 =	vand.u32 $0xFFFFFFF8, v46;
	v6 =	vsel vm2, v18, v5;
	v4 =	vsel vm2, v5, v4  }
0x180: {  	v18 =	vand.u32 $0x7, v46;
	v16 =	vadd.s32 s31, v47;
	vm3 =	vle.f32 v6, v4  }
0x181: {  	v5 =	vor.u32 v42, v14;
	v14 =	vadd.s32 s31, v44;
	v17 =	vsel vm3, v39, v43  }
0x182: {  	v59 =	vld [tilespmem:$0x1FF90];
	v48 =	vor.u32 v18, v16;
	v14 =	vor.u32 v45, v14;
	v49 =	vand.u32 $0xFFFFFFF8, v17  }
0x183: {  	v60 =	vld [tilespmem:$0x1FFA0];
	v50 =	vand.u32 $0x7, v17;
	v51 =	vadd.s32 $0x1, v17;
	v53 =	vadd.s32 $0x2, v17  }
0x184: {  	v16 =	vadd.s32 s7, v49;
	v52 =	vand.u32 $0xFFFFFFF8, v51;
	v54 =	vand.u32 $0x7, v51  }
0x185: {  	v55 =	vand.u32 $0xFFFFFFF8, v53;
	v16 =	vor.u32 v50, v16;
	v18 =	vadd.s32 s7, v52  }
0x186: {  	v20 =	vand.u32 $0x7, v53;
	v5 =	vld.idx.msk [tilespmem:v5+s4+$0x0], $0xffff;
	v56 =	vadd.s32 s7, v55;
	v18 =	vor.u32 v54, v18  }
0x187: {  	v3 =	vsel vm4, v3, v21;
	vm5 =	vnez.u8 v59;
	v12 =	vld.idx.msk [tilespmem:v48+s4+$0x0], $0xffff;
	v58 =	vor.u32 v20, v56  }
0x188: {  	v9 =	vsel vm0, v9, v33;
	vm6 =	vnez.u8 v60;
	v3 =	vsel vm5, v3, v24;
	v14 =	vld.idx.msk [tilespmem:v14+s4+$0x0], $0xffff  }
0x189: {  	v0 =	vadd.f32 v9, v0;
	v3 =	vsel vm6, v3, v29  }
0x18a: {  	v1 =	vsel vm1, v2, v1;
	v2 =	vsel vm10, v3, v8;
	v61 =	vld.idx.msk [tilespmem:v16+s4+$0x0], $0xffff  }
0x18b: {  	v0 =	vadd.f32 v1, v0;
	v1 =	vsel vm14, v2, v15;
	v2 =	vld.idx.msk [tilespmem:v18+s4+$0x0], $0xffff  }
0x18c: {  	p0 =	sne.s32 s5, $0x70;
	v3 =	vsel vm2, v27, v28;
	v63 =	vld.idx.msk [tilespmem:v58+s4+$0x0], $0xffff  }
.Ltmp0:
0x18d: {  	v0 =	vadd.f32 v3, v0;
	v5 =	vsel vm3, v5, v14;
	v62 =	vsel vm3, v14, v12;
	(pc) =	sbr.rel @p0 .LBB2_1-.Ltmp0, $4  }
0x18e: {  	v1 =	vsel vm11, v1, v39;
	v4 =	vsel vm3, v6, v4;
	vm7 =	vle.f32 v5, v62  }
0x18f: {  	v1 =	vsel vm12, v1, v17;
	v0 =	vadd.f32 v4, v0;
	v3 =	vsel vm7, v17, v51  }
0x190: {  	v4 =	vsel vm7, v5, v62;
	v1 =	vsel vm13, v1, v3  }
0x191: {  	s5 =	sadd.s32 $0x10, s5;
	v0 =	vadd.f32 v4, v0;
	[tilespmem:s6+$0x0] =	vst v1;
	s6 =	sadd.s32 $0x10, s6;
	v1 =	vsel vm7, v61, v2;
	v2 =	vsel vm7, v2, v63  }
0x192: {  	v4 =	vadd.s32 $0x7100, v3  }
0x193: {  	s4 =	simm.s32 $0x3;
	v5 =	vadd.s32 $0x7101, v3  }
0x194: {  	v6 =	vadd.s32 $0x7102, v3;
	_ =	swait.ge [sflag:s4], $0x8000  }
0x195: {  	[sflag:s4] =	ssyncset.done $0x0  }
0x196: {  	[sflag:s4] =	ssyncadd.s32 $0xFFFF8000;
	s4 =	simm.s32 $0x0  }
0x197: {  	v4 =	vld.idx.msk [tilespmem:v4+s4+$0x0], $0xffff  }
0x198: {  	v7 =	vadd.s32 $0x1, v3;
	vm0 =	vle.f32 v1, v2;
	v8 =	vld.idx.msk [tilespmem:v5+s4+$0x0], $0xffff  }
0x199: {  	v3 =	vsel vm0, v3, v7;
	v6 =	vld.idx.msk [tilespmem:v6+s4+$0x0], $0xffff  }
0x19a: {  	v7 =	vadd.s32 $0x7200, v3  }
0x19b: {  	v9 =	vadd.s32 $0x7201, v3  }
0x19c: {  	v10 =	vadd.s32 $0x7202, v3;
	_ =	sdelay $0x1  }
0x19d: {  	v5 =	vsel vm0, v4, v8;
	v6 =	vsel vm0, v8, v6  }
0x19e: {  	v7 =	vld.idx.msk [tilespmem:v7+s4+$0x0], $0xffff;
	v4 =	vadd.s32 $0x1, v3;
	vm1 =	vle.f32 v5, v6  }
0x19f: {  	v34 =	vld.idx.msk [tilespmem:v9+s4+$0x0], $0xffff;
	v4 =	vsel vm1, v3, v4  }
0x1a0: {  	v35 =	vld.idx.msk [tilespmem:v10+s4+$0x0], $0xffff;
	v36 =	vadd.s32 $0x7300, v4  }
0x1a1: {  	v11 =	vadd.s32 $0x7301, v4  }
0x1a2: {  	v12 =	vadd.s32 $0x7302, v4  }
0x1a3: {  	v33 =	vimm.s32 $0x0  }
0x1a4: {  	v8 =	vsel vm1, $0xFFFFFFFF, v33  }
0x1a5: {  	v7 =	vsel vm1, v7, v34;
	[tilespmem:$0x1FE50] =	vst v8;
	v8 =	vsel vm1, v34, v35;
	v37 =	vld.idx.msk [tilespmem:v36+s4+$0x0], $0xffff  }
0x1a6: {  	v38 =	vadd.s32 $0x1, v4;
	vm1 =	vle.f32 v7, v8;
	v11 =	vld.idx.msk [tilespmem:v11+s4+$0x0], $0xffff  }
0x1a7: {  	v10 =	vsel vm1, v4, v38;
	v12 =	vld.idx.msk [tilespmem:v12+s4+$0x0], $0xffff  }
0x1a8: {  	v39 =	vadd.s32 $0x7400, v10  }
0x1a9: {  	v14 =	vadd.s32 $0x7401, v10  }
0x1aa: {  	v15 =	vadd.s32 $0x7402, v10;
	_ =	sdelay $0x1  }
0x1ab: {  	v13 =	vimm.s32 $0x0;
	v9 =	vsel vm1, v37, v11;
	v11 =	vsel vm1, v11, v12  }
0x1ac: {  	v13 =	vsel vm1, $0xFFFFFFFF, v13;
	v41 =	vadd.s32 $0x1, v10;
	v40 =	vld.idx.msk [tilespmem:v39+s4+$0x0], $0xffff;
	vm3 =	vle.f32 v9, v11  }
0x1ad: {  	[tilespmem:$0x1FE60] =	vst v13;
	v14 =	vld.idx.msk [tilespmem:v14+s4+$0x0], $0xffff;
	v13 =	vsel vm3, v10, v41  }
0x1ae: {  	v15 =	vld.idx.msk [tilespmem:v15+s4+$0x0], $0xffff;
	v16 =	vadd.s32 $0x7500, v13  }
0x1af: {  	v17 =	vadd.s32 $0x7501, v13  }
0x1b0: {  	v18 =	vadd.s32 $0x7502, v13;
	_ =	sdelay $0x2  }
0x1b1: {  	v12 =	vsel vm3, v40, v14;
	v14 =	vsel vm3, v14, v15;
	v42 =	vld.idx.msk [tilespmem:v16+s4+$0x0], $0xffff  }
0x1b2: {  	v43 =	vadd.s32 $0x1, v13;
	vm4 =	vle.f32 v12, v14;
	v17 =	vld.idx.msk [tilespmem:v17+s4+$0x0], $0xffff  }
0x1b3: {  	v18 =	vld.idx.msk [tilespmem:v18+s4+$0x0], $0xffff;
	v16 =	vsel vm4, v13, v43  }
0x1b4: {  	v19 =	vadd.s32 $0x7600, v16  }
0x1b5: {  	v20 =	vadd.s32 $0x7601, v16  }
0x1b6: {  	v21 =	vadd.s32 $0x7602, v16;
	_ =	sdelay $0x1  }
0x1b7: {  	v15 =	vsel vm4, v42, v17;
	v17 =	vsel vm4, v17, v18  }
0x1b8: {  	v45 =	vadd.s32 $0x1, v16;
	v44 =	vld.idx.msk [tilespmem:v19+s4+$0x0], $0xffff;
	vm5 =	vle.f32 v15, v17  }
0x1b9: {  	v20 =	vld.idx.msk [tilespmem:v20+s4+$0x0], $0xffff;
	v19 =	vsel vm5, v16, v45  }
0x1ba: {  	v21 =	vld.idx.msk [tilespmem:v21+s4+$0x0], $0xffff;
	v22 =	vadd.s32 $0x7700, v19  }
0x1bb: {  	v23 =	vadd.s32 $0x7701, v19  }
0x1bc: {  	v24 =	vadd.s32 $0x7702, v19;
	_ =	sdelay $0x2  }
0x1bd: {  	v18 =	vsel vm5, v44, v20;
	v20 =	vsel vm5, v20, v21;
	v46 =	vld.idx.msk [tilespmem:v22+s4+$0x0], $0xffff  }
0x1be: {  	v47 =	vadd.s32 $0x1, v19;
	vm6 =	vle.f32 v18, v20;
	v23 =	vld.idx.msk [tilespmem:v23+s4+$0x0], $0xffff  }
0x1bf: {  	v24 =	vld.idx.msk [tilespmem:v24+s4+$0x0], $0xffff;
	v22 =	vsel vm6, v19, v47  }
0x1c0: {  	v25 =	vadd.s32 $0x7800, v22  }
0x1c1: {  	v26 =	vadd.s32 $0x7801, v22  }
0x1c2: {  	v27 =	vadd.s32 $0x7802, v22;
	_ =	sdelay $0x1  }
0x1c3: {  	v21 =	vsel vm6, v46, v23;
	v23 =	vsel vm6, v23, v24  }
0x1c4: {  	v49 =	vadd.s32 $0x1, v22;
	v48 =	vld.idx.msk [tilespmem:v25+s4+$0x0], $0xffff;
	vm7 =	vle.f32 v21, v23  }
0x1c5: {  	v26 =	vld.idx.msk [tilespmem:v26+s4+$0x0], $0xffff;
	v25 =	vsel vm7, v22, v49  }
0x1c6: {  	v27 =	vld.idx.msk [tilespmem:v27+s4+$0x0], $0xffff;
	v28 =	vadd.s32 $0x7900, v25  }
0x1c7: {  	v29 =	vadd.s32 $0x7901, v25  }
0x1c8: {  	v30 =	vadd.s32 $0x7902, v25;
	_ =	sdelay $0x2  }
0x1c9: {  	v24 =	vsel vm7, v48, v26;
	v26 =	vsel vm7, v26, v27;
	v50 =	vld.idx.msk [tilespmem:v28+s4+$0x0], $0xffff  }
0x1ca: {  	v51 =	vadd.s32 $0x1, v25;
	vm8 =	vle.f32 v24, v26;
	v29 =	vld.idx.msk [tilespmem:v29+s4+$0x0], $0xffff  }
0x1cb: {  	v30 =	vld.idx.msk [tilespmem:v30+s4+$0x0], $0xffff;
	v28 =	vsel vm8, v25, v51  }
0x1cc: {  	v31 =	vadd.s32 $0x7A00, v28  }
0x1cd: {  	v32 =	vadd.s32 $0x7A01, v28  }
0x1ce: {  	v33 =	vadd.s32 $0x7A02, v28;
	_ =	sdelay $0x1  }
0x1cf: {  	v27 =	vsel vm8, v50, v29;
	v29 =	vsel vm8, v29, v30  }
0x1d0: {  	v53 =	vadd.s32 $0x1, v28;
	v52 =	vld.idx.msk [tilespmem:v31+s4+$0x0], $0xffff;
	vm9 =	vle.f32 v27, v29  }
0x1d1: {  	v32 =	vld.idx.msk [tilespmem:v32+s4+$0x0], $0xffff;
	v31 =	vsel vm9, v28, v53  }
0x1d2: {  	v33 =	vld.idx.msk [tilespmem:v33+s4+$0x0], $0xffff;
	v34 =	vadd.s32 $0x7B00, v31  }
0x1d3: {  	v35 =	vadd.s32 $0x7B01, v31  }
0x1d4: {  	v36 =	vadd.s32 $0x7B02, v31;
	_ =	sdelay $0x2  }
0x1d5: {  	v30 =	vsel vm9, v52, v32;
	v32 =	vsel vm9, v32, v33;
	v54 =	vld.idx.msk [tilespmem:v34+s4+$0x0], $0xffff  }
0x1d6: {  	v55 =	vadd.s32 $0x1, v31;
	vm15 =	vle.f32 v30, v32;
	v35 =	vld.idx.msk [tilespmem:v35+s4+$0x0], $0xffff  }
0x1d7: {  	v36 =	vld.idx.msk [tilespmem:v36+s4+$0x0], $0xffff;
	v34 =	vsel vm15, v31, v55  }
0x1d8: {  	v37 =	vadd.s32 $0x7C00, v34  }
0x1d9: {  	v38 =	vadd.s32 $0x7C01, v34  }
0x1da: {  	v39 =	vadd.s32 $0x7C02, v34  }
0x1db: {  	v59 =	vld [tilespmem:$0x1FE50]  }
0x1dc: {  	v60 =	vld [tilespmem:$0x1FE60];
	v33 =	vsel vm15, v54, v35;
	v35 =	vsel vm15, v35, v36  }
0x1dd: {  	v57 =	vadd.s32 $0x1, v34;
	v56 =	vld.idx.msk [tilespmem:v37+s4+$0x0], $0xffff;
	vm1 =	vle.f32 v33, v35  }
0x1de: {  	v38 =	vld.idx.msk [tilespmem:v38+s4+$0x0], $0xffff;
	v37 =	vsel vm1, v34, v57  }
0x1df: {  	v1 =	vsel vm0, v1, v2;
	v39 =	vld.idx.msk [tilespmem:v39+s4+$0x0], $0xffff;
	v40 =	vadd.s32 $0x7D00, v37  }
0x1e0: {  	v0 =	vadd.f32 v1, v0;
	v62 =	vld [tilespmem:$0x1FF10];
	vm2 =	vnez.u8 v59;
	v41 =	vadd.s32 $0x7D01, v37  }
0x1e1: {  	v63 =	vld [tilespmem:$0x1FF20];
	v5 =	vsel vm2, v5, v6;
	v42 =	vadd.s32 $0x7D02, v37  }
0x1e2: {  	v0 =	vadd.f32 v5, v0;
	vm2 =	vnez.u8 v60;
	v12 =	vsel vm4, v12, v14;
	v14 =	vld [tilespmem:$0x1FF30]  }
0x1e3: {  	v7 =	vsel vm2, v7, v8;
	v15 =	vsel vm5, v15, v17;
	v17 =	vld [tilespmem:$0x1FF40]  }
0x1e4: {  	v0 =	vadd.f32 v7, v0;
	v36 =	vsel vm1, v56, v38;
	v38 =	vsel vm1, v38, v39;
	v2 =	vld.idx.msk [tilespmem:v40+s4+$0x0], $0xffff  }
0x1e5: {  	v7 =	vsel vm3, v9, v11;
	v1 =	vadd.s32 $0x1, v37;
	vm0 =	vle.f32 v36, v38;
	v58 =	vld.idx.msk [tilespmem:v41+s4+$0x0], $0xffff  }
0x1e6: {  	vm2 =	vnez.u8 v62;
	v0 =	vadd.f32 v7, v0;
	v6 =	vld.idx.msk [tilespmem:v42+s4+$0x0], $0xffff;
	v1 =	vsel vm0, v37, v1  }
0x1e7: {  	v3 =	vsel vm2, v3, v4;
	v43 =	vld [tilespmem:$0x1FF60];
	v5 =	vadd.s32 $0x7E00, v1  }
0x1e8: {  	vm2 =	vnez.u8 v63;
	v0 =	vadd.f32 v12, v0;
	v45 =	vld [tilespmem:$0x1FF70];
	v61 =	vadd.s32 $0x7E01, v1  }
0x1e9: {  	v3 =	vsel vm2, v3, v10;
	vm3 =	vnez.u8 v14;
	v47 =	vld [tilespmem:$0x1FF80];
	v4 =	vadd.s32 $0x7E02, v1  }
0x1ea: {  	v3 =	vsel vm3, v3, v13;
	v0 =	vadd.f32 v15, v0;
	vm3 =	vnez.u8 v17;
	v40 =	vld [tilespmem:$0x1FF50]  }
0x1eb: {  	v52 =	vld [tilespmem:$0x1FF90];
	v42 =	vsel vm6, v18, v20;
	v2 =	vsel vm0, v2, v58;
	v6 =	vsel vm0, v58, v6  }
0x1ec: {  	v7 =	vadd.s32 $0x1, v1;
	v0 =	vadd.f32 v42, v0;
	v5 =	vld.idx.msk [tilespmem:v5+s4+$0x0], $0xffff;
	vm2 =	vle.f32 v2, v6  }
0x1ed: {  	v3 =	vsel vm3, v3, v16;
	v46 =	vsel vm7, v21, v23;
	v8 =	vld.idx.msk [tilespmem:v61+s4+$0x0], $0xffff;
	v7 =	vsel vm2, v1, v7  }
0x1ee: {  	v51 =	vsel vm8, v24, v26;
	v0 =	vadd.f32 v46, v0;
	v4 =	vld.idx.msk [tilespmem:v4+s4+$0x0], $0xffff;
	v39 =	vadd.s32 $0x7F00, v7  }
0x1ef: {  	vm6 =	vnez.u8 v43;
	vm3 =	vnez.u8 v40;
	v41 =	vadd.s32 $0x7F01, v7  }
0x1f0: {  	v54 =	vld [tilespmem:$0x1FFA0];
	v0 =	vadd.f32 v51, v0;
	v3 =	vsel vm3, v3, v19;
	v44 =	vadd.s32 $0x7F02, v7  }
0x1f1: {  	v53 =	vsel vm9, v27, v29;
	v3 =	vsel vm6, v3, v22;
	vm6 =	vnez.u8 v45  }
0x1f2: {  	vm4 =	vnez.u8 v52;
	v0 =	vadd.f32 v53, v0;
	v3 =	vsel vm6, v3, v25  }
0x1f3: {  	vm6 =	vnez.u8 v47;
	v5 =	vsel vm2, v5, v8;
	v4 =	vsel vm2, v8, v4;
	v48 =	vld.idx.msk [tilespmem:v39+s4+$0x0], $0xffff  }
0x1f4: {  	v49 =	vadd.s32 $0x1, v7;
	v3 =	vsel vm6, v3, v28;
	vm3 =	vle.f32 v5, v4;
	v50 =	vld.idx.msk [tilespmem:v41+s4+$0x0], $0xffff  }
0x1f5: {  	v3 =	vsel vm4, v3, v31;
	vm4 =	vnez.u8 v54;
	v12 =	vld.idx.msk [tilespmem:v44+s4+$0x0], $0xffff;
	v9 =	vsel vm3, v7, v49  }
0x1f6: {  	v57 =	vsel vm15, v30, v32;
	v3 =	vsel vm4, v3, v34;
	v55 =	vadd.s32 $0x8000, v9  }
0x1f7: {  	v0 =	vadd.f32 v57, v0;
	v3 =	vsel vm10, v3, v37;
	v56 =	vadd.s32 $0x8001, v9  }
0x1f8: {  	v59 =	vsel vm1, v33, v35;
	v1 =	vsel vm14, v3, v1;
	v3 =	vadd.s32 $0x8002, v9  }
0x1f9: {  	v10 =	vadd.f32 v59, v0  }
0x1fa: {  	v1 =	vsel vm11, v1, v7;
	v7 =	vsel vm3, v48, v50;
	v58 =	vsel vm3, v50, v12  }
0x1fb: {  	v62 =	vsel vm0, v36, v38;
	v61 =	vadd.s32 $0x1, v9;
	v60 =	vld.idx.msk [tilespmem:v55+s4+$0x0], $0xffff;
	vm7 =	vle.f32 v7, v58  }
0x1fc: {  	v63 =	vadd.f32 v62, v10;
	v1 =	vsel vm12, v1, v9;
	v14 =	vld.idx.msk [tilespmem:v56+s4+$0x0], $0xffff;
	v0 =	vsel vm7, v9, v61  }
0x1fd: {  	s5 =	sshll.u32 s1, $0x5;
	v2 =	vsel vm2, v2, v6;
	v3 =	vld.idx.msk [tilespmem:v3+s4+$0x0], $0xffff;
	v1 =	vsel vm13, v1, v0  }
0x1fe: {  	s7 =	simm.s32 $0x10200;
	s31 =	simm.s32 $0x4;
	s6 =	sadd.s32 s3, s5;
	[tilespmem:$0x10270] =	vst v1;
	v1 =	vadd.f32 v2, v63  }
0x1ff: {  	v2 =	vsel vm3, v5, v4;
	[hbm4b:s6+s4] =	stream.linear.scatter [tilespmem:s7], [sflag:$0x4], $0x80, $0x38;
	[tilespmem:$0x10310] =	vst v63  }
0x200: {  	v1 =	vadd.f32 v2, v1;
	_ =	swait.ge [sflag:s31], $0x80  }
0x201: {  	v2 =	vsel vm7, v7, v58;
	[sflag:s31] =	ssyncset.done $0x0  }
0x202: {  	s6 =	simm.s32 $0x81;
	s7 =	simm.s32 $0x10280;
	v3 =	vsel vm7, v14, v3;
	v4 =	vsel vm7, v60, v14;
	v1 =	vadd.f32 v2, v1;
	[sflag:s31] =	ssyncadd.s32 $0xFFFFFF80  }
.LBB2_3:
0x203: {  	v2 =	vand.u32 $0xFFFFFFF8, v0;
	s8 =	sshll.u32 s6, $0x8  }
0x204: {  	v5 =	vand.u32 $0x7, v0;
	v8 =	vadd.s32 $0x2, v0;
	v2 =	vadd.s32 s8, v2  }
0x205: {  	vm15 =	vle.f32 v4, v3;
	v2 =	vor.u32 v5, v2;
	v5 =	vadd.s32 $0x1, v0  }
0x206: {  	v9 =	vand.u32 $0xFFFFFFF8, v8;
	v8 =	vand.u32 $0x7, v8;
	v6 =	vand.u32 $0xFFFFFFF8, v5  }
0x207: {  	v7 =	vand.u32 $0x7, v5;
	v0 =	vsel vm15, v0, v5;
	v6 =	vadd.s32 s8, v6  }
0x208: {  	v9 =	vadd.s32 s8, v9;
	v50 =	vand.u32 $0x7, v0;
	v5 =	vor.u32 v7, v6  }
0x209: {  	s9 =	sadd.s32 $0x100, s8;
	v10 =	vadd.s32 $0x1, v0;
	v6 =	vor.u32 v8, v9;
	v7 =	vand.u32 $0xFFFFFFF8, v0  }
0x20a: {  	v11 =	vadd.s32 $0x2, v0;
	v51 =	vand.u32 $0xFFFFFFF8, v10;
	v7 =	vadd.s32 s9, v7  }
0x20b: {  	v52 =	vand.u32 $0x7, v10;
	v8 =	vadd.s32 s9, v51;
	v7 =	vor.u32 v50, v7  }
0x20c: {  	v53 =	vand.u32 $0xFFFFFFF8, v11;
	v2 =	vld.idx.msk [tilespmem:v2+s4+$0x0], $0xffff;
	v8 =	vor.u32 v52, v8  }
0x20d: {  	v11 =	vand.u32 $0x7, v11;
	v9 =	vadd.s32 s9, v53;
	v5 =	vld.idx.msk [tilespmem:v5+s4+$0x0], $0xffff  }
0x20e: {  	v11 =	vor.u32 v11, v9;
	v6 =	vld.idx.msk [tilespmem:v6+s4+$0x0], $0xffff;
	_ =	sdelay $0x1  }
0x20f: {  	v7 =	vld.idx.msk [tilespmem:v7+s4+$0x0], $0xffff  }
0x210: {  	v12 =	vld.idx.msk [tilespmem:v8+s4+$0x0], $0xffff;
	_ =	sdelay $0x1  }
0x211: {  	v8 =	vsel vm15, v2, v5;
	v9 =	vsel vm15, v5, v6;
	v5 =	vld.idx.msk [tilespmem:v11+s4+$0x0], $0xffff  }
0x212: {  	vm0 =	vle.f32 v8, v9  }
0x213: {  	v2 =	vsel vm0, v0, v10  }
0x214: {  	v7 =	vsel vm0, v7, v12;
	v6 =	vand.u32 $0xFFFFFFF8, v2  }
0x215: {  	s18 =	sadd.s32 $0x200, s8;
	v54 =	vand.u32 $0x7, v2;
	v13 =	vadd.s32 $0x1, v2;
	v56 =	vadd.s32 $0x2, v2  }
0x216: {  	v6 =	vadd.s32 s18, v6;
	v10 =	vsel vm0, v12, v5;
	v5 =	vand.u32 $0xFFFFFFF8, v13  }
0x217: {  	v55 =	vand.u32 $0x7, v13;
	v6 =	vor.u32 v54, v6;
	v5 =	vadd.s32 s18, v5  }
0x218: {  	vm1 =	vle.f32 v7, v10;
	v11 =	vor.u32 v55, v5;
	v5 =	vand.u32 $0xFFFFFFF8, v56  }
0x219: {  	v12 =	vand.u32 $0x7, v56;
	v14 =	vadd.s32 s18, v5;
	v5 =	vsel vm1, v2, v13  }
0x21a: {  	v12 =	vor.u32 v12, v14;
	v13 =	vand.u32 $0xFFFFFFF8, v5  }
0x21b: {  	s19 =	sadd.s32 $0x300, s8;
	v57 =	vand.u32 $0x7, v5;
	v17 =	vadd.s32 $0x1, v5;
	v15 =	vadd.s32 $0x2, v5  }
0x21c: {  	v13 =	vadd.s32 s19, v13;
	v58 =	vand.u32 $0xFFFFFFF8, v17;
	v16 =	vand.u32 $0x7, v17  }
0x21d: {  	v18 =	vand.u32 $0xFFFFFFF8, v15;
	v13 =	vor.u32 v57, v13;
	v14 =	vadd.s32 s19, v58  }
0x21e: {  	v6 =	vld.idx.msk [tilespmem:v6+s4+$0x0], $0xffff;
	v15 =	vand.u32 $0x7, v15;
	v59 =	vadd.s32 s19, v18;
	v14 =	vor.u32 v16, v14  }
0x21f: {  	v11 =	vld.idx.msk [tilespmem:v11+s4+$0x0], $0xffff;
	v18 =	vor.u32 v15, v59  }
0x220: {  	v12 =	vld.idx.msk [tilespmem:v12+s4+$0x0], $0xffff;
	_ =	sdelay $0x1  }
0x221: {  	v13 =	vld.idx.msk [tilespmem:v13+s4+$0x0], $0xffff  }
0x222: {  	v14 =	vld.idx.msk [tilespmem:v14+s4+$0x0], $0xffff  }
0x223: {  	v60 =	vld.idx.msk [tilespmem:v18+s4+$0x0], $0xffff  }
0x224: {  	v15 =	vsel vm1, v6, v11;
	v16 =	vsel vm1, v11, v12  }
0x225: {  	vm3 =	vle.f32 v15, v16  }
0x226: {  	v6 =	vsel vm3, v5, v17  }
0x227: {  	v17 =	vand.u32 $0xFFFFFFF8, v6;
	v12 =	vsel vm3, v13, v14;
	v61 =	vand.u32 $0x7, v6  }
0x228: {  	s20 =	sadd.s32 $0x400, s8;
	v13 =	vsel vm3, v14, v60;
	v63 =	vadd.s32 $0x1, v6;
	v19 =	vadd.s32 $0x2, v6  }
0x229: {  	v17 =	vadd.s32 s20, v17;
	v23 =	vand.u32 $0xFFFFFFF8, v63;
	v24 =	vand.u32 $0x7, v63  }
0x22a: {  	v20 =	vand.u32 $0xFFFFFFF8, v19;
	vm2 =	vle.f32 v12, v13;
	v19 =	vand.u32 $0x7, v19  }
0x22b: {  	v62 =	vor.u32 v61, v17;
	v17 =	vadd.s32 s20, v23;
	v20 =	vadd.s32 s20, v20  }
0x22c: {  	v11 =	vsel vm2, v6, v63;
	v17 =	vor.u32 v24, v17;
	v25 =	vor.u32 v19, v20  }
0x22d: {  	s21 =	sadd.s32 $0x500, s8;
	v26 =	vand.u32 $0xFFFFFFF8, v11;
	v27 =	vand.u32 $0x7, v11;
	v21 =	vadd.s32 $0x1, v11  }
0x22e: {  	v23 =	vadd.s32 $0x2, v11;
	v19 =	vadd.s32 s21, v26;
	v28 =	vand.u32 $0xFFFFFFF8, v21  }
0x22f: {  	v22 =	vand.u32 $0x7, v21;
	v19 =	vor.u32 v27, v19;
	v20 =	vadd.s32 s21, v28  }
0x230: {  	v29 =	vand.u32 $0xFFFFFFF8, v23;
	v20 =	vor.u32 v22, v20;
	v14 =	vld.idx.msk [tilespmem:v62+s4+$0x0], $0xffff  }
0x231: {  	v23 =	vand.u32 $0x7, v23;
	v22 =	vadd.s32 s21, v29;
	v17 =	vld.idx.msk [tilespmem:v17+s4+$0x0], $0xffff  }
0x232: {  	v22 =	vor.u32 v23, v22;
	v24 =	vld.idx.msk [tilespmem:v25+s4+$0x0], $0xffff;
	_ =	sdelay $0x1  }
0x233: {  	v30 =	vld.idx.msk [tilespmem:v19+s4+$0x0], $0xffff  }
0x234: {  	v20 =	vld.idx.msk [tilespmem:v20+s4+$0x0], $0xffff;
	_ =	sdelay $0x1  }
0x235: {  	v22 =	vld.idx.msk [tilespmem:v22+s4+$0x0], $0xffff;
	v18 =	vsel vm2, v14, v17;
	v19 =	vsel vm2, v17, v24  }
0x236: {  	vm4 =	vle.f32 v18, v19  }
0x237: {  	v14 =	vsel vm4, v11, v21  }
0x238: {  	v17 =	vsel vm4, v30, v20;
	v21 =	vand.u32 $0xFFFFFFF8, v14  }
0x239: {  	s22 =	sadd.s32 $0x600, s8;
	v31 =	vand.u32 $0x7, v14;
	v32 =	vadd.s32 $0x1, v14;
	v25 =	vadd.s32 $0x2, v14  }
0x23a: {  	v21 =	vadd.s32 s22, v21;
	v22 =	vsel vm4, v20, v22;
	v33 =	vand.u32 $0xFFFFFFF8, v32  }
0x23b: {  	v34 =	vand.u32 $0x7, v32;
	v35 =	vand.u32 $0xFFFFFFF8, v25;
	v25 =	vand.u32 $0x7, v25  }
0x23c: {  	v21 =	vor.u32 v31, v21;
	v20 =	vadd.s32 s22, v33;
	vm5 =	vle.f32 v17, v22  }
0x23d: {  	v26 =	vadd.s32 s22, v35;
	v23 =	vor.u32 v34, v20;
	v20 =	vsel vm5, v14, v32  }
0x23e: {  	v36 =	vor.u32 v25, v26;
	v37 =	vand.u32 $0xFFFFFFF8, v20  }
0x23f: {  	s23 =	sadd.s32 $0x700, s8;
	v38 =	vand.u32 $0x7, v20;
	v27 =	vadd.s32 $0x1, v20;
	v28 =	vadd.s32 $0x2, v20  }
0x240: {  	v25 =	vadd.s32 s23, v37;
	v39 =	vand.u32 $0xFFFFFFF8, v27;
	v29 =	vand.u32 $0x7, v27  }
0x241: {  	v30 =	vand.u32 $0xFFFFFFF8, v28;
	v25 =	vor.u32 v38, v25;
	v26 =	vadd.s32 s23, v39;
	v21 =	vld.idx.msk [tilespmem:v21+s4+$0x0], $0xffff  }
0x242: {  	v28 =	vand.u32 $0x7, v28;
	v40 =	vadd.s32 s23, v30;
	v26 =	vor.u32 v29, v26;
	v23 =	vld.idx.msk [tilespmem:v23+s4+$0x0], $0xffff  }
0x243: {  	v28 =	vor.u32 v28, v40;
	v24 =	vld.idx.msk [tilespmem:v36+s4+$0x0], $0xffff;
	_ =	sdelay $0x2  }
0x244: {  	v41 =	vld.idx.msk [tilespmem:v25+s4+$0x0], $0xffff  }
0x245: {  	v42 =	vld.idx.msk [tilespmem:v26+s4+$0x0], $0xffff  }
0x246: {  	v43 =	vld.idx.msk [tilespmem:v28+s4+$0x0], $0xffff;
	v25 =	vsel vm5, v21, v23;
	v26 =	vsel vm5, v23, v24  }
0x247: {  	vm6 =	vle.f32 v25, v26  }
0x248: {  	v24 =	vsel vm6, v20, v27  }
0x249: {  	v44 =	vand.u32 $0xFFFFFFF8, v24  }
0x24a: {  	s24 =	sadd.s32 $0x800, s8;
	v45 =	vand.u32 $0x7, v24;
	v46 =	vadd.s32 $0x1, v24;
	v31 =	vadd.s32 $0x2, v24  }
0x24b: {  	v27 =	vsel vm6, v41, v42;
	v23 =	vadd.s32 s24, v44;
	v28 =	vsel vm6, v42, v43  }
0x24c: {  	v47 =	vand.u32 $0xFFFFFFF8, v46;
	v48 =	vand.u32 $0x7, v46;
	v32 =	vand.u32 $0xFFFFFFF8, v31  }
0x24d: {  	v31 =	vand.u32 $0x7, v31;
	v23 =	vor.u32 v45, v23;
	v29 =	vadd.s32 s24, v47  }
0x24e: {  	vm7 =	vle.f32 v27, v28;
	v32 =	vadd.s32 s24, v32;
	v29 =	vor.u32 v48, v29  }
0x24f: {  	v21 =	vsel vm7, v24, v46;
	v49 =	vor.u32 v31, v32  }
0x250: {  	s25 =	sadd.s32 $0x900, s8;
	v50 =	vand.u32 $0xFFFFFFF8, v21;
	v51 =	vand.u32 $0x7, v21;
	v33 =	vadd.s32 $0x1, v21  }
0x251: {  	v35 =	vadd.s32 $0x2, v21;
	v31 =	vadd.s32 s25, v50;
	v52 =	vand.u32 $0xFFFFFFF8, v33  }
0x252: {  	v34 =	vand.u32 $0x7, v33;
	v31 =	vor.u32 v51, v31;
	v32 =	vadd.s32 s25, v52;
	v23 =	vld.idx.msk [tilespmem:v23+s4+$0x0], $0xffff  }
0x253: {  	v53 =	vand.u32 $0xFFFFFFF8, v35;
	v32 =	vor.u32 v34, v32;
	v29 =	vld.idx.msk [tilespmem:v29+s4+$0x0], $0xffff  }
0x254: {  	v35 =	vand.u32 $0x7, v35;
	v34 =	vadd.s32 s25, v53;
	v30 =	vld.idx.msk [tilespmem:v49+s4+$0x0], $0xffff  }
0x255: {  	v34 =	vor.u32 v35, v34;
	_ =	sdelay $0x1  }
0x256: {  	v31 =	vld.idx.msk [tilespmem:v31+s4+$0x0], $0xffff  }
0x257: {  	v32 =	vld.idx.msk [tilespmem:v32+s4+$0x0], $0xffff  }
0x258: {  	v35 =	vsel vm7, v23, v29;
	v30 =	vsel vm7, v29, v30  }
0x259: {  	v54 =	vld.idx.msk [tilespmem:v34+s4+$0x0], $0xffff;
	vm8 =	vle.f32 v35, v30  }
0x25a: {  	v23 =	vsel vm8, v21, v33  }
0x25b: {  	v33 =	vand.u32 $0xFFFFFFF8, v23;
	v55 =	vand.u32 $0x7, v23  }
0x25c: {  	s26 =	sadd.s32 $0xA00, s8;
	v36 =	vadd.s32 $0x1, v23;
	v37 =	vadd.s32 $0x2, v23;
	v31 =	vsel vm8, v31, v32  }
0x25d: {  	v33 =	vadd.s32 s26, v33;
	v56 =	vand.u32 $0xFFFFFFF8, v36;
	v57 =	vand.u32 $0x7, v36  }
0x25e: {  	v58 =	vand.u32 $0xFFFFFFF8, v37;
	v32 =	vsel vm8, v32, v54;
	v33 =	vor.u32 v55, v33  }
0x25f: {  	v37 =	vand.u32 $0x7, v37;
	v29 =	vadd.s32 s26, v56;
	vm9 =	vle.f32 v31, v32  }
0x260: {  	v38 =	vadd.s32 s26, v58;
	v34 =	vor.u32 v57, v29;
	v29 =	vsel vm9, v23, v36  }
0x261: {  	v3 =	vsel vm15, v4, v3;
	v59 =	vor.u32 v37, v38;
	v60 =	vand.u32 $0xFFFFFFF8, v29  }
0x262: {  	s28 =	sadd.s32 $0xB00, s8;
	v61 =	vand.u32 $0x7, v29;
	v39 =	vadd.s32 $0x1, v29;
	v40 =	vadd.s32 $0x2, v29  }
0x263: {  	v37 =	vadd.s32 s28, v60;
	v62 =	vand.u32 $0xFFFFFFF8, v39;
	v41 =	vand.u32 $0x7, v39;
	v33 =	vld.idx.msk [tilespmem:v33+s4+$0x0], $0xffff  }
0x264: {  	v42 =	vand.u32 $0xFFFFFFF8, v40;
	v37 =	vor.u32 v61, v37;
	v38 =	vadd.s32 s28, v62;
	v61 =	vld [tilespmem:$0x1FF10]  }
0x265: {  	v40 =	vand.u32 $0x7, v40;
	v63 =	vadd.s32 s28, v42;
	v38 =	vor.u32 v41, v38;
	v34 =	vld.idx.msk [tilespmem:v34+s4+$0x0], $0xffff  }
0x266: {  	v1 =	vadd.f32 v3, v1;
	v40 =	vor.u32 v40, v63;
	v36 =	vld.idx.msk [tilespmem:v59+s4+$0x0], $0xffff  }
0x267: {  	v8 =	vsel vm0, v8, v9;
	v63 =	vld [tilespmem:$0x1FF20]  }
0x268: {  	v1 =	vadd.f32 v8, v1  }
0x269: {  	v7 =	vsel vm1, v7, v10;
	v4 =	vld.idx.msk [tilespmem:v37+s4+$0x0], $0xffff  }
0x26a: {  	v1 =	vadd.f32 v7, v1;
	v7 =	vsel vm3, v15, v16;
	v18 =	vsel vm4, v18, v19;
	v3 =	vld.idx.msk [tilespmem:v38+s4+$0x0], $0xffff  }
0x26b: {  	vm4 =	vnez.u8 v61;
	v9 =	vsel vm9, v33, v34;
	v33 =	vsel vm9, v34, v36;
	v42 =	vld.idx.msk [tilespmem:v40+s4+$0x0], $0xffff  }
0x26c: {  	v0 =	vsel vm4, v0, v2;
	vm4 =	vnez.u8 v63;
	vm0 =	vle.f32 v9, v33  }
0x26d: {  	v0 =	vsel vm4, v0, v5;
	v5 =	vsel vm5, v17, v22;
	v8 =	vsel vm0, v29, v39  }
0x26e: {  	s29 =	sadd.s32 $0xC00, s8;
	v43 =	vand.u32 $0xFFFFFFF8, v8;
	v44 =	vand.u32 $0x7, v8;
	v45 =	vadd.s32 $0x1, v8  }
0x26f: {  	v48 =	vadd.s32 $0x2, v8;
	v10 =	vadd.s32 s29, v43;
	v46 =	vand.u32 $0xFFFFFFF8, v45  }
0x270: {  	v47 =	vand.u32 $0x7, v45;
	v4 =	vsel vm0, v4, v3;
	v3 =	vsel vm0, v3, v42  }
0x271: {  	v49 =	vand.u32 $0xFFFFFFF8, v48;
	v36 =	vand.u32 $0x7, v48;
	vm1 =	vle.f32 v4, v3  }
0x272: {  	v22 =	vld [tilespmem:$0x1FF30];
	v10 =	vor.u32 v44, v10;
	v16 =	vadd.s32 s29, v46;
	v15 =	vsel vm1, v8, v45  }
0x273: {  	s30 =	sadd.s32 $0xD00, s8;
	v37 =	vadd.s32 s29, v49;
	v16 =	vor.u32 v47, v16;
	v51 =	vand.u32 $0xFFFFFFF8, v15  }
0x274: {  	v50 =	vor.u32 v36, v37;
	v52 =	vand.u32 $0x7, v15;
	v36 =	vadd.s32 s30, v51  }
0x275: {  	v1 =	vadd.f32 v7, v1;
	v27 =	vsel vm7, v27, v28;
	v28 =	vld [tilespmem:$0x1FF50];
	v7 =	vor.u32 v52, v36  }
0x276: {  	v12 =	vsel vm2, v12, v13;
	v39 =	vld [tilespmem:$0x1FF70];
	v53 =	vadd.s32 $0x1, v15  }
0x277: {  	vm5 =	vnez.u8 v22;
	v56 =	vadd.s32 $0x2, v15;
	v54 =	vand.u32 $0xFFFFFFF8, v53;
	v10 =	vld.idx.msk [tilespmem:v10+s4+$0x0], $0xffff  }
0x278: {  	v55 =	vand.u32 $0x7, v53;
	v58 =	vand.u32 $0xFFFFFFF8, v56;
	v36 =	vadd.s32 s30, v54;
	v59 =	vld.idx.msk [tilespmem:v16+s4+$0x0], $0xffff  }
0x279: {  	v60 =	vand.u32 $0x7, v56;
	v57 =	vor.u32 v55, v36;
	v36 =	vadd.s32 s30, v58;
	v62 =	vld.idx.msk [tilespmem:v50+s4+$0x0], $0xffff  }
0x27a: {  	v1 =	vadd.f32 v12, v1;
	v0 =	vsel vm5, v0, v6;
	v2 =	vor.u32 v60, v36;
	v6 =	vld.idx.msk [tilespmem:v7+s4+$0x0], $0xffff  }
0x27b: {  	v7 =	vld [tilespmem:$0x1FF40]  }
0x27c: {  	v1 =	vadd.f32 v18, v1;
	v36 =	vld [tilespmem:$0x1FF60]  }
0x27d: {  	v58 =	vld [tilespmem:$0x1FF80]  }
0x27e: {  	v41 =	vsel vm9, v31, v32;
	v1 =	vadd.f32 v5, v1;
	v5 =	vld.idx.msk [tilespmem:v57+s4+$0x0], $0xffff  }
0x27f: {  	v37 =	vsel vm8, v35, v30;
	vm5 =	vnez.u8 v28;
	vm7 =	vnez.u8 v39;
	v2 =	vld.idx.msk [tilespmem:v2+s4+$0x0], $0xffff  }
0x280: {  	v34 =	vsel vm1, v59, v62;
	vm4 =	vnez.u8 v7;
	v7 =	vsel vm6, v25, v26  }
0x281: {  	vm6 =	vnez.u8 v36;
	v0 =	vsel vm4, v0, v11;
	v1 =	vadd.f32 v7, v1  }
0x282: {  	v7 =	vsel vm1, v10, v59;
	vm4 =	vnez.u8 v58;
	v0 =	vsel vm5, v0, v14  }
0x283: {  	vm2 =	vle.f32 v7, v34;
	v0 =	vsel vm6, v0, v20;
	v1 =	vadd.f32 v27, v1  }
0x284: {  	v40 =	vsel vm2, v15, v53;
	v6 =	vsel vm2, v6, v5;
	v2 =	vsel vm2, v5, v2  }
0x285: {  	s31 =	sadd.s32 $0xE00, s8;
	v42 =	vand.u32 $0xFFFFFFF8, v40;
	v43 =	vand.u32 $0x7, v40;
	v44 =	vadd.s32 $0x1, v40  }
0x286: {  	v47 =	vadd.s32 $0x2, v40;
	vm3 =	vle.f32 v6, v2;
	v14 =	vadd.s32 s31, v42  }
0x287: {  	v45 =	vand.u32 $0xFFFFFFF8, v44;
	v46 =	vand.u32 $0x7, v44;
	v48 =	vand.u32 $0xFFFFFFF8, v47  }
0x288: {  	v18 =	vand.u32 $0x7, v47;
	v17 =	vsel vm3, v40, v44;
	v1 =	vadd.f32 v37, v1  }
0x289: {  	v5 =	vor.u32 v43, v14;
	v14 =	vadd.s32 s31, v45;
	v16 =	vadd.s32 s31, v48  }
0x28a: {  	v50 =	vand.u32 $0xFFFFFFF8, v17;
	v51 =	vand.u32 $0x7, v17;
	v14 =	vor.u32 v46, v14  }
0x28b: {  	s8 =	sadd.s32 $0xF00, s8;
	v60 =	vld [tilespmem:$0x1FF90];
	v52 =	vadd.s32 $0x1, v17;
	v54 =	vadd.s32 $0x2, v17;
	v49 =	vor.u32 v18, v16  }
0x28c: {  	v61 =	vld [tilespmem:$0x1FFA0];
	v16 =	vadd.s32 s8, v50;
	v53 =	vand.u32 $0xFFFFFFF8, v52;
	v55 =	vand.u32 $0x7, v52  }
0x28d: {  	v56 =	vand.u32 $0xFFFFFFF8, v54;
	v16 =	vor.u32 v51, v16;
	v18 =	vadd.s32 s8, v53  }
0x28e: {  	v20 =	vand.u32 $0x7, v54;
	v57 =	vadd.s32 s8, v56;
	v18 =	vor.u32 v55, v18;
	v5 =	vld.idx.msk [tilespmem:v5+s4+$0x0], $0xffff  }
0x28f: {  	v0 =	vsel vm7, v0, v24;
	v1 =	vadd.f32 v41, v1;
	v59 =	vor.u32 v20, v57;
	v14 =	vld.idx.msk [tilespmem:v14+s4+$0x0], $0xffff  }
0x290: {  	v9 =	vsel vm0, v9, v33;
	vm5 =	vnez.u8 v60;
	v0 =	vsel vm4, v0, v21;
	v12 =	vld.idx.msk [tilespmem:v49+s4+$0x0], $0xffff  }
0x291: {  	vm6 =	vnez.u8 v61;
	v0 =	vsel vm5, v0, v23;
	v1 =	vadd.f32 v9, v1  }
0x292: {  	v3 =	vsel vm1, v4, v3;
	v0 =	vsel vm6, v0, v29;
	v4 =	vld.idx.msk [tilespmem:v16+s4+$0x0], $0xffff  }
0x293: {  	v0 =	vsel vm10, v0, v8;
	v1 =	vadd.f32 v3, v1;
	v3 =	vld.idx.msk [tilespmem:v18+s4+$0x0], $0xffff  }
0x294: {  	p0 =	sne.s32 s6, $0xF1;
	v7 =	vsel vm2, v7, v34;
	v0 =	vsel vm14, v0, v15;
	v63 =	vld.idx.msk [tilespmem:v59+s4+$0x0], $0xffff  }
.Ltmp1:
0x295: {  	v1 =	vadd.f32 v7, v1;
	v5 =	vsel vm3, v5, v14;
	v62 =	vsel vm3, v14, v12;
	(pc) =	sbr.rel @p0 .LBB2_3-.Ltmp1, $4  }
0x296: {  	v2 =	vsel vm3, v6, v2;
	v0 =	vsel vm11, v0, v40;
	vm7 =	vle.f32 v5, v62  }
0x297: {  	v6 =	vsel vm12, v0, v17;
	v1 =	vadd.f32 v2, v1;
	v0 =	vsel vm7, v17, v52  }
0x298: {  	v5 =	vsel vm7, v5, v62;
	v2 =	vsel vm13, v6, v0  }
0x299: {  	s6 =	sadd.s32 $0x10, s6;
	v4 =	vsel vm7, v4, v3;
	v3 =	vsel vm7, v3, v63;
	v1 =	vadd.f32 v5, v1;
	[tilespmem:s7+$0x0] =	vst v2;
	s7 =	sadd.s32 $0x10, s7  }
0x29a: {  	s3 =	sadd.s32 s5, s3;
	s4 =	simm.s32 $0x0  }
0x29b: {  	s28 =	simm.s32 $0x10280;
	s29 =	simm.s32 $0x4;
	s3 =	sadd.s32 $0x10, s3  }
0x29c: {  	[hbm4b:s3+s4] =	stream.linear.scatter [tilespmem:s28], [sflag:$0x4], $0x80, $0x38;
	[tilespmem:$0x10310] =	vst v63  }
0x29d: {  	_ =	swait.ge [sflag:s29], $0x80  }
0x29e: {  	[sflag:s29] =	ssyncset.done $0x0  }
0x29f: {  	s30 =	sshll.u32 s1, $0x1;
	[sflag:s29] =	ssyncadd.s32 $0xFFFFFF80  }
0x2a0: {  	s31 =	simm.s32 $0x10300;
	s2 =	sadd.s32 s2, s30;
	[tilespmem:$0x10300] =	vst v1  }
0x2a1: {  	[hbm4b:s2+s4] =	stream.linear.scatter [tilespmem:s31], [sflag:$0x4], $0x10, $0x38;
	[tilespmem:$0x10310] =	vst v63  }
0x2a2: {  	_ =	swait.ge [sflag:s29], $0x10  }
0x2a3: {  	[sflag:s29] =	ssyncset.done $0x0  }
0x2a4: {  	[sflag:s29] =	ssyncadd.s32 $0xFFFFFFF0  }
0x2a5: {  	_ =	sfence.sel $0x180000  }
0x2a6: {  	[bflag:$0x0] =	sbarrier.arrive $0xFFFF  }
0x2a7: {  	p0 =	sne.s32 s1, $0x0;
	_ =	strace $0x90000047  }
0x2a8: {  	s0 =	sadd.s32 @!p0 $0x100000, s0;
	[bflag:$0x2] =	sbarrier.arrive $0xFFFF  }
0x2a9: {  	[sflag:s0] =	ssyncadd.tile.s32 @!p0 $0x1;
	_ =	shalt  }
.Lfunc_end2:
_tile_overlayer_lowered:
.L_overlay_start_2:
0x2aa: {  	(tag) =	ssettag $0x2  }
0x2ab: {  	s0 =	rddreg [dreg:$0x0];
	s2 =	stileid.u32  }
0x2ac: {  	s1 =	rddreg [dreg:$0x1];
	p0 =	sne.s32 s2, $0x0  }
0x2ad: {  	s3 =	rddreg [dreg:$0x2];
	[bflag:$0x3] =	sbarrier.arrive $0xFFFF;
	s2 =	simm.s32 @!p0 $0x1C04  }
0x2ae: {  	[timem:s3], [sflag:s2] =	dma.local @!p0 [hbm:s0], s1  }
0x2af: {  	s0 =	simm.s32 @!p0 $0x4  }
0x2b0: {  	_ =	swait.ge @!p0 [sflag:s0], s1  }
0x2b1: {  	s1 =	ssub.s32 @!p0 $0x0, s1;
	[sflag:s0] =	ssyncset.done @!p0 $0x0  }
0x2b2: {  	[sflag:s0] =	ssyncadd.s32 @!p0 s1  }
0x2b3: {  	[bflag:$0x3] =	sbarrier.arrive $0xFFFF  }
0x2b4: {  	_ =	shalt  }

</sc_bundles>
